<compile_context>
chip_gen: v7x
topology: tpu7x:2x2x1
jax: 0.10.2.dev20260603
libtpu: 0.0.44.dev20260713+nightly
codegen_flags: <defaults>
</compile_context>

<pallas_src>
import functools

import jax
import jax.numpy as jnp
from jax import lax
from jax.experimental import pallas as pl
from jax.experimental.pallas import tpu as pltpu
from jax.experimental.pallas import tpu_sc as plsc

N = 10000
E = 320000
D = 128
NC = 2
NS = 16
NW = NC * NS
EPT = E // NW
CH = 80
NCHUNK = EPT // CH
RPT = 624
TAIL = N - NS * RPT


def _zero_rows(ref, nrows, ncol16):
    def body(i, c):
        r = i // ncol16
        k = i % ncol16
        ref[r, pl.ds(k * 16, 16)] = jnp.zeros((16,), jnp.float32)
        return c
    lax.fori_loop(0, nrows * ncol16, body, 0)


def _fill_spmem_zero(zblk, sp, rbase, sid):
    nfull = RPT // CH
    rem = RPT - nfull * CH
    for k in range(nfull):
        pltpu.sync_copy(zblk, sp.at[pl.ds(rbase + k * CH, CH)])
    if rem:
        pltpu.sync_copy(zblk.at[pl.ds(0, rem)],
                        sp.at[pl.ds(rbase + nfull * CH, rem)])
    @pl.when(sid == NS - 1)
    def _():
        pltpu.sync_copy(zblk.at[pl.ds(0, TAIL)],
                        sp.at[pl.ds(NS * RPT, TAIL)])


def _sc_feat_body(src_hbm, dst_hbm, y_hbm, acc_out,
                  sidx_a, sidx_b, sidx_c, didx_a, didx_b, didx_c,
                  rows_a, rows_b, rows_c, acc_sp, semg, semsi, semdi, semsc):
    cid = lax.axis_index("c")
    sid = lax.axis_index("s")
    wid = sid * NC + cid
    rbase = sid * RPT
    ebase = wid * EPT

    _zero_rows(rows_a, CH, D // 16)
    _fill_spmem_zero(rows_a, acc_sp, rbase, sid)
    plsc.subcore_barrier()

    rows = (rows_a, rows_b, rows_c)
    sib = (sidx_a, sidx_b, sidx_c)
    dib = (didx_a, didx_b, didx_c)

    def si_load(jj, sl):
        return pltpu.async_copy(
            src_hbm.at[pl.ds(ebase + jj * CH, CH)], sl, semsi)

    def di_load(jj, dl):
        return pltpu.async_copy(
            dst_hbm.at[pl.ds(ebase + jj * CH, CH)], dl, semdi)

    pltpu.sync_copy(src_hbm.at[pl.ds(ebase, CH)], sidx_a)
    pltpu.async_copy(y_hbm.at[sidx_a], rows_a, semg)
    pltpu.sync_copy(src_hbm.at[pl.ds(ebase + CH, CH)], sidx_b)
    pltpu.async_copy(y_hbm.at[sidx_b], rows_b, semg)
    si_load(2, sidx_c)
    di_load(0, didx_a)

    @pl.loop(0, NCHUNK + 2 - ((NCHUNK + 2) % 3), step=3)
    def _(j):
        for b0 in range(3):
            jj = j + b0
            b = b0

            @pl.when(jj < NCHUNK)
            def _():
                pltpu.make_async_copy(y_hbm.at[sib[b]], rows[b], semg).wait()

                def wait_sc_prev():
                    pltpu.make_async_copy(
                        rows[(b + 2) % 3], acc_sp.at[dib[(b + 2) % 3]],
                        semsc).wait()
                if b0 == 0:
                    @pl.when(jj > 0)
                    def _():
                        wait_sc_prev()
                else:
                    wait_sc_prev()

                @pl.when(jj + 2 < NCHUNK)
                def _():
                    pltpu.make_async_copy(
                        src_hbm.at[pl.ds(ebase + (jj + 2) * CH, CH)],
                        sib[(b + 2) % 3], semsi).wait()
                    pltpu.async_copy(y_hbm.at[sib[(b + 2) % 3]],
                                     rows[(b + 2) % 3], semg)

                    @pl.when(jj + 3 < NCHUNK)
                    def _():
                        si_load(jj + 3, sib[b])

                @pl.when(jj + 1 < NCHUNK)
                def _():
                    di_load(jj + 1, dib[(b + 1) % 3])

                pltpu.make_async_copy(
                    dst_hbm.at[pl.ds(ebase + jj * CH, CH)],
                    dib[b], semdi).wait()
                pltpu.async_copy(rows[b], acc_sp.at[dib[b]], semsc, add=True)

    pltpu.make_async_copy(
        rows[(NCHUNK - 1) % 3], acc_sp.at[dib[(NCHUNK - 1) % 3]], semsc).wait()
    plsc.subcore_barrier()

    pltpu.sync_copy(acc_sp.at[pl.ds(rbase, RPT)],
                    acc_out.at[cid, pl.ds(rbase, RPT)])
    @pl.when(sid == NS - 1)
    def _():
        pltpu.sync_copy(acc_sp.at[pl.ds(NS * RPT, TAIL)],
                        acc_out.at[cid, pl.ds(NS * RPT, TAIL)])


def _make_sc_feat():
    return pl.kernel(
        _sc_feat_body,
        out_type=jax.ShapeDtypeStruct((NC, N, D), jnp.float32),
        scratch_types=[
            pltpu.VMEM((CH,), jnp.int32),
            pltpu.VMEM((CH,), jnp.int32),
            pltpu.VMEM((CH,), jnp.int32),
            pltpu.VMEM((CH,), jnp.int32),
            pltpu.VMEM((CH,), jnp.int32),
            pltpu.VMEM((CH,), jnp.int32),
            pltpu.VMEM((CH, D), jnp.float32),
            pltpu.VMEM((CH, D), jnp.float32),
            pltpu.VMEM((CH, D), jnp.float32),
            pltpu.VMEM_SHARED((N, D), jnp.float32),
            pltpu.SemaphoreType.DMA,
            pltpu.SemaphoreType.DMA,
            pltpu.SemaphoreType.DMA,
            pltpu.SemaphoreType.DMA,
        ],
        mesh=plsc.VectorSubcoreMesh(core_axis_name="c", subcore_axis_name="s"),
    )


DW = 128


def _sc_deg_body(dst_hbm, deg_out, didx_all, ones, deg_sp, semsc):
    cid = lax.axis_index("c")
    sid = lax.axis_index("s")
    wid = sid * NC + cid
    rbase = sid * RPT

    _zero_rows(ones, CH, DW // 16)
    _fill_spmem_zero(ones, deg_sp, rbase, sid)
    def fill1(i, c):
        r = i // (DW // 16)
        k = i % (DW // 16)
        ones[r, pl.ds(k * 16, 16)] = jnp.ones((16,), jnp.float32)
        return c
    lax.fori_loop(0, CH * (DW // 16), fill1, 0)
    pltpu.sync_copy(dst_hbm.at[wid], didx_all)
    plsc.subcore_barrier()

    @pl.loop(0, NCHUNK)
    def _(j):
        @pl.when(j >= 8)
        def _():
            pltpu.make_async_copy(ones, deg_sp.at[didx_all.at[j - 8]],
                                  semsc).wait()
        pltpu.async_copy(ones, deg_sp.at[didx_all.at[j]], semsc, add=True)

    for k in range(8):
        pltpu.make_async_copy(ones, deg_sp.at[didx_all.at[NCHUNK - 8 + k]],
                              semsc).wait()
    plsc.subcore_barrier()
    pltpu.sync_copy(deg_sp.at[pl.ds(rbase, RPT)],
                    deg_out.at[cid, pl.ds(rbase, RPT)])
    @pl.when(sid == NS - 1)
    def _():
        pltpu.sync_copy(deg_sp.at[pl.ds(NS * RPT, TAIL)],
                        deg_out.at[cid, pl.ds(NS * RPT, TAIL)])


def _make_sc_deg():
    return pl.kernel(
        _sc_deg_body,
        out_type=jax.ShapeDtypeStruct((NC, N, DW), jnp.float32),
        scratch_types=[
            pltpu.VMEM((NCHUNK, CH), jnp.int32),
            pltpu.VMEM((CH, DW), jnp.float32),
            pltpu.VMEM_SHARED((N, DW), jnp.float32),
            pltpu.SemaphoreType.DMA,
        ],
        mesh=plsc.VectorSubcoreMesh(core_axis_name="c", subcore_axis_name="s"),
    )


BLK = 400


def _mm2_body(x_ref, wlT_ref, wrT_ref, b_ref, y_ref, z_ref):
    xb = x_ref[...]
    y_ref[...] = jnp.dot(xb, wlT_ref[...], preferred_element_type=jnp.float32)
    z_ref[...] = (jnp.dot(xb, wrT_ref[...], preferred_element_type=jnp.float32)
                  + b_ref[...])


def _mm2(x, WlT, WrT, b):
    return pl.pallas_call(
        _mm2_body,
        grid=(N // BLK,),
        in_specs=[
            pl.BlockSpec((BLK, D), lambda i: (i, 0)),
            pl.BlockSpec((D, D), lambda i: (0, 0)),
            pl.BlockSpec((D, D), lambda i: (0, 0)),
            pl.BlockSpec((1, D), lambda i: (0, 0)),
        ],
        out_specs=[pl.BlockSpec((BLK, D), lambda i: (i, 0)),
                   pl.BlockSpec((BLK, D), lambda i: (i, 0))],
        out_shape=[jax.ShapeDtypeStruct((N, D), jnp.float32),
                   jax.ShapeDtypeStruct((N, D), jnp.float32)],
    )(x, WlT, WrT, b.reshape(1, D))


def _combine_mm_body(acc_ref, deg_ref, z_ref, wlT_ref, wrT_ref, b_ref,
                     y_ref, z2_ref):
    a = acc_ref[0] + acc_ref[1]
    dg = deg_ref[0] + deg_ref[1]
    h = a / jnp.maximum(dg[:, 0:1], 1.0) + z_ref[...]
    h = jnp.maximum(h, 0.0)
    y_ref[...] = jnp.dot(h, wlT_ref[...], preferred_element_type=jnp.float32)
    z2_ref[...] = (jnp.dot(h, wrT_ref[...], preferred_element_type=jnp.float32)
                   + b_ref[...])


def _combine_mm(acc, deg, z, WlT, WrT, b):
    return pl.pallas_call(
        _combine_mm_body,
        grid=(N // BLK,),
        in_specs=[
            pl.BlockSpec((NC, BLK, D), lambda i: (0, i, 0)),
            pl.BlockSpec((NC, BLK, DW), lambda i: (0, i, 0)),
            pl.BlockSpec((BLK, D), lambda i: (i, 0)),
            pl.BlockSpec((D, D), lambda i: (0, 0)),
            pl.BlockSpec((D, D), lambda i: (0, 0)),
            pl.BlockSpec((1, D), lambda i: (0, 0)),
        ],
        out_specs=[pl.BlockSpec((BLK, D), lambda i: (i, 0)),
                   pl.BlockSpec((BLK, D), lambda i: (i, 0))],
        out_shape=[jax.ShapeDtypeStruct((N, D), jnp.float32),
                   jax.ShapeDtypeStruct((N, D), jnp.float32)],
    )(acc, deg, z, WlT, WrT, b.reshape(1, D))


def _combine_body(relu, acc_ref, deg_ref, z_ref, o_ref):
    a = acc_ref[0] + acc_ref[1]
    dg = deg_ref[0] + deg_ref[1]
    d = dg[:, 0:1]
    h = a / jnp.maximum(d, 1.0) + z_ref[...]
    if relu:
        h = jnp.maximum(h, 0.0)
    o_ref[...] = h


def _combine(acc, deg, z, relu):
    return pl.pallas_call(
        functools.partial(_combine_body, relu),
        grid=(N // BLK,),
        in_specs=[
            pl.BlockSpec((NC, BLK, D), lambda i: (0, i, 0)),
            pl.BlockSpec((NC, BLK, DW), lambda i: (0, i, 0)),
            pl.BlockSpec((BLK, D), lambda i: (i, 0)),
        ],
        out_specs=pl.BlockSpec((BLK, D), lambda i: (i, 0)),
        out_shape=jax.ShapeDtypeStruct((N, D), jnp.float32),
    )(acc, deg, z)


def kernel(x, edge_index, W1_l, b1, W1_r, W2_l, b2, W2_r):
    src = edge_index[0]
    dst = edge_index[1]
    dst3 = dst.reshape(NW, NCHUNK, CH)

    sc_feat = _make_sc_feat()
    sc_deg = _make_sc_deg()

    y1, z1 = _mm2(x, W1_l.T, W1_r.T, b1)
    deg = sc_deg(dst3)
    acc1 = sc_feat(src, dst, y1)
    y2, z2 = _combine_mm(acc1, deg, z1, W2_l.T, W2_r.T, b2)
    acc2 = sc_feat(src, dst, y2)
    out = _combine(acc2, deg, z2, False)
    return out

# --- scband reference (transcript-rebuilt; emitter-appended) ---
"""Pipeline reference for scband-graph-sage-20736102105621 (READ-ONLY COPY).

The authoritative reference and input builder live on the scoring server;
editing this copy changes nothing except your own understanding.
"""

import jax, jax.numpy as jnp
import numpy as np

N = 10000
E = 320000
D_IN = 128
D_HID = 128
D_OUT = 128


def setup_inputs(seed: int = 0) -> dict:
    key = jax.random.key(seed)
    ks = jax.random.split(key, 9)
    x = jax.random.normal(ks[0], (N, D_IN), dtype=jnp.float32)
    edge_index = jax.random.randint(ks[1], (2, E), 0, N, dtype=jnp.int32)
    s1 = 1.0 / np.sqrt(D_IN)
    s2 = 1.0 / np.sqrt(D_HID)
    W1_l = jax.random.normal(ks[2], (D_HID, D_IN), dtype=jnp.float32) * s1
    b1 = jnp.zeros((D_HID,), dtype=jnp.float32)
    W1_r = jax.random.normal(ks[3], (D_HID, D_IN), dtype=jnp.float32) * s1
    W2_l = jax.random.normal(ks[4], (D_OUT, D_HID), dtype=jnp.float32) * s2
    b2 = jnp.zeros((D_OUT,), dtype=jnp.float32)
    W2_r = jax.random.normal(ks[5], (D_OUT, D_HID), dtype=jnp.float32) * s2
    return {"x": x, "edge_index": edge_index, "W1_l": W1_l, "b1": b1, "W1_r": W1_r, "W2_l": W2_l, "b2": b2, "W2_r": W2_r}


def _sage_conv(x, edge_index, W_l, b_l, W_r):
    # PyG SAGEConv (mean aggregation): out = lin_l(mean_j x_j) + lin_r(x_i)
    src = edge_index[0]
    dst = edge_index[1]
    msgs = jnp.take(x, src, axis=0)                      # gather
    agg = jax.ops.segment_sum(msgs, dst, num_segments=x.shape[0])   # scatter-add
    deg = jax.ops.segment_sum(jnp.ones((edge_index.shape[1],), dtype=x.dtype), dst, num_segments=x.shape[0])
    mean = agg / jnp.clip(deg, 1.0, None)[:, None]
    return mean @ W_l.T + b_l + x @ W_r.T


def reference(x, edge_index, W1_l, b1, W1_r, W2_l, b2, W2_r):
    h = _sage_conv(x, edge_index, W1_l, b1, W1_r)
    h = jax.nn.relu(h)
    # dropout p=0.25 is identity in eval mode (training=False)
    out = _sage_conv(h, edge_index, W2_l, b2, W2_r)
    return out

if __name__ == "__main__":
    import jax
    _d = setup_inputs()
    print(jax.jit(kernel)(*tuple(_d.values())))

</pallas_src>

<mosaic_0001>
#map = affine_map<(d0, d1) -> (0)>
#map1 = affine_map<(d0, d1) -> (0, 0)>
#map2 = affine_map<(d0, d1) -> (0, 0, 0)>
module attributes {stable_mosaic.version = 14 : i64} {
  func.func @_sc_feat_body(%arg0: i32, %arg1: i32, %arg2: memref<320000xi32, #tpu.memory_space<hbm>>, %arg3: memref<320000xi32, #tpu.memory_space<hbm>>, %arg4: memref<10000x128xf32, #tpu.memory_space<hbm>>, %arg5: memref<2x10000x128xf32, #tpu.memory_space<hbm>>, %arg6: memref<80xi32, #tpu.memory_space<vmem>>, %arg7: memref<80xi32, #tpu.memory_space<vmem>>, %arg8: memref<80xi32, #tpu.memory_space<vmem>>, %arg9: memref<80xi32, #tpu.memory_space<vmem>>, %arg10: memref<80xi32, #tpu.memory_space<vmem>>, %arg11: memref<80xi32, #tpu.memory_space<vmem>>, %arg12: memref<80x128xf32, #tpu.memory_space<vmem>>, %arg13: memref<80x128xf32, #tpu.memory_space<vmem>>, %arg14: memref<80x128xf32, #tpu.memory_space<vmem>>, %arg15: memref<10000x128xf32, #tpu.memory_space<vmem_shared>>, %arg16: memref<!tpu.dma_semaphore, #tpu.memory_space<semaphore_mem>>, %arg17: memref<!tpu.dma_semaphore, #tpu.memory_space<semaphore_mem>>, %arg18: memref<!tpu.dma_semaphore, #tpu.memory_space<semaphore_mem>>, %arg19: memref<!tpu.dma_semaphore, #tpu.memory_space<semaphore_mem>>) attributes {dimension_semantics = [#tpu.dimension_semantics<core_parallel>, #tpu.dimension_semantics<subcore_parallel>], iteration_bounds = array<i64: 2, 16>, scalar_prefetch = 0 : i64, scratch_operands = 14 : i64, tpu.core_type = #tpu.core_type<sc_vector_subcore>, window_params = [{transform_indices = #map}, {transform_indices = #map}, {transform_indices = #map1}, {transform_indices = #map2}]} {
    %mul3A = arith.constant 2 : i32
    %mul3A_0 = arith.muli %arg1, %mul3A : i32
    %add3A = arith.addi %mul3A_0, %arg0 : i32
    %mul3A_1 = arith.constant 624 : i32
    %mul3A_2 = arith.muli %arg1, %mul3A_1 : i32
    %mul3A_3 = arith.constant 10000 : i32
    %mul3A_4 = arith.muli %add3A, %mul3A_3 : i32
    %scan3A = arith.constant 0 : i32
    %scan3A_5 = arith.constant 0 : i32
    %scan3A_6 = arith.constant 640 : i32
    %scan3A_7 = arith.addi %scan3A_5, %scan3A_6 : i32
    %scan3A_8 = arith.constant 1 : i32
    scf.for %scan3A_56 = %scan3A_5 to %scan3A_7 step %scan3A_8  : i32 {
      %jit3A = arith.constant 8 : i32
      %div3A = arith.divsi %scan3A_56, %jit3A : i32
      %sign3A = arith.constant 0 : i32
      %sign3A_57 = arith.cmpi sgt, %scan3A_56, %sign3A : i32
      %sign3A_58 = arith.extui %sign3A_57 : i1 to i32
      %sign3A_59 = arith.constant 0 : i32
      %sign3A_60 = arith.cmpi slt, %scan3A_56, %sign3A_59 : i32
      %sign3A_61 = arith.extui %sign3A_60 : i1 to i32
      %sign3A_62 = arith.subi %sign3A_58, %sign3A_61 : i32
      %sign3A_63 = arith.constant 0 : i32
      %sign3A_64 = arith.cmpi sgt, %jit3A, %sign3A_63 : i32
      %sign3A_65 = arith.extui %sign3A_64 : i1 to i32
      %sign3A_66 = arith.constant 0 : i32
      %sign3A_67 = arith.cmpi slt, %jit3A, %sign3A_66 : i32
      %sign3A_68 = arith.extui %sign3A_67 : i1 to i32
      %sign3A_69 = arith.subi %sign3A_65, %sign3A_68 : i32
      %ne3A = arith.cmpi ne, %sign3A_62, %sign3A_69 : i32
      %rem3A = arith.remsi %scan3A_56, %jit3A : i32
      %ne3A_70 = arith.constant 0 : i32
      %ne3A_71 = arith.cmpi ne, %rem3A, %ne3A_70 : i32
      %and3A = arith.andi %ne3A, %ne3A_71 : i1
      %sub3A = arith.constant 1 : i32
      %sub3A_72 = arith.subi %div3A, %sub3A : i32
      %select_n3A = arith.select %and3A, %sub3A_72, %div3A : i32
      %jit3A_73 = arith.constant 8 : i32
      %eq3A_74 = arith.constant 0 : i32
      %eq3A_75 = arith.cmpi eq, %jit3A_73, %eq3A_74 : i32
      %jit3A_76 = arith.constant 1 : i32
      %select_n3A_77 = arith.select %eq3A_75, %jit3A_76, %jit3A_73 : i32
      %rem3A_78 = arith.remsi %scan3A_56, %select_n3A_77 : i32
      %ne3A_79 = arith.constant 0 : i32
      %ne3A_80 = arith.cmpi ne, %rem3A_78, %ne3A_79 : i32
      %lt3A = arith.constant 0 : i32
      %lt3A_81 = arith.cmpi slt, %rem3A_78, %lt3A : i32
      %lt3A_82 = arith.constant 0 : i32
      %lt3A_83 = arith.cmpi slt, %select_n3A_77, %lt3A_82 : i32
      %ne3A_84 = arith.xori %lt3A_81, %lt3A_83 : i1
      %and3A_85 = arith.andi %ne3A_84, %ne3A_80 : i1
      %add3A_86 = arith.addi %rem3A_78, %select_n3A_77 : i32
      %select_n3A_87 = arith.select %and3A_85, %add3A_86, %rem3A_78 : i32
      %broadcast_in_dim3A = arith.constant 0.000000e+00 : f32
      %broadcast_in_dim3A_88 = vector.broadcast %broadcast_in_dim3A : f32 to vector<16xf32>
      %mul3A_89 = arith.constant 16 : i32
      %mul3A_90 = arith.muli %select_n3A_87, %mul3A_89 : i32
      %swap3A = arith.index_cast %select_n3A : i32 to index
      %swap3A_91 = arith.index_cast %mul3A_90 : i32 to index
      %swap3A_92 = tpu.vector_load %arg12[%swap3A, %swap3A_91] {strides = array<i32>} : memref<80x128xf32, #tpu.memory_space<vmem>>, vector<1x16xf32>,
      %swap3A_93 = vector.shape_cast %swap3A_92 : vector<1x16xf32> to vector<16xf32>
      %swap3A_94 = vector.shape_cast %broadcast_in_dim3A_88 : vector<16xf32> to vector<1x16xf32>
      tpu.vector_store %arg12[%swap3A, %swap3A_91], %swap3A_94 {strides = array<i32>} : memref<80x128xf32, #tpu.memory_space<vmem>>, vector<1x16xf32>,
    }
    %scan3A_9 = arith.constant 640 : i32
    %add3A_10 = arith.constant 0 : i32
    %add3A_11 = arith.addi %mul3A_2, %add3A_10 : i32
    "tpu.region"() ({
      %run_scoped3A = tpu.sem_alloc : memref<!tpu.dma_semaphore, #tpu.memory_space<semaphore_mem>>
      %dma_start3A_56 = arith.constant 0 : i32
      %dma_start3A_57 = tpu.memref_slice %arg15[%add3A_11, %dma_start3A_56] : memref<10000x128xf32, #tpu.memory_space<vmem_shared>> -> memref<80x128xf32, #tpu.memory_space<vmem_shared>>
      %dma_start3A_58 = arith.constant 0 : i32
      %dma_start3A_59 = tpu.memref_slice %arg15[%add3A_11, %dma_start3A_58] : memref<10000x128xf32, #tpu.memory_space<vmem_shared>> -> memref<80x128xf32, #tpu.memory_space<vmem_shared>>
      tpu.enqueue_dma source(%arg12 : memref<80x128xf32, #tpu.memory_space<vmem>>) target(%dma_start3A_59 : memref<80x128xf32, #tpu.memory_space<vmem_shared>>) target_semaphore(%run_scoped3A : memref<!tpu.dma_semaphore, #tpu.memory_space<semaphore_mem>>)
      %dma_wait3A_60 = arith.constant 0 : i32
      %dma_wait3A_61 = tpu.memref_slice %arg15[%add3A_11, %dma_wait3A_60] : memref<10000x128xf32, #tpu.memory_space<vmem_shared>> -> memref<80x128xf32, #tpu.memory_space<vmem_shared>>
      %dma_wait3A_62 = arith.constant 0 : i32
      %dma_wait3A_63 = tpu.memref_slice %arg15[%add3A_11, %dma_wait3A_62] : memref<10000x128xf32, #tpu.memory_space<vmem_shared>> -> memref<80x128xf32, #tpu.memory_space<vmem_shared>>
      tpu.wait_dma2 semaphore(%run_scoped3A : memref<!tpu.dma_semaphore, #tpu.memory_space<semaphore_mem>>) src(%arg12 : memref<80x128xf32, #tpu.memory_space<vmem>>) dst(%dma_wait3A_63 : memref<80x128xf32, #tpu.memory_space<vmem_shared>>)
      tpu.yield
    }) : () -> ()
    %add3A_12 = arith.constant 80 : i32
    %add3A_13 = arith.addi %mul3A_2, %add3A_12 : i32
    "tpu.region"() ({
      %run_scoped3A = tpu.sem_alloc : memref<!tpu.dma_semaphore, #tpu.memory_space<semaphore_mem>>
      %dma_start3A_56 = arith.constant 0 : i32
      %dma_start3A_57 = tpu.memref_slice %arg15[%add3A_13, %dma_start3A_56] : memref<10000x128xf32, #tpu.memory_space<vmem_shared>> -> memref<80x128xf32, #tpu.memory_space<vmem_shared>>
      %dma_start3A_58 = arith.constant 0 : i32
      %dma_start3A_59 = tpu.memref_slice %arg15[%add3A_13, %dma_start3A_58] : memref<10000x128xf32, #tpu.memory_space<vmem_shared>> -> memref<80x128xf32, #tpu.memory_space<vmem_shared>>
      tpu.enqueue_dma source(%arg12 : memref<80x128xf32, #tpu.memory_space<vmem>>) target(%dma_start3A_59 : memref<80x128xf32, #tpu.memory_space<vmem_shared>>) target_semaphore(%run_scoped3A : memref<!tpu.dma_semaphore, #tpu.memory_space<semaphore_mem>>)
      %dma_wait3A_60 = arith.constant 0 : i32
      %dma_wait3A_61 = tpu.memref_slice %arg15[%add3A_13, %dma_wait3A_60] : memref<10000x128xf32, #tpu.memory_space<vmem_shared>> -> memref<80x128xf32, #tpu.memory_space<vmem_shared>>
      %dma_wait3A_62 = arith.constant 0 : i32
      %dma_wait3A_63 = tpu.memref_slice %arg15[%add3A_13, %dma_wait3A_62] : memref<10000x128xf32, #tpu.memory_space<vmem_shared>> -> memref<80x128xf32, #tpu.memory_space<vmem_shared>>
      tpu.wait_dma2 semaphore(%run_scoped3A : memref<!tpu.dma_semaphore, #tpu.memory_space<semaphore_mem>>) src(%arg12 : memref<80x128xf32, #tpu.memory_space<vmem>>) dst(%dma_wait3A_63 : memref<80x128xf32, #tpu.memory_space<vmem_shared>>)
      tpu.yield
    }) : () -> ()
    %add3A_14 = arith.constant 160 : i32
    %add3A_15 = arith.addi %mul3A_2, %add3A_14 : i32
    "tpu.region"() ({
      %run_scoped3A = tpu.sem_alloc : memref<!tpu.dma_semaphore, #tpu.memory_space<semaphore_mem>>
      %dma_start3A_56 = arith.constant 0 : i32
      %dma_start3A_57 = tpu.memref_slice %arg15[%add3A_15, %dma_start3A_56] : memref<10000x128xf32, #tpu.memory_space<vmem_shared>> -> memref<80x128xf32, #tpu.memory_space<vmem_shared>>
      %dma_start3A_58 = arith.constant 0 : i32
      %dma_start3A_59 = tpu.memref_slice %arg15[%add3A_15, %dma_start3A_58] : memref<10000x128xf32, #tpu.memory_space<vmem_shared>> -> memref<80x128xf32, #tpu.memory_space<vmem_shared>>
      tpu.enqueue_dma source(%arg12 : memref<80x128xf32, #tpu.memory_space<vmem>>) target(%dma_start3A_59 : memref<80x128xf32, #tpu.memory_space<vmem_shared>>) target_semaphore(%run_scoped3A : memref<!tpu.dma_semaphore, #tpu.memory_space<semaphore_mem>>)
      %dma_wait3A_60 = arith.constant 0 : i32
      %dma_wait3A_61 = tpu.memref_slice %arg15[%add3A_15, %dma_wait3A_60] : memref<10000x128xf32, #tpu.memory_space<vmem_shared>> -> memref<80x128xf32, #tpu.memory_space<vmem_shared>>
      %dma_wait3A_62 = arith.constant 0 : i32
      %dma_wait3A_63 = tpu.memref_slice %arg15[%add3A_15, %dma_wait3A_62] : memref<10000x128xf32, #tpu.memory_space<vmem_shared>> -> memref<80x128xf32, #tpu.memory_space<vmem_shared>>
      tpu.wait_dma2 semaphore(%run_scoped3A : memref<!tpu.dma_semaphore, #tpu.memory_space<semaphore_mem>>) src(%arg12 : memref<80x128xf32, #tpu.memory_space<vmem>>) dst(%dma_wait3A_63 : memref<80x128xf32, #tpu.memory_space<vmem_shared>>)
      tpu.yield
    }) : () -> ()
    %add3A_16 = arith.constant 240 : i32
    %add3A_17 = arith.addi %mul3A_2, %add3A_16 : i32
    "tpu.region"() ({
      %run_scoped3A = tpu.sem_alloc : memref<!tpu.dma_semaphore, #tpu.memory_space<semaphore_mem>>
      %dma_start3A_56 = arith.constant 0 : i32
      %dma_start3A_57 = tpu.memref_slice %arg15[%add3A_17, %dma_start3A_56] : memref<10000x128xf32, #tpu.memory_space<vmem_shared>> -> memref<80x128xf32, #tpu.memory_space<vmem_shared>>
      %dma_start3A_58 = arith.constant 0 : i32
      %dma_start3A_59 = tpu.memref_slice %arg15[%add3A_17, %dma_start3A_58] : memref<10000x128xf32, #tpu.memory_space<vmem_shared>> -> memref<80x128xf32, #tpu.memory_space<vmem_shared>>
      tpu.enqueue_dma source(%arg12 : memref<80x128xf32, #tpu.memory_space<vmem>>) target(%dma_start3A_59 : memref<80x128xf32, #tpu.memory_space<vmem_shared>>) target_semaphore(%run_scoped3A : memref<!tpu.dma_semaphore, #tpu.memory_space<semaphore_mem>>)
      %dma_wait3A_60 = arith.constant 0 : i32
      %dma_wait3A_61 = tpu.memref_slice %arg15[%add3A_17, %dma_wait3A_60] : memref<10000x128xf32, #tpu.memory_space<vmem_shared>> -> memref<80x128xf32, #tpu.memory_space<vmem_shared>>
      %dma_wait3A_62 = arith.constant 0 : i32
      %dma_wait3A_63 = tpu.memref_slice %arg15[%add3A_17, %dma_wait3A_62] : memref<10000x128xf32, #tpu.memory_space<vmem_shared>> -> memref<80x128xf32, #tpu.memory_space<vmem_shared>>
      tpu.wait_dma2 semaphore(%run_scoped3A : memref<!tpu.dma_semaphore, #tpu.memory_space<semaphore_mem>>) src(%arg12 : memref<80x128xf32, #tpu.memory_space<vmem>>) dst(%dma_wait3A_63 : memref<80x128xf32, #tpu.memory_space<vmem_shared>>)
      tpu.yield
    }) : () -> ()
    %add3A_18 = arith.constant 320 : i32
    %add3A_19 = arith.addi %mul3A_2, %add3A_18 : i32
    "tpu.region"() ({
      %run_scoped3A = tpu.sem_alloc : memref<!tpu.dma_semaphore, #tpu.memory_space<semaphore_mem>>
      %dma_start3A_56 = arith.constant 0 : i32
      %dma_start3A_57 = tpu.memref_slice %arg15[%add3A_19, %dma_start3A_56] : memref<10000x128xf32, #tpu.memory_space<vmem_shared>> -> memref<80x128xf32, #tpu.memory_space<vmem_shared>>
      %dma_start3A_58 = arith.constant 0 : i32
      %dma_start3A_59 = tpu.memref_slice %arg15[%add3A_19, %dma_start3A_58] : memref<10000x128xf32, #tpu.memory_space<vmem_shared>> -> memref<80x128xf32, #tpu.memory_space<vmem_shared>>
      tpu.enqueue_dma source(%arg12 : memref<80x128xf32, #tpu.memory_space<vmem>>) target(%dma_start3A_59 : memref<80x128xf32, #tpu.memory_space<vmem_shared>>) target_semaphore(%run_scoped3A : memref<!tpu.dma_semaphore, #tpu.memory_space<semaphore_mem>>)
      %dma_wait3A_60 = arith.constant 0 : i32
      %dma_wait3A_61 = tpu.memref_slice %arg15[%add3A_19, %dma_wait3A_60] : memref<10000x128xf32, #tpu.memory_space<vmem_shared>> -> memref<80x128xf32, #tpu.memory_space<vmem_shared>>
      %dma_wait3A_62 = arith.constant 0 : i32
      %dma_wait3A_63 = tpu.memref_slice %arg15[%add3A_19, %dma_wait3A_62] : memref<10000x128xf32, #tpu.memory_space<vmem_shared>> -> memref<80x128xf32, #tpu.memory_space<vmem_shared>>
      tpu.wait_dma2 semaphore(%run_scoped3A : memref<!tpu.dma_semaphore, #tpu.memory_space<semaphore_mem>>) src(%arg12 : memref<80x128xf32, #tpu.memory_space<vmem>>) dst(%dma_wait3A_63 : memref<80x128xf32, #tpu.memory_space<vmem_shared>>)
      tpu.yield
    }) : () -> ()
    %add3A_20 = arith.constant 400 : i32
    %add3A_21 = arith.addi %mul3A_2, %add3A_20 : i32
    "tpu.region"() ({
      %run_scoped3A = tpu.sem_alloc : memref<!tpu.dma_semaphore, #tpu.memory_space<semaphore_mem>>
      %dma_start3A_56 = arith.constant 0 : i32
      %dma_start3A_57 = tpu.memref_slice %arg15[%add3A_21, %dma_start3A_56] : memref<10000x128xf32, #tpu.memory_space<vmem_shared>> -> memref<80x128xf32, #tpu.memory_space<vmem_shared>>
      %dma_start3A_58 = arith.constant 0 : i32
      %dma_start3A_59 = tpu.memref_slice %arg15[%add3A_21, %dma_start3A_58] : memref<10000x128xf32, #tpu.memory_space<vmem_shared>> -> memref<80x128xf32, #tpu.memory_space<vmem_shared>>
      tpu.enqueue_dma source(%arg12 : memref<80x128xf32, #tpu.memory_space<vmem>>) target(%dma_start3A_59 : memref<80x128xf32, #tpu.memory_space<vmem_shared>>) target_semaphore(%run_scoped3A : memref<!tpu.dma_semaphore, #tpu.memory_space<semaphore_mem>>)
      %dma_wait3A_60 = arith.constant 0 : i32
      %dma_wait3A_61 = tpu.memref_slice %arg15[%add3A_21, %dma_wait3A_60] : memref<10000x128xf32, #tpu.memory_space<vmem_shared>> -> memref<80x128xf32, #tpu.memory_space<vmem_shared>>
      %dma_wait3A_62 = arith.constant 0 : i32
      %dma_wait3A_63 = tpu.memref_slice %arg15[%add3A_21, %dma_wait3A_62] : memref<10000x128xf32, #tpu.memory_space<vmem_shared>> -> memref<80x128xf32, #tpu.memory_space<vmem_shared>>
      tpu.wait_dma2 semaphore(%run_scoped3A : memref<!tpu.dma_semaphore, #tpu.memory_space<semaphore_mem>>) src(%arg12 : memref<80x128xf32, #tpu.memory_space<vmem>>) dst(%dma_wait3A_63 : memref<80x128xf32, #tpu.memory_space<vmem_shared>>)
      tpu.yield
    }) : () -> ()
    %add3A_22 = arith.constant 480 : i32
    %add3A_23 = arith.addi %mul3A_2, %add3A_22 : i32
    "tpu.region"() ({
      %run_scoped3A = tpu.sem_alloc : memref<!tpu.dma_semaphore, #tpu.memory_space<semaphore_mem>>
      %dma_start3A_56 = arith.constant 0 : i32
      %dma_start3A_57 = tpu.memref_slice %arg15[%add3A_23, %dma_start3A_56] : memref<10000x128xf32, #tpu.memory_space<vmem_shared>> -> memref<80x128xf32, #tpu.memory_space<vmem_shared>>
      %dma_start3A_58 = arith.constant 0 : i32
      %dma_start3A_59 = tpu.memref_slice %arg15[%add3A_23, %dma_start3A_58] : memref<10000x128xf32, #tpu.memory_space<vmem_shared>> -> memref<80x128xf32, #tpu.memory_space<vmem_shared>>
      tpu.enqueue_dma source(%arg12 : memref<80x128xf32, #tpu.memory_space<vmem>>) target(%dma_start3A_59 : memref<80x128xf32, #tpu.memory_space<vmem_shared>>) target_semaphore(%run_scoped3A : memref<!tpu.dma_semaphore, #tpu.memory_space<semaphore_mem>>)
      %dma_wait3A_60 = arith.constant 0 : i32
      %dma_wait3A_61 = tpu.memref_slice %arg15[%add3A_23, %dma_wait3A_60] : memref<10000x128xf32, #tpu.memory_space<vmem_shared>> -> memref<80x128xf32, #tpu.memory_space<vmem_shared>>
      %dma_wait3A_62 = arith.constant 0 : i32
      %dma_wait3A_63 = tpu.memref_slice %arg15[%add3A_23, %dma_wait3A_62] : memref<10000x128xf32, #tpu.memory_space<vmem_shared>> -> memref<80x128xf32, #tpu.memory_space<vmem_shared>>
      tpu.wait_dma2 semaphore(%run_scoped3A : memref<!tpu.dma_semaphore, #tpu.memory_space<semaphore_mem>>) src(%arg12 : memref<80x128xf32, #tpu.memory_space<vmem>>) dst(%dma_wait3A_63 : memref<80x128xf32, #tpu.memory_space<vmem_shared>>)
      tpu.yield
    }) : () -> ()
    %add3A_24 = arith.constant 560 : i32
    %add3A_25 = arith.addi %mul3A_2, %add3A_24 : i32
    "tpu.region"() ({
      %run_scoped3A = tpu.sem_alloc : memref<!tpu.dma_semaphore, #tpu.memory_space<semaphore_mem>>
      %dma_start3A_56 = arith.constant 0 : i32
      %dma_start3A_57 = arith.constant 0 : i32
      %dma_start3A_58 = tpu.memref_slice %arg12[%dma_start3A_56, %dma_start3A_57] : memref<80x128xf32, #tpu.memory_space<vmem>> -> memref<64x128xf32, #tpu.memory_space<vmem>>
      %dma_start3A_59 = arith.constant 0 : i32
      %dma_start3A_60 = tpu.memref_slice %arg15[%add3A_25, %dma_start3A_59] : memref<10000x128xf32, #tpu.memory_space<vmem_shared>> -> memref<64x128xf32, #tpu.memory_space<vmem_shared>>
      %dma_start3A_61 = arith.constant 0 : i32
      %dma_start3A_62 = tpu.memref_slice %arg15[%add3A_25, %dma_start3A_61] : memref<10000x128xf32, #tpu.memory_space<vmem_shared>> -> memref<64x128xf32, #tpu.memory_space<vmem_shared>>
      %dma_start3A_63 = arith.constant 0 : i32
      %dma_start3A_64 = arith.constant 0 : i32
      %dma_start3A_65 = tpu.memref_slice %arg12[%dma_start3A_63, %dma_start3A_64] : memref<80x128xf32, #tpu.memory_space<vmem>> -> memref<64x128xf32, #tpu.memory_space<vmem>>
      tpu.enqueue_dma source(%dma_start3A_65 : memref<64x128xf32, #tpu.memory_space<vmem>>) target(%dma_start3A_62 : memref<64x128xf32, #tpu.memory_space<vmem_shared>>) target_semaphore(%run_scoped3A : memref<!tpu.dma_semaphore, #tpu.memory_space<semaphore_mem>>)
      %dma_wait3A_66 = arith.constant 0 : i32
      %dma_wait3A_67 = arith.constant 0 : i32
      %dma_wait3A_68 = tpu.memref_slice %arg12[%dma_wait3A_66, %dma_wait3A_67] : memref<80x128xf32, #tpu.memory_space<vmem>> -> memref<64x128xf32, #tpu.memory_space<vmem>>
      %dma_wait3A_69 = arith.constant 0 : i32
      %dma_wait3A_70 = tpu.memref_slice %arg15[%add3A_25, %dma_wait3A_69] : memref<10000x128xf32, #tpu.memory_space<vmem_shared>> -> memref<64x128xf32, #tpu.memory_space<vmem_shared>>
      %dma_wait3A_71 = arith.constant 0 : i32
      %dma_wait3A_72 = tpu.memref_slice %arg15[%add3A_25, %dma_wait3A_71] : memref<10000x128xf32, #tpu.memory_space<vmem_shared>> -> memref<64x128xf32, #tpu.memory_space<vmem_shared>>
      %dma_wait3A_73 = arith.constant 0 : i32
      %dma_wait3A_74 = arith.constant 0 : i32
      %dma_wait3A_75 = tpu.memref_slice %arg12[%dma_wait3A_73, %dma_wait3A_74] : memref<80x128xf32, #tpu.memory_space<vmem>> -> memref<64x128xf32, #tpu.memory_space<vmem>>
      tpu.wait_dma2 semaphore(%run_scoped3A : memref<!tpu.dma_semaphore, #tpu.memory_space<semaphore_mem>>) src(%dma_wait3A_75 : memref<64x128xf32, #tpu.memory_space<vmem>>) dst(%dma_wait3A_72 : memref<64x128xf32, #tpu.memory_space<vmem_shared>>)
      tpu.yield
    }) : () -> ()
    %eq3A = arith.constant 15 : i32
    %eq3A_26 = arith.cmpi eq, %arg1, %eq3A : i32
    %convert_element_type3A = arith.extui %eq3A_26 : i1 to i32
    %cond3A = arith.constant 0 : i32
    %cond3A_27 = arith.cmpi ne, %convert_element_type3A, %cond3A : i32
    scf.if %cond3A_27 {
      "tpu.region"() ({
        %run_scoped3A = tpu.sem_alloc : memref<!tpu.dma_semaphore, #tpu.memory_space<semaphore_mem>>
        %dma_start3A_56 = arith.constant 0 : i32
        %dma_start3A_57 = arith.constant 0 : i32
        %dma_start3A_58 = tpu.memref_slice %arg12[%dma_start3A_56, %dma_start3A_57] : memref<80x128xf32, #tpu.memory_space<vmem>> -> memref<16x128xf32, #tpu.memory_space<vmem>>
        %dma_start3A_59 = arith.constant 9984 : i32
        %dma_start3A_60 = arith.constant 0 : i32
        %dma_start3A_61 = tpu.memref_slice %arg15[%dma_start3A_59, %dma_start3A_60] : memref<10000x128xf32, #tpu.memory_space<vmem_shared>> -> memref<16x128xf32, #tpu.memory_space<vmem_shared>>
        %dma_start3A_62 = arith.constant 9984 : i32
        %dma_start3A_63 = arith.constant 0 : i32
        %dma_start3A_64 = tpu.memref_slice %arg15[%dma_start3A_62, %dma_start3A_63] : memref<10000x128xf32, #tpu.memory_space<vmem_shared>> -> memref<16x128xf32, #tpu.memory_space<vmem_shared>>
        %dma_start3A_65 = arith.constant 0 : i32
        %dma_start3A_66 = arith.constant 0 : i32
        %dma_start3A_67 = tpu.memref_slice %arg12[%dma_start3A_65, %dma_start3A_66] : memref<80x128xf32, #tpu.memory_space<vmem>> -> memref<16x128xf32, #tpu.memory_space<vmem>>
        tpu.enqueue_dma source(%dma_start3A_67 : memref<16x128xf32, #tpu.memory_space<vmem>>) target(%dma_start3A_64 : memref<16x128xf32, #tpu.memory_space<vmem_shared>>) target_semaphore(%run_scoped3A : memref<!tpu.dma_semaphore, #tpu.memory_space<semaphore_mem>>)
        %dma_wait3A_68 = arith.constant 0 : i32
        %dma_wait3A_69 = arith.constant 0 : i32
        %dma_wait3A_70 = tpu.memref_slice %arg12[%dma_wait3A_68, %dma_wait3A_69] : memref<80x128xf32, #tpu.memory_space<vmem>> -> memref<16x128xf32, #tpu.memory_space<vmem>>
        %dma_wait3A_71 = arith.constant 9984 : i32
        %dma_wait3A_72 = arith.constant 0 : i32
        %dma_wait3A_73 = tpu.memref_slice %arg15[%dma_wait3A_71, %dma_wait3A_72] : memref<10000x128xf32, #tpu.memory_space<vmem_shared>> -> memref<16x128xf32, #tpu.memory_space<vmem_shared>>
        %dma_wait3A_74 = arith.constant 9984 : i32
        %dma_wait3A_75 = arith.constant 0 : i32
        %dma_wait3A_76 = tpu.memref_slice %arg15[%dma_wait3A_74, %dma_wait3A_75] : memref<10000x128xf32, #tpu.memory_space<vmem_shared>> -> memref<16x128xf32, #tpu.memory_space<vmem_shared>>
        %dma_wait3A_77 = arith.constant 0 : i32
        %dma_wait3A_78 = arith.constant 0 : i32
        %dma_wait3A_79 = tpu.memref_slice %arg12[%dma_wait3A_77, %dma_wait3A_78] : memref<80x128xf32, #tpu.memory_space<vmem>> -> memref<16x128xf32, #tpu.memory_space<vmem>>
        tpu.wait_dma2 semaphore(%run_scoped3A : memref<!tpu.dma_semaphore, #tpu.memory_space<semaphore_mem>>) src(%dma_wait3A_79 : memref<16x128xf32, #tpu.memory_space<vmem>>) dst(%dma_wait3A_76 : memref<16x128xf32, #tpu.memory_space<vmem_shared>>)
        tpu.yield
      }) : () -> ()
    } else {
    }
    %barrier3A = arith.constant 0 : index
    tpu.barrier barrier_id(%barrier3A)
    "tpu.region"() ({
      %run_scoped3A = tpu.sem_alloc : memref<!tpu.dma_semaphore, #tpu.memory_space<semaphore_mem>>
      %dma_start3A_56 = tpu.memref_slice %arg2[%mul3A_4] : memref<320000xi32, #tpu.memory_space<hbm>> -> memref<80xi32, #tpu.memory_space<hbm>>
      %dma_start3A_57 = tpu.memref_slice %arg2[%mul3A_4] : memref<320000xi32, #tpu.memory_space<hbm>> -> memref<80xi32, #tpu.memory_space<hbm>>
      tpu.enqueue_dma source(%dma_start3A_57 : memref<80xi32, #tpu.memory_space<hbm>>) target(%arg6 : memref<80xi32, #tpu.memory_space<vmem>>) target_semaphore(%run_scoped3A : memref<!tpu.dma_semaphore, #tpu.memory_space<semaphore_mem>>)
      %dma_wait3A_58 = tpu.memref_slice %arg2[%mul3A_4] : memref<320000xi32, #tpu.memory_space<hbm>> -> memref<80xi32, #tpu.memory_space<hbm>>
      %dma_wait3A_59 = tpu.memref_slice %arg2[%mul3A_4] : memref<320000xi32, #tpu.memory_space<hbm>> -> memref<80xi32, #tpu.memory_space<hbm>>
      tpu.wait_dma2 semaphore(%run_scoped3A : memref<!tpu.dma_semaphore, #tpu.memory_space<semaphore_mem>>) src(%dma_wait3A_59 : memref<80xi32, #tpu.memory_space<hbm>>) dst(%arg6 : memref<80xi32, #tpu.memory_space<vmem>>)
      tpu.yield
    }) : () -> ()
    %dma_start3A = arith.constant 0 : i32
    %dma_start3A_28 = arith.constant 0 : i32
    %dma_start3A_29 = tpu.memref_slice %arg4[%dma_start3A, %dma_start3A_28] : memref<10000x128xf32, #tpu.memory_space<hbm>> -> memref<10000x128xf32, #tpu.memory_space<hbm>>
    tpu.enqueue_indirect_dma source(%dma_start3A_29 : memref<10000x128xf32, #tpu.memory_space<hbm>>) target(%arg12 : memref<80x128xf32, #tpu.memory_space<vmem>>) offsets(%arg6 : memref<80xi32, #tpu.memory_space<vmem>>) semaphore(%arg16 : memref<!tpu.dma_semaphore, #tpu.memory_space<semaphore_mem>>)
    %add3A_30 = arith.constant 80 : i32
    %add3A_31 = arith.addi %mul3A_4, %add3A_30 : i32
    "tpu.region"() ({
      %run_scoped3A = tpu.sem_alloc : memref<!tpu.dma_semaphore, #tpu.memory_space<semaphore_mem>>
      %dma_start3A_56 = tpu.memref_slice %arg2[%add3A_31] : memref<320000xi32, #tpu.memory_space<hbm>> -> memref<80xi32, #tpu.memory_space<hbm>>
      %dma_start3A_57 = tpu.memref_slice %arg2[%add3A_31] : memref<320000xi32, #tpu.memory_space<hbm>> -> memref<80xi32, #tpu.memory_space<hbm>>
      tpu.enqueue_dma source(%dma_start3A_57 : memref<80xi32, #tpu.memory_space<hbm>>) target(%arg7 : memref<80xi32, #tpu.memory_space<vmem>>) target_semaphore(%run_scoped3A : memref<!tpu.dma_semaphore, #tpu.memory_space<semaphore_mem>>)
      %dma_wait3A_58 = tpu.memref_slice %arg2[%add3A_31] : memref<320000xi32, #tpu.memory_space<hbm>> -> memref<80xi32, #tpu.memory_space<hbm>>
      %dma_wait3A_59 = tpu.memref_slice %arg2[%add3A_31] : memref<320000xi32, #tpu.memory_space<hbm>> -> memref<80xi32, #tpu.memory_space<hbm>>
      tpu.wait_dma2 semaphore(%run_scoped3A : memref<!tpu.dma_semaphore, #tpu.memory_space<semaphore_mem>>) src(%dma_wait3A_59 : memref<80xi32, #tpu.memory_space<hbm>>) dst(%arg7 : memref<80xi32, #tpu.memory_space<vmem>>)
      tpu.yield
    }) : () -> ()
    %dma_start3A_32 = arith.constant 0 : i32
    %dma_start3A_33 = arith.constant 0 : i32
    %dma_start3A_34 = tpu.memref_slice %arg4[%dma_start3A_32, %dma_start3A_33] : memref<10000x128xf32, #tpu.memory_space<hbm>> -> memref<10000x128xf32, #tpu.memory_space<hbm>>
    tpu.enqueue_indirect_dma source(%dma_start3A_34 : memref<10000x128xf32, #tpu.memory_space<hbm>>) target(%arg13 : memref<80x128xf32, #tpu.memory_space<vmem>>) offsets(%arg7 : memref<80xi32, #tpu.memory_space<vmem>>) semaphore(%arg16 : memref<!tpu.dma_semaphore, #tpu.memory_space<semaphore_mem>>)
    %add3A_35 = arith.constant 160 : i32
    %add3A_36 = arith.addi %mul3A_4, %add3A_35 : i32
    %dma_start3A_37 = tpu.memref_slice %arg2[%add3A_36] : memref<320000xi32, #tpu.memory_space<hbm>> -> memref<80xi32, #tpu.memory_space<hbm>>
    %dma_start3A_38 = tpu.memref_slice %arg2[%add3A_36] : memref<320000xi32, #tpu.memory_space<hbm>> -> memref<80xi32, #tpu.memory_space<hbm>>
    tpu.enqueue_dma source(%dma_start3A_38 : memref<80xi32, #tpu.memory_space<hbm>>) target(%arg8 : memref<80xi32, #tpu.memory_space<vmem>>) target_semaphore(%arg17 : memref<!tpu.dma_semaphore, #tpu.memory_space<semaphore_mem>>)
    %add3A_39 = arith.constant 0 : i32
    %add3A_40 = arith.addi %mul3A_4, %add3A_39 : i32
    %dma_start3A_41 = tpu.memref_slice %arg3[%add3A_40] : memref<320000xi32, #tpu.memory_space<hbm>> -> memref<80xi32, #tpu.memory_space<hbm>>
    %dma_start3A_42 = tpu.memref_slice %arg3[%add3A_40] : memref<320000xi32, #tpu.memory_space<hbm>> -> memref<80xi32, #tpu.memory_space<hbm>>
    tpu.enqueue_dma source(%dma_start3A_42 : memref<80xi32, #tpu.memory_space<hbm>>) target(%arg9 : memref<80xi32, #tpu.memory_space<vmem>>) target_semaphore(%arg18 : memref<!tpu.dma_semaphore, #tpu.memory_space<semaphore_mem>>)
    %scan3A_43 = arith.constant 0 : i32
    %scan3A_44 = arith.constant 42 : i32
    %scan3A_45 = arith.addi %scan3A_43, %scan3A_44 : i32
    %scan3A_46 = arith.constant 1 : i32
    scf.for %scan3A_56 = %scan3A_43 to %scan3A_45 step %scan3A_46  : i32 {
      %mul3A_57 = arith.constant 3 : i32
      %mul3A_58 = arith.muli %scan3A_56, %mul3A_57 : i32
      %add3A_59 = arith.constant 0 : i32
      %add3A_60 = arith.addi %add3A_59, %mul3A_58 : i32
      %add3A_61 = arith.constant 0 : i32
      %add3A_62 = arith.addi %add3A_60, %add3A_61 : i32
      %lt3A = arith.constant 125 : i32
      %lt3A_63 = arith.cmpi slt, %add3A_62, %lt3A : i32
      %convert_element_type3A_64 = arith.extui %lt3A_63 : i1 to i32
      %cond3A_65 = arith.constant 0 : i32
      %cond3A_66 = arith.cmpi ne, %convert_element_type3A_64, %cond3A_65 : i32
      scf.if %cond3A_66 {
        %dma_wait3A_81 = arith.constant 0 : i32
        %dma_wait3A_82 = arith.constant 0 : i32
        %dma_wait3A_83 = tpu.memref_slice %arg4[%dma_wait3A_81, %dma_wait3A_82] : memref<10000x128xf32, #tpu.memory_space<hbm>> -> memref<10000x128xf32, #tpu.memory_space<hbm>>
        tpu.wait_indirect_dma semaphore(%arg16 : memref<!tpu.dma_semaphore, #tpu.memory_space<semaphore_mem>>) src(%dma_wait3A_83 : memref<10000x128xf32, #tpu.memory_space<hbm>>) dst(%arg12 : memref<80x128xf32, #tpu.memory_space<vmem>>)
        %gt3A = arith.constant 0 : i32
        %gt3A_84 = arith.cmpi sgt, %add3A_62, %gt3A : i32
        %convert_element_type3A_85 = arith.extui %gt3A_84 : i1 to i32
        %cond3A_86 = arith.constant 0 : i32
        %cond3A_87 = arith.cmpi ne, %convert_element_type3A_85, %cond3A_86 : i32
        scf.if %cond3A_87 {
          %dma_wait3A_110 = arith.constant 0 : i32
          %dma_wait3A_111 = arith.constant 0 : i32
          %dma_wait3A_112 = tpu.memref_slice %arg15[%dma_wait3A_110, %dma_wait3A_111] : memref<10000x128xf32, #tpu.memory_space<vmem_shared>> -> memref<10000x128xf32, #tpu.memory_space<vmem_shared>>
          tpu.wait_indirect_dma semaphore(%arg19 : memref<!tpu.dma_semaphore, #tpu.memory_space<semaphore_mem>>) src(%arg14 : memref<80x128xf32, #tpu.memory_space<vmem>>) dst(%dma_wait3A_112 : memref<10000x128xf32, #tpu.memory_space<vmem_shared>>)
        } else {
        }
        %add3A_88 = arith.constant 2 : i32
        %add3A_89 = arith.addi %add3A_62, %add3A_88 : i32
        %lt3A_90 = arith.constant 125 : i32
        %lt3A_91 = arith.cmpi slt, %add3A_89, %lt3A_90 : i32
        %convert_element_type3A_92 = arith.extui %lt3A_91 : i1 to i32
        %cond3A_93 = arith.constant 0 : i32
        %cond3A_94 = arith.cmpi ne, %convert_element_type3A_92, %cond3A_93 : i32
        scf.if %cond3A_94 {
          %add3A_110 = arith.constant 2 : i32
          %add3A_111 = arith.addi %add3A_62, %add3A_110 : i32
          %mul3A_112 = arith.constant 80 : i32
          %mul3A_113 = arith.muli %add3A_111, %mul3A_112 : i32
          %add3A_114 = arith.addi %mul3A_4, %mul3A_113 : i32
          %dma_wait3A_115 = tpu.memref_slice %arg2[%add3A_114] : memref<320000xi32, #tpu.memory_space<hbm>> -> memref<80xi32, #tpu.memory_space<hbm>>
          %dma_wait3A_116 = tpu.memref_slice %arg2[%add3A_114] : memref<320000xi32, #tpu.memory_space<hbm>> -> memref<80xi32, #tpu.memory_space<hbm>>
          tpu.wait_dma2 semaphore(%arg17 : memref<!tpu.dma_semaphore, #tpu.memory_space<semaphore_mem>>) src(%dma_wait3A_116 : memref<80xi32, #tpu.memory_space<hbm>>) dst(%arg8 : memref<80xi32, #tpu.memory_space<vmem>>)
          %dma_start3A_117 = arith.constant 0 : i32
          %dma_start3A_118 = arith.constant 0 : i32
          %dma_start3A_119 = tpu.memref_slice %arg4[%dma_start3A_117, %dma_start3A_118] : memref<10000x128xf32, #tpu.memory_space<hbm>> -> memref<10000x128xf32, #tpu.memory_space<hbm>>
          tpu.enqueue_indirect_dma source(%dma_start3A_119 : memref<10000x128xf32, #tpu.memory_space<hbm>>) target(%arg14 : memref<80x128xf32, #tpu.memory_space<vmem>>) offsets(%arg8 : memref<80xi32, #tpu.memory_space<vmem>>) semaphore(%arg16 : memref<!tpu.dma_semaphore, #tpu.memory_space<semaphore_mem>>)
          %add3A_120 = arith.constant 3 : i32
          %add3A_121 = arith.addi %add3A_62, %add3A_120 : i32
          %lt3A_122 = arith.constant 125 : i32
          %lt3A_123 = arith.cmpi slt, %add3A_121, %lt3A_122 : i32
          %convert_element_type3A_124 = arith.extui %lt3A_123 : i1 to i32
          %cond3A_125 = arith.constant 0 : i32
          %cond3A_126 = arith.cmpi ne, %convert_element_type3A_124, %cond3A_125 : i32
          scf.if %cond3A_126 {
            %add3A_127 = arith.constant 3 : i32
            %add3A_128 = arith.addi %add3A_62, %add3A_127 : i32
            %mul3A_129 = arith.constant 80 : i32
            %mul3A_130 = arith.muli %add3A_128, %mul3A_129 : i32
            %add3A_131 = arith.addi %mul3A_4, %mul3A_130 : i32
            %dma_start3A_132 = tpu.memref_slice %arg2[%add3A_131] : memref<320000xi32, #tpu.memory_space<hbm>> -> memref<80xi32, #tpu.memory_space<hbm>>
            %dma_start3A_133 = tpu.memref_slice %arg2[%add3A_131] : memref<320000xi32, #tpu.memory_space<hbm>> -> memref<80xi32, #tpu.memory_space<hbm>>
            tpu.enqueue_dma source(%dma_start3A_133 : memref<80xi32, #tpu.memory_space<hbm>>) target(%arg6 : memref<80xi32, #tpu.memory_space<vmem>>) target_semaphore(%arg17 : memref<!tpu.dma_semaphore, #tpu.memory_space<semaphore_mem>>)
          } else {
          }
        } else {
        }
        %add3A_95 = arith.constant 1 : i32
        %add3A_96 = arith.addi %add3A_62, %add3A_95 : i32
        %lt3A_97 = arith.constant 125 : i32
        %lt3A_98 = arith.cmpi slt, %add3A_96, %lt3A_97 : i32
        %convert_element_type3A_99 = arith.extui %lt3A_98 : i1 to i32
        %cond3A_100 = arith.constant 0 : i32
        %cond3A_101 = arith.cmpi ne, %convert_element_type3A_99, %cond3A_100 : i32
        scf.if %cond3A_101 {
          %add3A_110 = arith.constant 1 : i32
          %add3A_111 = arith.addi %add3A_62, %add3A_110 : i32
          %mul3A_112 = arith.constant 80 : i32
          %mul3A_113 = arith.muli %add3A_111, %mul3A_112 : i32
          %add3A_114 = arith.addi %mul3A_4, %mul3A_113 : i32
          %dma_start3A_115 = tpu.memref_slice %arg3[%add3A_114] : memref<320000xi32, #tpu.memory_space<hbm>> -> memref<80xi32, #tpu.memory_space<hbm>>
          %dma_start3A_116 = tpu.memref_slice %arg3[%add3A_114] : memref<320000xi32, #tpu.memory_space<hbm>> -> memref<80xi32, #tpu.memory_space<hbm>>
          tpu.enqueue_dma source(%dma_start3A_116 : memref<80xi32, #tpu.memory_space<hbm>>) target(%arg10 : memref<80xi32, #tpu.memory_space<vmem>>) target_semaphore(%arg18 : memref<!tpu.dma_semaphore, #tpu.memory_space<semaphore_mem>>)
        } else {
        }
        %mul3A_102 = arith.constant 80 : i32
        %mul3A_103 = arith.muli %add3A_62, %mul3A_102 : i32
        %add3A_104 = arith.addi %mul3A_4, %mul3A_103 : i32
        %dma_wait3A_105 = tpu.memref_slice %arg3[%add3A_104] : memref<320000xi32, #tpu.memory_space<hbm>> -> memref<80xi32, #tpu.memory_space<hbm>>
        %dma_wait3A_106 = tpu.memref_slice %arg3[%add3A_104] : memref<320000xi32, #tpu.memory_space<hbm>> -> memref<80xi32, #tpu.memory_space<hbm>>
        tpu.wait_dma2 semaphore(%arg18 : memref<!tpu.dma_semaphore, #tpu.memory_space<semaphore_mem>>) src(%dma_wait3A_106 : memref<80xi32, #tpu.memory_space<hbm>>) dst(%arg9 : memref<80xi32, #tpu.memory_space<vmem>>)
        %dma_start3A_107 = arith.constant 0 : i32
        %dma_start3A_108 = arith.constant 0 : i32
        %dma_start3A_109 = tpu.memref_slice %arg15[%dma_start3A_107, %dma_start3A_108] : memref<10000x128xf32, #tpu.memory_space<vmem_shared>> -> memref<10000x128xf32, #tpu.memory_space<vmem_shared>>
        tpu.enqueue_indirect_dma source(%arg12 : memref<80x128xf32, #tpu.memory_space<vmem>>) target(%dma_start3A_109 : memref<10000x128xf32, #tpu.memory_space<vmem_shared>>) offsets(%arg9 : memref<80xi32, #tpu.memory_space<vmem>>) semaphore(%arg19 : memref<!tpu.dma_semaphore, #tpu.memory_space<semaphore_mem>>) {add = true}
      } else {
      }
      %add3A_67 = arith.constant 1 : i32
      %add3A_68 = arith.addi %add3A_60, %add3A_67 : i32
      %lt3A_69 = arith.constant 125 : i32
      %lt3A_70 = arith.cmpi slt, %add3A_68, %lt3A_69 : i32
      %convert_element_type3A_71 = arith.extui %lt3A_70 : i1 to i32
      %cond3A_72 = arith.constant 0 : i32
      %cond3A_73 = arith.cmpi ne, %convert_element_type3A_71, %cond3A_72 : i32
      scf.if %cond3A_73 {
        %dma_wait3A_81 = arith.constant 0 : i32
        %dma_wait3A_82 = arith.constant 0 : i32
        %dma_wait3A_83 = tpu.memref_slice %arg4[%dma_wait3A_81, %dma_wait3A_82] : memref<10000x128xf32, #tpu.memory_space<hbm>> -> memref<10000x128xf32, #tpu.memory_space<hbm>>
        tpu.wait_indirect_dma semaphore(%arg16 : memref<!tpu.dma_semaphore, #tpu.memory_space<semaphore_mem>>) src(%dma_wait3A_83 : memref<10000x128xf32, #tpu.memory_space<hbm>>) dst(%arg13 : memref<80x128xf32, #tpu.memory_space<vmem>>)
        %dma_wait3A_84 = arith.constant 0 : i32
        %dma_wait3A_85 = arith.constant 0 : i32
        %dma_wait3A_86 = tpu.memref_slice %arg15[%dma_wait3A_84, %dma_wait3A_85] : memref<10000x128xf32, #tpu.memory_space<vmem_shared>> -> memref<10000x128xf32, #tpu.memory_space<vmem_shared>>
        tpu.wait_indirect_dma semaphore(%arg19 : memref<!tpu.dma_semaphore, #tpu.memory_space<semaphore_mem>>) src(%arg12 : memref<80x128xf32, #tpu.memory_space<vmem>>) dst(%dma_wait3A_86 : memref<10000x128xf32, #tpu.memory_space<vmem_shared>>)
        %add3A_87 = arith.constant 2 : i32
        %add3A_88 = arith.addi %add3A_68, %add3A_87 : i32
        %lt3A_89 = arith.constant 125 : i32
        %lt3A_90 = arith.cmpi slt, %add3A_88, %lt3A_89 : i32
        %convert_element_type3A_91 = arith.extui %lt3A_90 : i1 to i32
        %cond3A_92 = arith.constant 0 : i32
        %cond3A_93 = arith.cmpi ne, %convert_element_type3A_91, %cond3A_92 : i32
        scf.if %cond3A_93 {
          %add3A_109 = arith.constant 2 : i32
          %add3A_110 = arith.addi %add3A_68, %add3A_109 : i32
          %mul3A_111 = arith.constant 80 : i32
          %mul3A_112 = arith.muli %add3A_110, %mul3A_111 : i32
          %add3A_113 = arith.addi %mul3A_4, %mul3A_112 : i32
          %dma_wait3A_114 = tpu.memref_slice %arg2[%add3A_113] : memref<320000xi32, #tpu.memory_space<hbm>> -> memref<80xi32, #tpu.memory_space<hbm>>
          %dma_wait3A_115 = tpu.memref_slice %arg2[%add3A_113] : memref<320000xi32, #tpu.memory_space<hbm>> -> memref<80xi32, #tpu.memory_space<hbm>>
          tpu.wait_dma2 semaphore(%arg17 : memref<!tpu.dma_semaphore, #tpu.memory_space<semaphore_mem>>) src(%dma_wait3A_115 : memref<80xi32, #tpu.memory_space<hbm>>) dst(%arg6 : memref<80xi32, #tpu.memory_space<vmem>>)
          %dma_start3A_116 = arith.constant 0 : i32
          %dma_start3A_117 = arith.constant 0 : i32
          %dma_start3A_118 = tpu.memref_slice %arg4[%dma_start3A_116, %dma_start3A_117] : memref<10000x128xf32, #tpu.memory_space<hbm>> -> memref<10000x128xf32, #tpu.memory_space<hbm>>
          tpu.enqueue_indirect_dma source(%dma_start3A_118 : memref<10000x128xf32, #tpu.memory_space<hbm>>) target(%arg12 : memref<80x128xf32, #tpu.memory_space<vmem>>) offsets(%arg6 : memref<80xi32, #tpu.memory_space<vmem>>) semaphore(%arg16 : memref<!tpu.dma_semaphore, #tpu.memory_space<semaphore_mem>>)
          %add3A_119 = arith.constant 3 : i32
          %add3A_120 = arith.addi %add3A_68, %add3A_119 : i32
          %lt3A_121 = arith.constant 125 : i32
          %lt3A_122 = arith.cmpi slt, %add3A_120, %lt3A_121 : i32
          %convert_element_type3A_123 = arith.extui %lt3A_122 : i1 to i32
          %cond3A_124 = arith.constant 0 : i32
          %cond3A_125 = arith.cmpi ne, %convert_element_type3A_123, %cond3A_124 : i32
          scf.if %cond3A_125 {
            %add3A_126 = arith.constant 3 : i32
            %add3A_127 = arith.addi %add3A_68, %add3A_126 : i32
            %mul3A_128 = arith.constant 80 : i32
            %mul3A_129 = arith.muli %add3A_127, %mul3A_128 : i32
            %add3A_130 = arith.addi %mul3A_4, %mul3A_129 : i32
            %dma_start3A_131 = tpu.memref_slice %arg2[%add3A_130] : memref<320000xi32, #tpu.memory_space<hbm>> -> memref<80xi32, #tpu.memory_space<hbm>>
            %dma_start3A_132 = tpu.memref_slice %arg2[%add3A_130] : memref<320000xi32, #tpu.memory_space<hbm>> -> memref<80xi32, #tpu.memory_space<hbm>>
            tpu.enqueue_dma source(%dma_start3A_132 : memref<80xi32, #tpu.memory_space<hbm>>) target(%arg7 : memref<80xi32, #tpu.memory_space<vmem>>) target_semaphore(%arg17 : memref<!tpu.dma_semaphore, #tpu.memory_space<semaphore_mem>>)
          } else {
          }
        } else {
        }
        %add3A_94 = arith.constant 1 : i32
        %add3A_95 = arith.addi %add3A_68, %add3A_94 : i32
        %lt3A_96 = arith.constant 125 : i32
        %lt3A_97 = arith.cmpi slt, %add3A_95, %lt3A_96 : i32
        %convert_element_type3A_98 = arith.extui %lt3A_97 : i1 to i32
        %cond3A_99 = arith.constant 0 : i32
        %cond3A_100 = arith.cmpi ne, %convert_element_type3A_98, %cond3A_99 : i32
        scf.if %cond3A_100 {
          %add3A_109 = arith.constant 1 : i32
          %add3A_110 = arith.addi %add3A_68, %add3A_109 : i32
          %mul3A_111 = arith.constant 80 : i32
          %mul3A_112 = arith.muli %add3A_110, %mul3A_111 : i32
          %add3A_113 = arith.addi %mul3A_4, %mul3A_112 : i32
          %dma_start3A_114 = tpu.memref_slice %arg3[%add3A_113] : memref<320000xi32, #tpu.memory_space<hbm>> -> memref<80xi32, #tpu.memory_space<hbm>>
          %dma_start3A_115 = tpu.memref_slice %arg3[%add3A_113] : memref<320000xi32, #tpu.memory_space<hbm>> -> memref<80xi32, #tpu.memory_space<hbm>>
          tpu.enqueue_dma source(%dma_start3A_115 : memref<80xi32, #tpu.memory_space<hbm>>) target(%arg11 : memref<80xi32, #tpu.memory_space<vmem>>) target_semaphore(%arg18 : memref<!tpu.dma_semaphore, #tpu.memory_space<semaphore_mem>>)
        } else {
        }
        %mul3A_101 = arith.constant 80 : i32
        %mul3A_102 = arith.muli %add3A_68, %mul3A_101 : i32
        %add3A_103 = arith.addi %mul3A_4, %mul3A_102 : i32
        %dma_wait3A_104 = tpu.memref_slice %arg3[%add3A_103] : memref<320000xi32, #tpu.memory_space<hbm>> -> memref<80xi32, #tpu.memory_space<hbm>>
        %dma_wait3A_105 = tpu.memref_slice %arg3[%add3A_103] : memref<320000xi32, #tpu.memory_space<hbm>> -> memref<80xi32, #tpu.memory_space<hbm>>
        tpu.wait_dma2 semaphore(%arg18 : memref<!tpu.dma_semaphore, #tpu.memory_space<semaphore_mem>>) src(%dma_wait3A_105 : memref<80xi32, #tpu.memory_space<hbm>>) dst(%arg10 : memref<80xi32, #tpu.memory_space<vmem>>)
        %dma_start3A_106 = arith.constant 0 : i32
        %dma_start3A_107 = arith.constant 0 : i32
        %dma_start3A_108 = tpu.memref_slice %arg15[%dma_start3A_106, %dma_start3A_107] : memref<10000x128xf32, #tpu.memory_space<vmem_shared>> -> memref<10000x128xf32, #tpu.memory_space<vmem_shared>>
        tpu.enqueue_indirect_dma source(%arg13 : memref<80x128xf32, #tpu.memory_space<vmem>>) target(%dma_start3A_108 : memref<10000x128xf32, #tpu.memory_space<vmem_shared>>) offsets(%arg10 : memref<80xi32, #tpu.memory_space<vmem>>) semaphore(%arg19 : memref<!tpu.dma_semaphore, #tpu.memory_space<semaphore_mem>>) {add = true}
      } else {
      }
      %add3A_74 = arith.constant 2 : i32
      %add3A_75 = arith.addi %add3A_60, %add3A_74 : i32
      %lt3A_76 = arith.constant 125 : i32
      %lt3A_77 = arith.cmpi slt, %add3A_75, %lt3A_76 : i32
      %convert_element_type3A_78 = arith.extui %lt3A_77 : i1 to i32
      %cond3A_79 = arith.constant 0 : i32
      %cond3A_80 = arith.cmpi ne, %convert_element_type3A_78, %cond3A_79 : i32
      scf.if %cond3A_80 {
        %dma_wait3A_81 = arith.constant 0 : i32
        %dma_wait3A_82 = arith.constant 0 : i32
        %dma_wait3A_83 = tpu.memref_slice %arg4[%dma_wait3A_81, %dma_wait3A_82] : memref<10000x128xf32, #tpu.memory_space<hbm>> -> memref<10000x128xf32, #tpu.memory_space<hbm>>
        tpu.wait_indirect_dma semaphore(%arg16 : memref<!tpu.dma_semaphore, #tpu.memory_space<semaphore_mem>>) src(%dma_wait3A_83 : memref<10000x128xf32, #tpu.memory_space<hbm>>) dst(%arg14 : memref<80x128xf32, #tpu.memory_space<vmem>>)
        %dma_wait3A_84 = arith.constant 0 : i32
        %dma_wait3A_85 = arith.constant 0 : i32
        %dma_wait3A_86 = tpu.memref_slice %arg15[%dma_wait3A_84, %dma_wait3A_85] : memref<10000x128xf32, #tpu.memory_space<vmem_shared>> -> memref<10000x128xf32, #tpu.memory_space<vmem_shared>>
        tpu.wait_indirect_dma semaphore(%arg19 : memref<!tpu.dma_semaphore, #tpu.memory_space<semaphore_mem>>) src(%arg13 : memref<80x128xf32, #tpu.memory_space<vmem>>) dst(%dma_wait3A_86 : memref<10000x128xf32, #tpu.memory_space<vmem_shared>>)
        %add3A_87 = arith.constant 2 : i32
        %add3A_88 = arith.addi %add3A_75, %add3A_87 : i32
        %lt3A_89 = arith.constant 125 : i32
        %lt3A_90 = arith.cmpi slt, %add3A_88, %lt3A_89 : i32
        %convert_element_type3A_91 = arith.extui %lt3A_90 : i1 to i32
        %cond3A_92 = arith.constant 0 : i32
        %cond3A_93 = arith.cmpi ne, %convert_element_type3A_91, %cond3A_92 : i32
        scf.if %cond3A_93 {
          %add3A_109 = arith.constant 2 : i32
          %add3A_110 = arith.addi %add3A_75, %add3A_109 : i32
          %mul3A_111 = arith.constant 80 : i32
          %mul3A_112 = arith.muli %add3A_110, %mul3A_111 : i32
          %add3A_113 = arith.addi %mul3A_4, %mul3A_112 : i32
          %dma_wait3A_114 = tpu.memref_slice %arg2[%add3A_113] : memref<320000xi32, #tpu.memory_space<hbm>> -> memref<80xi32, #tpu.memory_space<hbm>>
          %dma_wait3A_115 = tpu.memref_slice %arg2[%add3A_113] : memref<320000xi32, #tpu.memory_space<hbm>> -> memref<80xi32, #tpu.memory_space<hbm>>
          tpu.wait_dma2 semaphore(%arg17 : memref<!tpu.dma_semaphore, #tpu.memory_space<semaphore_mem>>) src(%dma_wait3A_115 : memref<80xi32, #tpu.memory_space<hbm>>) dst(%arg7 : memref<80xi32, #tpu.memory_space<vmem>>)
          %dma_start3A_116 = arith.constant 0 : i32
          %dma_start3A_117 = arith.constant 0 : i32
          %dma_start3A_118 = tpu.memref_slice %arg4[%dma_start3A_116, %dma_start3A_117] : memref<10000x128xf32, #tpu.memory_space<hbm>> -> memref<10000x128xf32, #tpu.memory_space<hbm>>
          tpu.enqueue_indirect_dma source(%dma_start3A_118 : memref<10000x128xf32, #tpu.memory_space<hbm>>) target(%arg13 : memref<80x128xf32, #tpu.memory_space<vmem>>) offsets(%arg7 : memref<80xi32, #tpu.memory_space<vmem>>) semaphore(%arg16 : memref<!tpu.dma_semaphore, #tpu.memory_space<semaphore_mem>>)
          %add3A_119 = arith.constant 3 : i32
          %add3A_120 = arith.addi %add3A_75, %add3A_119 : i32
          %lt3A_121 = arith.constant 125 : i32
          %lt3A_122 = arith.cmpi slt, %add3A_120, %lt3A_121 : i32
          %convert_element_type3A_123 = arith.extui %lt3A_122 : i1 to i32
          %cond3A_124 = arith.constant 0 : i32
          %cond3A_125 = arith.cmpi ne, %convert_element_type3A_123, %cond3A_124 : i32
          scf.if %cond3A_125 {
            %add3A_126 = arith.constant 3 : i32
            %add3A_127 = arith.addi %add3A_75, %add3A_126 : i32
            %mul3A_128 = arith.constant 80 : i32
            %mul3A_129 = arith.muli %add3A_127, %mul3A_128 : i32
            %add3A_130 = arith.addi %mul3A_4, %mul3A_129 : i32
            %dma_start3A_131 = tpu.memref_slice %arg2[%add3A_130] : memref<320000xi32, #tpu.memory_space<hbm>> -> memref<80xi32, #tpu.memory_space<hbm>>
            %dma_start3A_132 = tpu.memref_slice %arg2[%add3A_130] : memref<320000xi32, #tpu.memory_space<hbm>> -> memref<80xi32, #tpu.memory_space<hbm>>
            tpu.enqueue_dma source(%dma_start3A_132 : memref<80xi32, #tpu.memory_space<hbm>>) target(%arg8 : memref<80xi32, #tpu.memory_space<vmem>>) target_semaphore(%arg17 : memref<!tpu.dma_semaphore, #tpu.memory_space<semaphore_mem>>)
          } else {
          }
        } else {
        }
        %add3A_94 = arith.constant 1 : i32
        %add3A_95 = arith.addi %add3A_75, %add3A_94 : i32
        %lt3A_96 = arith.constant 125 : i32
        %lt3A_97 = arith.cmpi slt, %add3A_95, %lt3A_96 : i32
        %convert_element_type3A_98 = arith.extui %lt3A_97 : i1 to i32
        %cond3A_99 = arith.constant 0 : i32
        %cond3A_100 = arith.cmpi ne, %convert_element_type3A_98, %cond3A_99 : i32
        scf.if %cond3A_100 {
          %add3A_109 = arith.constant 1 : i32
          %add3A_110 = arith.addi %add3A_75, %add3A_109 : i32
          %mul3A_111 = arith.constant 80 : i32
          %mul3A_112 = arith.muli %add3A_110, %mul3A_111 : i32
          %add3A_113 = arith.addi %mul3A_4, %mul3A_112 : i32
          %dma_start3A_114 = tpu.memref_slice %arg3[%add3A_113] : memref<320000xi32, #tpu.memory_space<hbm>> -> memref<80xi32, #tpu.memory_space<hbm>>
          %dma_start3A_115 = tpu.memref_slice %arg3[%add3A_113] : memref<320000xi32, #tpu.memory_space<hbm>> -> memref<80xi32, #tpu.memory_space<hbm>>
          tpu.enqueue_dma source(%dma_start3A_115 : memref<80xi32, #tpu.memory_space<hbm>>) target(%arg9 : memref<80xi32, #tpu.memory_space<vmem>>) target_semaphore(%arg18 : memref<!tpu.dma_semaphore, #tpu.memory_space<semaphore_mem>>)
        } else {
        }
        %mul3A_101 = arith.constant 80 : i32
        %mul3A_102 = arith.muli %add3A_75, %mul3A_101 : i32
        %add3A_103 = arith.addi %mul3A_4, %mul3A_102 : i32
        %dma_wait3A_104 = tpu.memref_slice %arg3[%add3A_103] : memref<320000xi32, #tpu.memory_space<hbm>> -> memref<80xi32, #tpu.memory_space<hbm>>
        %dma_wait3A_105 = tpu.memref_slice %arg3[%add3A_103] : memref<320000xi32, #tpu.memory_space<hbm>> -> memref<80xi32, #tpu.memory_space<hbm>>
        tpu.wait_dma2 semaphore(%arg18 : memref<!tpu.dma_semaphore, #tpu.memory_space<semaphore_mem>>) src(%dma_wait3A_105 : memref<80xi32, #tpu.memory_space<hbm>>) dst(%arg11 : memref<80xi32, #tpu.memory_space<vmem>>)
        %dma_start3A_106 = arith.constant 0 : i32
        %dma_start3A_107 = arith.constant 0 : i32
        %dma_start3A_108 = tpu.memref_slice %arg15[%dma_start3A_106, %dma_start3A_107] : memref<10000x128xf32, #tpu.memory_space<vmem_shared>> -> memref<10000x128xf32, #tpu.memory_space<vmem_shared>>
        tpu.enqueue_indirect_dma source(%arg14 : memref<80x128xf32, #tpu.memory_space<vmem>>) target(%dma_start3A_108 : memref<10000x128xf32, #tpu.memory_space<vmem_shared>>) offsets(%arg11 : memref<80xi32, #tpu.memory_space<vmem>>) semaphore(%arg19 : memref<!tpu.dma_semaphore, #tpu.memory_space<semaphore_mem>>) {add = true}
      } else {
      }
    }
    %scan3A_47 = arith.constant 42 : i32
    %dma_wait3A = arith.constant 0 : i32
    %dma_wait3A_48 = arith.constant 0 : i32
    %dma_wait3A_49 = tpu.memref_slice %arg15[%dma_wait3A, %dma_wait3A_48] : memref<10000x128xf32, #tpu.memory_space<vmem_shared>> -> memref<10000x128xf32, #tpu.memory_space<vmem_shared>>
    tpu.wait_indirect_dma semaphore(%arg19 : memref<!tpu.dma_semaphore, #tpu.memory_space<semaphore_mem>>) src(%arg13 : memref<80x128xf32, #tpu.memory_space<vmem>>) dst(%dma_wait3A_49 : memref<10000x128xf32, #tpu.memory_space<vmem_shared>>)
    %barrier3A_50 = arith.constant 0 : index
    tpu.barrier barrier_id(%barrier3A_50)
    "tpu.region"() ({
      %run_scoped3A = tpu.sem_alloc : memref<!tpu.dma_semaphore, #tpu.memory_space<semaphore_mem>>
      %dma_start3A_56 = arith.constant 0 : i32
      %dma_start3A_57 = tpu.memref_slice %arg5[%arg0, %mul3A_2, %dma_start3A_56] : memref<2x10000x128xf32, #tpu.memory_space<hbm>> -> memref<1x624x128xf32, #tpu.memory_space<hbm>>
      %dma_start3A_58 = tpu.memref_squeeze %dma_start3A_57 : memref<1x624x128xf32, #tpu.memory_space<hbm>> -> memref<624x128xf32, #tpu.memory_space<hbm>>
      %dma_start3A_59 = arith.constant 0 : i32
      %dma_start3A_60 = tpu.memref_slice %arg15[%mul3A_2, %dma_start3A_59] : memref<10000x128xf32, #tpu.memory_space<vmem_shared>> -> memref<624x128xf32, #tpu.memory_space<vmem_shared>>
      tpu.enqueue_dma source(%dma_start3A_60 : memref<624x128xf32, #tpu.memory_space<vmem_shared>>) target(%dma_start3A_58 : memref<624x128xf32, #tpu.memory_space<hbm>>) target_semaphore(%run_scoped3A : memref<!tpu.dma_semaphore, #tpu.memory_space<semaphore_mem>>)
      %dma_wait3A_61 = arith.constant 0 : i32
      %dma_wait3A_62 = tpu.memref_slice %arg5[%arg0, %mul3A_2, %dma_wait3A_61] : memref<2x10000x128xf32, #tpu.memory_space<hbm>> -> memref<1x624x128xf32, #tpu.memory_space<hbm>>
      %dma_wait3A_63 = tpu.memref_squeeze %dma_wait3A_62 : memref<1x624x128xf32, #tpu.memory_space<hbm>> -> memref<624x128xf32, #tpu.memory_space<hbm>>
      %dma_wait3A_64 = arith.constant 0 : i32
      %dma_wait3A_65 = tpu.memref_slice %arg15[%mul3A_2, %dma_wait3A_64] : memref<10000x128xf32, #tpu.memory_space<vmem_shared>> -> memref<624x128xf32, #tpu.memory_space<vmem_shared>>
      tpu.wait_dma2 semaphore(%run_scoped3A : memref<!tpu.dma_semaphore, #tpu.memory_space<semaphore_mem>>) src(%dma_wait3A_65 : memref<624x128xf32, #tpu.memory_space<vmem_shared>>) dst(%dma_wait3A_63 : memref<624x128xf32, #tpu.memory_space<hbm>>)
      tpu.yield
    }) : () -> ()
    %eq3A_51 = arith.constant 15 : i32
    %eq3A_52 = arith.cmpi eq, %arg1, %eq3A_51 : i32
    %convert_element_type3A_53 = arith.extui %eq3A_52 : i1 to i32
    %cond3A_54 = arith.constant 0 : i32
    %cond3A_55 = arith.cmpi ne, %convert_element_type3A_53, %cond3A_54 : i32
    scf.if %cond3A_55 {
      "tpu.region"() ({
        %run_scoped3A = tpu.sem_alloc : memref<!tpu.dma_semaphore, #tpu.memory_space<semaphore_mem>>
        %dma_start3A_56 = arith.constant 9984 : i32
        %dma_start3A_57 = arith.constant 0 : i32
        %dma_start3A_58 = tpu.memref_slice %arg5[%arg0, %dma_start3A_56, %dma_start3A_57] : memref<2x10000x128xf32, #tpu.memory_space<hbm>> -> memref<1x16x128xf32, #tpu.memory_space<hbm>>
        %dma_start3A_59 = tpu.memref_squeeze %dma_start3A_58 : memref<1x16x128xf32, #tpu.memory_space<hbm>> -> memref<16x128xf32, #tpu.memory_space<hbm>>
        %dma_start3A_60 = arith.constant 9984 : i32
        %dma_start3A_61 = arith.constant 0 : i32
        %dma_start3A_62 = tpu.memref_slice %arg15[%dma_start3A_60, %dma_start3A_61] : memref<10000x128xf32, #tpu.memory_space<vmem_shared>> -> memref<16x128xf32, #tpu.memory_space<vmem_shared>>
        tpu.enqueue_dma source(%dma_start3A_62 : memref<16x128xf32, #tpu.memory_space<vmem_shared>>) target(%dma_start3A_59 : memref<16x128xf32, #tpu.memory_space<hbm>>) target_semaphore(%run_scoped3A : memref<!tpu.dma_semaphore, #tpu.memory_space<semaphore_mem>>)
        %dma_wait3A_63 = arith.constant 9984 : i32
        %dma_wait3A_64 = arith.constant 0 : i32
        %dma_wait3A_65 = tpu.memref_slice %arg5[%arg0, %dma_wait3A_63, %dma_wait3A_64] : memref<2x10000x128xf32, #tpu.memory_space<hbm>> -> memref<1x16x128xf32, #tpu.memory_space<hbm>>
        %dma_wait3A_66 = tpu.memref_squeeze %dma_wait3A_65 : memref<1x16x128xf32, #tpu.memory_space<hbm>> -> memref<16x128xf32, #tpu.memory_space<hbm>>
        %dma_wait3A_67 = arith.constant 9984 : i32
        %dma_wait3A_68 = arith.constant 0 : i32
        %dma_wait3A_69 = tpu.memref_slice %arg15[%dma_wait3A_67, %dma_wait3A_68] : memref<10000x128xf32, #tpu.memory_space<vmem_shared>> -> memref<16x128xf32, #tpu.memory_space<vmem_shared>>
        tpu.wait_dma2 semaphore(%run_scoped3A : memref<!tpu.dma_semaphore, #tpu.memory_space<semaphore_mem>>) src(%dma_wait3A_69 : memref<16x128xf32, #tpu.memory_space<vmem_shared>>) dst(%dma_wait3A_66 : memref<16x128xf32, #tpu.memory_space<hbm>>)
        tpu.yield
      }) : () -> ()
    } else {
    }
    return
  }
}

#map = affine_map<(d0, d1) -> (0)>
#map1 = affine_map<(d0, d1) -> (0, 0)>
#map2 = affine_map<(d0, d1) -> (0, 0, 0)>
module attributes {stable_mosaic.version = 14 : i64} {
  func.func @_sc_feat_body(%arg0: i32, %arg1: i32, %arg2: memref<320000xi32, #tpu.memory_space<hbm>>, %arg3: memref<320000xi32, #tpu.memory_space<hbm>>, %arg4: memref<10000x128xf32, #tpu.memory_space<hbm>>, %arg5: memref<2x10000x128xf32, #tpu.memory_space<hbm>>, %arg6: memref<80xi32, #tpu.memory_space<vmem>>, %arg7: memref<80xi32, #tpu.memory_space<vmem>>, %arg8: memref<80xi32, #tpu.memory_space<vmem>>, %arg9: memref<80xi32, #tpu.memory_space<vmem>>, %arg10: memref<80xi32, #tpu.memory_space<vmem>>, %arg11: memref<80xi32, #tpu.memory_space<vmem>>, %arg12: memref<80x128xf32, #tpu.memory_space<vmem>>, %arg13: memref<80x128xf32, #tpu.memory_space<vmem>>, %arg14: memref<80x128xf32, #tpu.memory_space<vmem>>, %arg15: memref<10000x128xf32, #tpu.memory_space<vmem_shared>>, %arg16: memref<!tpu.dma_semaphore, #tpu.memory_space<semaphore_mem>>, %arg17: memref<!tpu.dma_semaphore, #tpu.memory_space<semaphore_mem>>, %arg18: memref<!tpu.dma_semaphore, #tpu.memory_space<semaphore_mem>>, %arg19: memref<!tpu.dma_semaphore, #tpu.memory_space<semaphore_mem>>) attributes {dimension_semantics = [#tpu.dimension_semantics<core_parallel>, #tpu.dimension_semantics<subcore_parallel>], iteration_bounds = array<i64: 2, 16>, scalar_prefetch = 0 : i64, scratch_operands = 14 : i64, tpu.core_type = #tpu.core_type<sc_vector_subcore>, window_params = [{transform_indices = #map}, {transform_indices = #map}, {transform_indices = #map1}, {transform_indices = #map2}]} {
    %mul3A = arith.constant 2 : i32
    %mul3A_0 = arith.muli %arg1, %mul3A : i32
    %add3A = arith.addi %mul3A_0, %arg0 : i32
    %mul3A_1 = arith.constant 624 : i32
    %mul3A_2 = arith.muli %arg1, %mul3A_1 : i32
    %mul3A_3 = arith.constant 10000 : i32
    %mul3A_4 = arith.muli %add3A, %mul3A_3 : i32
    %scan3A = arith.constant 0 : i32
    %scan3A_5 = arith.constant 0 : i32
    %scan3A_6 = arith.constant 640 : i32
    %scan3A_7 = arith.addi %scan3A_5, %scan3A_6 : i32
    %scan3A_8 = arith.constant 1 : i32
    scf.for %scan3A_56 = %scan3A_5 to %scan3A_7 step %scan3A_8  : i32 {
      %jit3A = arith.constant 8 : i32
      %div3A = arith.divsi %scan3A_56, %jit3A : i32
      %sign3A = arith.constant 0 : i32
      %sign3A_57 = arith.cmpi sgt, %scan3A_56, %sign3A : i32
      %sign3A_58 = arith.extui %sign3A_57 : i1 to i32
      %sign3A_59 = arith.constant 0 : i32
      %sign3A_60 = arith.cmpi slt, %scan3A_56, %sign3A_59 : i32
      %sign3A_61 = arith.extui %sign3A_60 : i1 to i32
      %sign3A_62 = arith.subi %sign3A_58, %sign3A_61 : i32
      %sign3A_63 = arith.constant 0 : i32
      %sign3A_64 = arith.cmpi sgt, %jit3A, %sign3A_63 : i32
      %sign3A_65 = arith.extui %sign3A_64 : i1 to i32
      %sign3A_66 = arith.constant 0 : i32
      %sign3A_67 = arith.cmpi slt, %jit3A, %sign3A_66 : i32
      %sign3A_68 = arith.extui %sign3A_67 : i1 to i32
      %sign3A_69 = arith.subi %sign3A_65, %sign3A_68 : i32
      %ne3A = arith.cmpi ne, %sign3A_62, %sign3A_69 : i32
      %rem3A = arith.remsi %scan3A_56, %jit3A : i32
      %ne3A_70 = arith.constant 0 : i32
      %ne3A_71 = arith.cmpi ne, %rem3A, %ne3A_70 : i32
      %and3A = arith.andi %ne3A, %ne3A_71 : i1
      %sub3A = arith.constant 1 : i32
      %sub3A_72 = arith.subi %div3A, %sub3A : i32
      %select_n3A = arith.select %and3A, %sub3A_72, %div3A : i32
      %jit3A_73 = arith.constant 8 : i32
      %eq3A_74 = arith.constant 0 : i32
      %eq3A_75 = arith.cmpi eq, %jit3A_73, %eq3A_74 : i32
      %jit3A_76 = arith.constant 1 : i32
      %select_n3A_77 = arith.select %eq3A_75, %jit3A_76, %jit3A_73 : i32
      %rem3A_78 = arith.remsi %scan3A_56, %select_n3A_77 : i32
      %ne3A_79 = arith.constant 0 : i32
      %ne3A_80 = arith.cmpi ne, %rem3A_78, %ne3A_79 : i32
      %lt3A = arith.constant 0 : i32
      %lt3A_81 = arith.cmpi slt, %rem3A_78, %lt3A : i32
      %lt3A_82 = arith.constant 0 : i32
      %lt3A_83 = arith.cmpi slt, %select_n3A_77, %lt3A_82 : i32
      %ne3A_84 = arith.xori %lt3A_81, %lt3A_83 : i1
      %and3A_85 = arith.andi %ne3A_84, %ne3A_80 : i1
      %add3A_86 = arith.addi %rem3A_78, %select_n3A_77 : i32
      %select_n3A_87 = arith.select %and3A_85, %add3A_86, %rem3A_78 : i32
      %broadcast_in_dim3A = arith.constant 0.000000e+00 : f32
      %broadcast_in_dim3A_88 = vector.broadcast %broadcast_in_dim3A : f32 to vector<16xf32>
      %mul3A_89 = arith.constant 16 : i32
      %mul3A_90 = arith.muli %select_n3A_87, %mul3A_89 : i32
      %swap3A = arith.index_cast %select_n3A : i32 to index
      %swap3A_91 = arith.index_cast %mul3A_90 : i32 to index
      %swap3A_92 = tpu.vector_load %arg12[%swap3A, %swap3A_91] {strides = array<i32>} : memref<80x128xf32, #tpu.memory_space<vmem>>, vector<1x16xf32>,
      %swap3A_93 = vector.shape_cast %swap3A_92 : vector<1x16xf32> to vector<16xf32>
      %swap3A_94 = vector.shape_cast %broadcast_in_dim3A_88 : vector<16xf32> to vector<1x16xf32>
      tpu.vector_store %arg12[%swap3A, %swap3A_91], %swap3A_94 {strides = array<i32>} : memref<80x128xf32, #tpu.memory_space<vmem>>, vector<1x16xf32>,
    }
    %scan3A_9 = arith.constant 640 : i32
    %add3A_10 = arith.constant 0 : i32
    %add3A_11 = arith.addi %mul3A_2, %add3A_10 : i32
    "tpu.region"() ({
      %run_scoped3A = tpu.sem_alloc : memref<!tpu.dma_semaphore, #tpu.memory_space<semaphore_mem>>
      %dma_start3A_56 = arith.constant 0 : i32
      %dma_start3A_57 = tpu.memref_slice %arg15[%add3A_11, %dma_start3A_56] : memref<10000x128xf32, #tpu.memory_space<vmem_shared>> -> memref<80x128xf32, #tpu.memory_space<vmem_shared>>
      %dma_start3A_58 = arith.constant 0 : i32
      %dma_start3A_59 = tpu.memref_slice %arg15[%add3A_11, %dma_start3A_58] : memref<10000x128xf32, #tpu.memory_space<vmem_shared>> -> memref<80x128xf32, #tpu.memory_space<vmem_shared>>
      tpu.enqueue_dma source(%arg12 : memref<80x128xf32, #tpu.memory_space<vmem>>) target(%dma_start3A_59 : memref<80x128xf32, #tpu.memory_space<vmem_shared>>) target_semaphore(%run_scoped3A : memref<!tpu.dma_semaphore, #tpu.memory_space<semaphore_mem>>)
      %dma_wait3A_60 = arith.constant 0 : i32
      %dma_wait3A_61 = tpu.memref_slice %arg15[%add3A_11, %dma_wait3A_60] : memref<10000x128xf32, #tpu.memory_space<vmem_shared>> -> memref<80x128xf32, #tpu.memory_space<vmem_shared>>
      %dma_wait3A_62 = arith.constant 0 : i32
      %dma_wait3A_63 = tpu.memref_slice %arg15[%add3A_11, %dma_wait3A_62] : memref<10000x128xf32, #tpu.memory_space<vmem_shared>> -> memref<80x128xf32, #tpu.memory_space<vmem_shared>>
      tpu.wait_dma2 semaphore(%run_scoped3A : memref<!tpu.dma_semaphore, #tpu.memory_space<semaphore_mem>>) src(%arg12 : memref<80x128xf32, #tpu.memory_space<vmem>>) dst(%dma_wait3A_63 : memref<80x128xf32, #tpu.memory_space<vmem_shared>>)
      tpu.yield
    }) : () -> ()
    %add3A_12 = arith.constant 80 : i32
    %add3A_13 = arith.addi %mul3A_2, %add3A_12 : i32
    "tpu.region"() ({
      %run_scoped3A = tpu.sem_alloc : memref<!tpu.dma_semaphore, #tpu.memory_space<semaphore_mem>>
      %dma_start3A_56 = arith.constant 0 : i32
      %dma_start3A_57 = tpu.memref_slice %arg15[%add3A_13, %dma_start3A_56] : memref<10000x128xf32, #tpu.memory_space<vmem_shared>> -> memref<80x128xf32, #tpu.memory_space<vmem_shared>>
      %dma_start3A_58 = arith.constant 0 : i32
      %dma_start3A_59 = tpu.memref_slice %arg15[%add3A_13, %dma_start3A_58] : memref<10000x128xf32, #tpu.memory_space<vmem_shared>> -> memref<80x128xf32, #tpu.memory_space<vmem_shared>>
      tpu.enqueue_dma source(%arg12 : memref<80x128xf32, #tpu.memory_space<vmem>>) target(%dma_start3A_59 : memref<80x128xf32, #tpu.memory_space<vmem_shared>>) target_semaphore(%run_scoped3A : memref<!tpu.dma_semaphore, #tpu.memory_space<semaphore_mem>>)
      %dma_wait3A_60 = arith.constant 0 : i32
      %dma_wait3A_61 = tpu.memref_slice %arg15[%add3A_13, %dma_wait3A_60] : memref<10000x128xf32, #tpu.memory_space<vmem_shared>> -> memref<80x128xf32, #tpu.memory_space<vmem_shared>>
      %dma_wait3A_62 = arith.constant 0 : i32
      %dma_wait3A_63 = tpu.memref_slice %arg15[%add3A_13, %dma_wait3A_62] : memref<10000x128xf32, #tpu.memory_space<vmem_shared>> -> memref<80x128xf32, #tpu.memory_space<vmem_shared>>
      tpu.wait_dma2 semaphore(%run_scoped3A : memref<!tpu.dma_semaphore, #tpu.memory_space<semaphore_mem>>) src(%arg12 : memref<80x128xf32, #tpu.memory_space<vmem>>) dst(%dma_wait3A_63 : memref<80x128xf32, #tpu.memory_space<vmem_shared>>)
      tpu.yield
    }) : () -> ()
    %add3A_14 = arith.constant 160 : i32
    %add3A_15 = arith.addi %mul3A_2, %add3A_14 : i32
    "tpu.region"() ({
      %run_scoped3A = tpu.sem_alloc : memref<!tpu.dma_semaphore, #tpu.memory_space<semaphore_mem>>
      %dma_start3A_56 = arith.constant 0 : i32
      %dma_start3A_57 = tpu.memref_slice %arg15[%add3A_15, %dma_start3A_56] : memref<10000x128xf32, #tpu.memory_space<vmem_shared>> -> memref<80x128xf32, #tpu.memory_space<vmem_shared>>
      %dma_start3A_58 = arith.constant 0 : i32
      %dma_start3A_59 = tpu.memref_slice %arg15[%add3A_15, %dma_start3A_58] : memref<10000x128xf32, #tpu.memory_space<vmem_shared>> -> memref<80x128xf32, #tpu.memory_space<vmem_shared>>
      tpu.enqueue_dma source(%arg12 : memref<80x128xf32, #tpu.memory_space<vmem>>) target(%dma_start3A_59 : memref<80x128xf32, #tpu.memory_space<vmem_shared>>) target_semaphore(%run_scoped3A : memref<!tpu.dma_semaphore, #tpu.memory_space<semaphore_mem>>)
      %dma_wait3A_60 = arith.constant 0 : i32
      %dma_wait3A_61 = tpu.memref_slice %arg15[%add3A_15, %dma_wait3A_60] : memref<10000x128xf32, #tpu.memory_space<vmem_shared>> -> memref<80x128xf32, #tpu.memory_space<vmem_shared>>
      %dma_wait3A_62 = arith.constant 0 : i32
      %dma_wait3A_63 = tpu.memref_slice %arg15[%add3A_15, %dma_wait3A_62] : memref<10000x128xf32, #tpu.memory_space<vmem_shared>> -> memref<80x128xf32, #tpu.memory_space<vmem_shared>>
      tpu.wait_dma2 semaphore(%run_scoped3A : memref<!tpu.dma_semaphore, #tpu.memory_space<semaphore_mem>>) src(%arg12 : memref<80x128xf32, #tpu.memory_space<vmem>>) dst(%dma_wait3A_63 : memref<80x128xf32, #tpu.memory_space<vmem_shared>>)
      tpu.yield
    }) : () -> ()
    %add3A_16 = arith.constant 240 : i32
    %add3A_17 = arith.addi %mul3A_2, %add3A_16 : i32
    "tpu.region"() ({
      %run_scoped3A = tpu.sem_alloc : memref<!tpu.dma_semaphore, #tpu.memory_space<semaphore_mem>>
      %dma_start3A_56 = arith.constant 0 : i32
      %dma_start3A_57 = tpu.memref_slice %arg15[%add3A_17, %dma_start3A_56] : memref<10000x128xf32, #tpu.memory_space<vmem_shared>> -> memref<80x128xf32, #tpu.memory_space<vmem_shared>>
      %dma_start3A_58 = arith.constant 0 : i32
      %dma_start3A_59 = tpu.memref_slice %arg15[%add3A_17, %dma_start3A_58] : memref<10000x128xf32, #tpu.memory_space<vmem_shared>> -> memref<80x128xf32, #tpu.memory_space<vmem_shared>>
      tpu.enqueue_dma source(%arg12 : memref<80x128xf32, #tpu.memory_space<vmem>>) target(%dma_start3A_59 : memref<80x128xf32, #tpu.memory_space<vmem_shared>>) target_semaphore(%run_scoped3A : memref<!tpu.dma_semaphore, #tpu.memory_space<semaphore_mem>>)
      %dma_wait3A_60 = arith.constant 0 : i32
      %dma_wait3A_61 = tpu.memref_slice %arg15[%add3A_17, %dma_wait3A_60] : memref<10000x128xf32, #tpu.memory_space<vmem_shared>> -> memref<80x128xf32, #tpu.memory_space<vmem_shared>>
      %dma_wait3A_62 = arith.constant 0 : i32
      %dma_wait3A_63 = tpu.memref_slice %arg15[%add3A_17, %dma_wait3A_62] : memref<10000x128xf32, #tpu.memory_space<vmem_shared>> -> memref<80x128xf32, #tpu.memory_space<vmem_shared>>
      tpu.wait_dma2 semaphore(%run_scoped3A : memref<!tpu.dma_semaphore, #tpu.memory_space<semaphore_mem>>) src(%arg12 : memref<80x128xf32, #tpu.memory_space<vmem>>) dst(%dma_wait3A_63 : memref<80x128xf32, #tpu.memory_space<vmem_shared>>)
      tpu.yield
    }) : () -> ()
    %add3A_18 = arith.constant 320 : i32
    %add3A_19 = arith.addi %mul3A_2, %add3A_18 : i32
    "tpu.region"() ({
      %run_scoped3A = tpu.sem_alloc : memref<!tpu.dma_semaphore, #tpu.memory_space<semaphore_mem>>
      %dma_start3A_56 = arith.constant 0 : i32
      %dma_start3A_57 = tpu.memref_slice %arg15[%add3A_19, %dma_start3A_56] : memref<10000x128xf32, #tpu.memory_space<vmem_shared>> -> memref<80x128xf32, #tpu.memory_space<vmem_shared>>
      %dma_start3A_58 = arith.constant 0 : i32
      %dma_start3A_59 = tpu.memref_slice %arg15[%add3A_19, %dma_start3A_58] : memref<10000x128xf32, #tpu.memory_space<vmem_shared>> -> memref<80x128xf32, #tpu.memory_space<vmem_shared>>
      tpu.enqueue_dma source(%arg12 : memref<80x128xf32, #tpu.memory_space<vmem>>) target(%dma_start3A_59 : memref<80x128xf32, #tpu.memory_space<vmem_shared>>) target_semaphore(%run_scoped3A : memref<!tpu.dma_semaphore, #tpu.memory_space<semaphore_mem>>)
      %dma_wait3A_60 = arith.constant 0 : i32
      %dma_wait3A_61 = tpu.memref_slice %arg15[%add3A_19, %dma_wait3A_60] : memref<10000x128xf32, #tpu.memory_space<vmem_shared>> -> memref<80x128xf32, #tpu.memory_space<vmem_shared>>
      %dma_wait3A_62 = arith.constant 0 : i32
      %dma_wait3A_63 = tpu.memref_slice %arg15[%add3A_19, %dma_wait3A_62] : memref<10000x128xf32, #tpu.memory_space<vmem_shared>> -> memref<80x128xf32, #tpu.memory_space<vmem_shared>>
      tpu.wait_dma2 semaphore(%run_scoped3A : memref<!tpu.dma_semaphore, #tpu.memory_space<semaphore_mem>>) src(%arg12 : memref<80x128xf32, #tpu.memory_space<vmem>>) dst(%dma_wait3A_63 : memref<80x128xf32, #tpu.memory_space<vmem_shared>>)
      tpu.yield
    }) : () -> ()
    %add3A_20 = arith.constant 400 : i32
    %add3A_21 = arith.addi %mul3A_2, %add3A_20 : i32
    "tpu.region"() ({
      %run_scoped3A = tpu.sem_alloc : memref<!tpu.dma_semaphore, #tpu.memory_space<semaphore_mem>>
      %dma_start3A_56 = arith.constant 0 : i32
      %dma_start3A_57 = tpu.memref_slice %arg15[%add3A_21, %dma_start3A_56] : memref<10000x128xf32, #tpu.memory_space<vmem_shared>> -> memref<80x128xf32, #tpu.memory_space<vmem_shared>>
      %dma_start3A_58 = arith.constant 0 : i32
      %dma_start3A_59 = tpu.memref_slice %arg15[%add3A_21, %dma_start3A_58] : memref<10000x128xf32, #tpu.memory_space<vmem_shared>> -> memref<80x128xf32, #tpu.memory_space<vmem_shared>>
      tpu.enqueue_dma source(%arg12 : memref<80x128xf32, #tpu.memory_space<vmem>>) target(%dma_start3A_59 : memref<80x128xf32, #tpu.memory_space<vmem_shared>>) target_semaphore(%run_scoped3A : memref<!tpu.dma_semaphore, #tpu.memory_space<semaphore_mem>>)
      %dma_wait3A_60 = arith.constant 0 : i32
      %dma_wait3A_61 = tpu.memref_slice %arg15[%add3A_21, %dma_wait3A_60] : memref<10000x128xf32, #tpu.memory_space<vmem_shared>> -> memref<80x128xf32, #tpu.memory_space<vmem_shared>>
      %dma_wait3A_62 = arith.constant 0 : i32
      %dma_wait3A_63 = tpu.memref_slice %arg15[%add3A_21, %dma_wait3A_62] : memref<10000x128xf32, #tpu.memory_space<vmem_shared>> -> memref<80x128xf32, #tpu.memory_space<vmem_shared>>
      tpu.wait_dma2 semaphore(%run_scoped3A : memref<!tpu.dma_semaphore, #tpu.memory_space<semaphore_mem>>) src(%arg12 : memref<80x128xf32, #tpu.memory_space<vmem>>) dst(%dma_wait3A_63 : memref<80x128xf32, #tpu.memory_space<vmem_shared>>)
      tpu.yield
    }) : () -> ()
    %add3A_22 = arith.constant 480 : i32
    %add3A_23 = arith.addi %mul3A_2, %add3A_22 : i32
    "tpu.region"() ({
      %run_scoped3A = tpu.sem_alloc : memref<!tpu.dma_semaphore, #tpu.memory_space<semaphore_mem>>
      %dma_start3A_56 = arith.constant 0 : i32
      %dma_start3A_57 = tpu.memref_slice %arg15[%add3A_23, %dma_start3A_56] : memref<10000x128xf32, #tpu.memory_space<vmem_shared>> -> memref<80x128xf32, #tpu.memory_space<vmem_shared>>
      %dma_start3A_58 = arith.constant 0 : i32
      %dma_start3A_59 = tpu.memref_slice %arg15[%add3A_23, %dma_start3A_58] : memref<10000x128xf32, #tpu.memory_space<vmem_shared>> -> memref<80x128xf32, #tpu.memory_space<vmem_shared>>
      tpu.enqueue_dma source(%arg12 : memref<80x128xf32, #tpu.memory_space<vmem>>) target(%dma_start3A_59 : memref<80x128xf32, #tpu.memory_space<vmem_shared>>) target_semaphore(%run_scoped3A : memref<!tpu.dma_semaphore, #tpu.memory_space<semaphore_mem>>)
      %dma_wait3A_60 = arith.constant 0 : i32
      %dma_wait3A_61 = tpu.memref_slice %arg15[%add3A_23, %dma_wait3A_60] : memref<10000x128xf32, #tpu.memory_space<vmem_shared>> -> memref<80x128xf32, #tpu.memory_space<vmem_shared>>
      %dma_wait3A_62 = arith.constant 0 : i32
      %dma_wait3A_63 = tpu.memref_slice %arg15[%add3A_23, %dma_wait3A_62] : memref<10000x128xf32, #tpu.memory_space<vmem_shared>> -> memref<80x128xf32, #tpu.memory_space<vmem_shared>>
      tpu.wait_dma2 semaphore(%run_scoped3A : memref<!tpu.dma_semaphore, #tpu.memory_space<semaphore_mem>>) src(%arg12 : memref<80x128xf32, #tpu.memory_space<vmem>>) dst(%dma_wait3A_63 : memref<80x128xf32, #tpu.memory_space<vmem_shared>>)
      tpu.yield
    }) : () -> ()
    %add3A_24 = arith.constant 560 : i32
    %add3A_25 = arith.addi %mul3A_2, %add3A_24 : i32
    "tpu.region"() ({
      %run_scoped3A = tpu.sem_alloc : memref<!tpu.dma_semaphore, #tpu.memory_space<semaphore_mem>>
      %dma_start3A_56 = arith.constant 0 : i32
      %dma_start3A_57 = arith.constant 0 : i32
      %dma_start3A_58 = tpu.memref_slice %arg12[%dma_start3A_56, %dma_start3A_57] : memref<80x128xf32, #tpu.memory_space<vmem>> -> memref<64x128xf32, #tpu.memory_space<vmem>>
      %dma_start3A_59 = arith.constant 0 : i32
      %dma_start3A_60 = tpu.memref_slice %arg15[%add3A_25, %dma_start3A_59] : memref<10000x128xf32, #tpu.memory_space<vmem_shared>> -> memref<64x128xf32, #tpu.memory_space<vmem_shared>>
      %dma_start3A_61 = arith.constant 0 : i32
      %dma_start3A_62 = tpu.memref_slice %arg15[%add3A_25, %dma_start3A_61] : memref<10000x128xf32, #tpu.memory_space<vmem_shared>> -> memref<64x128xf32, #tpu.memory_space<vmem_shared>>
      %dma_start3A_63 = arith.constant 0 : i32
      %dma_start3A_64 = arith.constant 0 : i32
      %dma_start3A_65 = tpu.memref_slice %arg12[%dma_start3A_63, %dma_start3A_64] : memref<80x128xf32, #tpu.memory_space<vmem>> -> memref<64x128xf32, #tpu.memory_space<vmem>>
      tpu.enqueue_dma source(%dma_start3A_65 : memref<64x128xf32, #tpu.memory_space<vmem>>) target(%dma_start3A_62 : memref<64x128xf32, #tpu.memory_space<vmem_shared>>) target_semaphore(%run_scoped3A : memref<!tpu.dma_semaphore, #tpu.memory_space<semaphore_mem>>)
      %dma_wait3A_66 = arith.constant 0 : i32
      %dma_wait3A_67 = arith.constant 0 : i32
      %dma_wait3A_68 = tpu.memref_slice %arg12[%dma_wait3A_66, %dma_wait3A_67] : memref<80x128xf32, #tpu.memory_space<vmem>> -> memref<64x128xf32, #tpu.memory_space<vmem>>
      %dma_wait3A_69 = arith.constant 0 : i32
      %dma_wait3A_70 = tpu.memref_slice %arg15[%add3A_25, %dma_wait3A_69] : memref<10000x128xf32, #tpu.memory_space<vmem_shared>> -> memref<64x128xf32, #tpu.memory_space<vmem_shared>>
      %dma_wait3A_71 = arith.constant 0 : i32
      %dma_wait3A_72 = tpu.memref_slice %arg15[%add3A_25, %dma_wait3A_71] : memref<10000x128xf32, #tpu.memory_space<vmem_shared>> -> memref<64x128xf32, #tpu.memory_space<vmem_shared>>
      %dma_wait3A_73 = arith.constant 0 : i32
      %dma_wait3A_74 = arith.constant 0 : i32
      %dma_wait3A_75 = tpu.memref_slice %arg12[%dma_wait3A_73, %dma_wait3A_74] : memref<80x128xf32, #tpu.memory_space<vmem>> -> memref<64x128xf32, #tpu.memory_space<vmem>>
      tpu.wait_dma2 semaphore(%run_scoped3A : memref<!tpu.dma_semaphore, #tpu.memory_space<semaphore_mem>>) src(%dma_wait3A_75 : memref<64x128xf32, #tpu.memory_space<vmem>>) dst(%dma_wait3A_72 : memref<64x128xf32, #tpu.memory_space<vmem_shared>>)
      tpu.yield
    }) : () -> ()
    %eq3A = arith.constant 15 : i32
    %eq3A_26 = arith.cmpi eq, %arg1, %eq3A : i32
    %convert_element_type3A = arith.extui %eq3A_26 : i1 to i32
    %cond3A = arith.constant 0 : i32
    %cond3A_27 = arith.cmpi ne, %convert_element_type3A, %cond3A : i32
    scf.if %cond3A_27 {
      "tpu.region"() ({
        %run_scoped3A = tpu.sem_alloc : memref<!tpu.dma_semaphore, #tpu.memory_space<semaphore_mem>>
        %dma_start3A_56 = arith.constant 0 : i32
        %dma_start3A_57 = arith.constant 0 : i32
        %dma_start3A_58 = tpu.memref_slice %arg12[%dma_start3A_56, %dma_start3A_57] : memref<80x128xf32, #tpu.memory_space<vmem>> -> memref<16x128xf32, #tpu.memory_space<vmem>>
        %dma_start3A_59 = arith.constant 9984 : i32
        %dma_start3A_60 = arith.constant 0 : i32
        %dma_start3A_61 = tpu.memref_slice %arg15[%dma_start3A_59, %dma_start3A_60] : memref<10000x128xf32, #tpu.memory_space<vmem_shared>> -> memref<16x128xf32, #tpu.memory_space<vmem_shared>>
        %dma_start3A_62 = arith.constant 9984 : i32
        %dma_start3A_63 = arith.constant 0 : i32
        %dma_start3A_64 = tpu.memref_slice %arg15[%dma_start3A_62, %dma_start3A_63] : memref<10000x128xf32, #tpu.memory_space<vmem_shared>> -> memref<16x128xf32, #tpu.memory_space<vmem_shared>>
        %dma_start3A_65 = arith.constant 0 : i32
        %dma_start3A_66 = arith.constant 0 : i32
        %dma_start3A_67 = tpu.memref_slice %arg12[%dma_start3A_65, %dma_start3A_66] : memref<80x128xf32, #tpu.memory_space<vmem>> -> memref<16x128xf32, #tpu.memory_space<vmem>>
        tpu.enqueue_dma source(%dma_start3A_67 : memref<16x128xf32, #tpu.memory_space<vmem>>) target(%dma_start3A_64 : memref<16x128xf32, #tpu.memory_space<vmem_shared>>) target_semaphore(%run_scoped3A : memref<!tpu.dma_semaphore, #tpu.memory_space<semaphore_mem>>)
        %dma_wait3A_68 = arith.constant 0 : i32
        %dma_wait3A_69 = arith.constant 0 : i32
        %dma_wait3A_70 = tpu.memref_slice %arg12[%dma_wait3A_68, %dma_wait3A_69] : memref<80x128xf32, #tpu.memory_space<vmem>> -> memref<16x128xf32, #tpu.memory_space<vmem>>
        %dma_wait3A_71 = arith.constant 9984 : i32
        %dma_wait3A_72 = arith.constant 0 : i32
        %dma_wait3A_73 = tpu.memref_slice %arg15[%dma_wait3A_71, %dma_wait3A_72] : memref<10000x128xf32, #tpu.memory_space<vmem_shared>> -> memref<16x128xf32, #tpu.memory_space<vmem_shared>>
        %dma_wait3A_74 = arith.constant 9984 : i32
        %dma_wait3A_75 = arith.constant 0 : i32
        %dma_wait3A_76 = tpu.memref_slice %arg15[%dma_wait3A_74, %dma_wait3A_75] : memref<10000x128xf32, #tpu.memory_space<vmem_shared>> -> memref<16x128xf32, #tpu.memory_space<vmem_shared>>
        %dma_wait3A_77 = arith.constant 0 : i32
        %dma_wait3A_78 = arith.constant 0 : i32
        %dma_wait3A_79 = tpu.memref_slice %arg12[%dma_wait3A_77, %dma_wait3A_78] : memref<80x128xf32, #tpu.memory_space<vmem>> -> memref<16x128xf32, #tpu.memory_space<vmem>>
        tpu.wait_dma2 semaphore(%run_scoped3A : memref<!tpu.dma_semaphore, #tpu.memory_space<semaphore_mem>>) src(%dma_wait3A_79 : memref<16x128xf32, #tpu.memory_space<vmem>>) dst(%dma_wait3A_76 : memref<16x128xf32, #tpu.memory_space<vmem_shared>>)
        tpu.yield
      }) : () -> ()
    } else {
    }
    %barrier3A = arith.constant 0 : index
    tpu.barrier barrier_id(%barrier3A)
    "tpu.region"() ({
      %run_scoped3A = tpu.sem_alloc : memref<!tpu.dma_semaphore, #tpu.memory_space<semaphore_mem>>
      %dma_start3A_56 = tpu.memref_slice %arg2[%mul3A_4] : memref<320000xi32, #tpu.memory_space<hbm>> -> memref<80xi32, #tpu.memory_space<hbm>>
      %dma_start3A_57 = tpu.memref_slice %arg2[%mul3A_4] : memref<320000xi32, #tpu.memory_space<hbm>> -> memref<80xi32, #tpu.memory_space<hbm>>
      tpu.enqueue_dma source(%dma_start3A_57 : memref<80xi32, #tpu.memory_space<hbm>>) target(%arg6 : memref<80xi32, #tpu.memory_space<vmem>>) target_semaphore(%run_scoped3A : memref<!tpu.dma_semaphore, #tpu.memory_space<semaphore_mem>>)
      %dma_wait3A_58 = tpu.memref_slice %arg2[%mul3A_4] : memref<320000xi32, #tpu.memory_space<hbm>> -> memref<80xi32, #tpu.memory_space<hbm>>
      %dma_wait3A_59 = tpu.memref_slice %arg2[%mul3A_4] : memref<320000xi32, #tpu.memory_space<hbm>> -> memref<80xi32, #tpu.memory_space<hbm>>
      tpu.wait_dma2 semaphore(%run_scoped3A : memref<!tpu.dma_semaphore, #tpu.memory_space<semaphore_mem>>) src(%dma_wait3A_59 : memref<80xi32, #tpu.memory_space<hbm>>) dst(%arg6 : memref<80xi32, #tpu.memory_space<vmem>>)
      tpu.yield
    }) : () -> ()
    %dma_start3A = arith.constant 0 : i32
    %dma_start3A_28 = arith.constant 0 : i32
    %dma_start3A_29 = tpu.memref_slice %arg4[%dma_start3A, %dma_start3A_28] : memref<10000x128xf32, #tpu.memory_space<hbm>> -> memref<10000x128xf32, #tpu.memory_space<hbm>>
    tpu.enqueue_indirect_dma source(%dma_start3A_29 : memref<10000x128xf32, #tpu.memory_space<hbm>>) target(%arg12 : memref<80x128xf32, #tpu.memory_space<vmem>>) offsets(%arg6 : memref<80xi32, #tpu.memory_space<vmem>>) semaphore(%arg16 : memref<!tpu.dma_semaphore, #tpu.memory_space<semaphore_mem>>)
    %add3A_30 = arith.constant 80 : i32
    %add3A_31 = arith.addi %mul3A_4, %add3A_30 : i32
    "tpu.region"() ({
      %run_scoped3A = tpu.sem_alloc : memref<!tpu.dma_semaphore, #tpu.memory_space<semaphore_mem>>
      %dma_start3A_56 = tpu.memref_slice %arg2[%add3A_31] : memref<320000xi32, #tpu.memory_space<hbm>> -> memref<80xi32, #tpu.memory_space<hbm>>
      %dma_start3A_57 = tpu.memref_slice %arg2[%add3A_31] : memref<320000xi32, #tpu.memory_space<hbm>> -> memref<80xi32, #tpu.memory_space<hbm>>
      tpu.enqueue_dma source(%dma_start3A_57 : memref<80xi32, #tpu.memory_space<hbm>>) target(%arg7 : memref<80xi32, #tpu.memory_space<vmem>>) target_semaphore(%run_scoped3A : memref<!tpu.dma_semaphore, #tpu.memory_space<semaphore_mem>>)
      %dma_wait3A_58 = tpu.memref_slice %arg2[%add3A_31] : memref<320000xi32, #tpu.memory_space<hbm>> -> memref<80xi32, #tpu.memory_space<hbm>>
      %dma_wait3A_59 = tpu.memref_slice %arg2[%add3A_31] : memref<320000xi32, #tpu.memory_space<hbm>> -> memref<80xi32, #tpu.memory_space<hbm>>
      tpu.wait_dma2 semaphore(%run_scoped3A : memref<!tpu.dma_semaphore, #tpu.memory_space<semaphore_mem>>) src(%dma_wait3A_59 : memref<80xi32, #tpu.memory_space<hbm>>) dst(%arg7 : memref<80xi32, #tpu.memory_space<vmem>>)
      tpu.yield
    }) : () -> ()
    %dma_start3A_32 = arith.constant 0 : i32
    %dma_start3A_33 = arith.constant 0 : i32
    %dma_start3A_34 = tpu.memref_slice %arg4[%dma_start3A_32, %dma_start3A_33] : memref<10000x128xf32, #tpu.memory_space<hbm>> -> memref<10000x128xf32, #tpu.memory_space<hbm>>
    tpu.enqueue_indirect_dma source(%dma_start3A_34 : memref<10000x128xf32, #tpu.memory_space<hbm>>) target(%arg13 : memref<80x128xf32, #tpu.memory_space<vmem>>) offsets(%arg7 : memref<80xi32, #tpu.memory_space<vmem>>) semaphore(%arg16 : memref<!tpu.dma_semaphore, #tpu.memory_space<semaphore_mem>>)
    %add3A_35 = arith.constant 160 : i32
    %add3A_36 = arith.addi %mul3A_4, %add3A_35 : i32
    %dma_start3A_37 = tpu.memref_slice %arg2[%add3A_36] : memref<320000xi32, #tpu.memory_space<hbm>> -> memref<80xi32, #tpu.memory_space<hbm>>
    %dma_start3A_38 = tpu.memref_slice %arg2[%add3A_36] : memref<320000xi32, #tpu.memory_space<hbm>> -> memref<80xi32, #tpu.memory_space<hbm>>
    tpu.enqueue_dma source(%dma_start3A_38 : memref<80xi32, #tpu.memory_space<hbm>>) target(%arg8 : memref<80xi32, #tpu.memory_space<vmem>>) target_semaphore(%arg17 : memref<!tpu.dma_semaphore, #tpu.memory_space<semaphore_mem>>)
    %add3A_39 = arith.constant 0 : i32
    %add3A_40 = arith.addi %mul3A_4, %add3A_39 : i32
    %dma_start3A_41 = tpu.memref_slice %arg3[%add3A_40] : memref<320000xi32, #tpu.memory_space<hbm>> -> memref<80xi32, #tpu.memory_space<hbm>>
    %dma_start3A_42 = tpu.memref_slice %arg3[%add3A_40] : memref<320000xi32, #tpu.memory_space<hbm>> -> memref<80xi32, #tpu.memory_space<hbm>>
    tpu.enqueue_dma source(%dma_start3A_42 : memref<80xi32, #tpu.memory_space<hbm>>) target(%arg9 : memref<80xi32, #tpu.memory_space<vmem>>) target_semaphore(%arg18 : memref<!tpu.dma_semaphore, #tpu.memory_space<semaphore_mem>>)
    %scan3A_43 = arith.constant 0 : i32
    %scan3A_44 = arith.constant 42 : i32
    %scan3A_45 = arith.addi %scan3A_43, %scan3A_44 : i32
    %scan3A_46 = arith.constant 1 : i32
    scf.for %scan3A_56 = %scan3A_43 to %scan3A_45 step %scan3A_46  : i32 {
      %mul3A_57 = arith.constant 3 : i32
      %mul3A_58 = arith.muli %scan3A_56, %mul3A_57 : i32
      %add3A_59 = arith.constant 0 : i32
      %add3A_60 = arith.addi %add3A_59, %mul3A_58 : i32
      %add3A_61 = arith.constant 0 : i32
      %add3A_62 = arith.addi %add3A_60, %add3A_61 : i32
      %lt3A = arith.constant 125 : i32
      %lt3A_63 = arith.cmpi slt, %add3A_62, %lt3A : i32
      %convert_element_type3A_64 = arith.extui %lt3A_63 : i1 to i32
      %cond3A_65 = arith.constant 0 : i32
      %cond3A_66 = arith.cmpi ne, %convert_element_type3A_64, %cond3A_65 : i32
      scf.if %cond3A_66 {
        %dma_wait3A_81 = arith.constant 0 : i32
        %dma_wait3A_82 = arith.constant 0 : i32
        %dma_wait3A_83 = tpu.memref_slice %arg4[%dma_wait3A_81, %dma_wait3A_82] : memref<10000x128xf32, #tpu.memory_space<hbm>> -> memref<10000x128xf32, #tpu.memory_space<hbm>>
        tpu.wait_indirect_dma semaphore(%arg16 : memref<!tpu.dma_semaphore, #tpu.memory_space<semaphore_mem>>) src(%dma_wait3A_83 : memref<10000x128xf32, #tpu.memory_space<hbm>>) dst(%arg12 : memref<80x128xf32, #tpu.memory_space<vmem>>)
        %gt3A = arith.constant 0 : i32
        %gt3A_84 = arith.cmpi sgt, %add3A_62, %gt3A : i32
        %convert_element_type3A_85 = arith.extui %gt3A_84 : i1 to i32
        %cond3A_86 = arith.constant 0 : i32
        %cond3A_87 = arith.cmpi ne, %convert_element_type3A_85, %cond3A_86 : i32
        scf.if %cond3A_87 {
          %dma_wait3A_110 = arith.constant 0 : i32
          %dma_wait3A_111 = arith.constant 0 : i32
          %dma_wait3A_112 = tpu.memref_slice %arg15[%dma_wait3A_110, %dma_wait3A_111] : memref<10000x128xf32, #tpu.memory_space<vmem_shared>> -> memref<10000x128xf32, #tpu.memory_space<vmem_shared>>
          tpu.wait_indirect_dma semaphore(%arg19 : memref<!tpu.dma_semaphore, #tpu.memory_space<semaphore_mem>>) src(%arg14 : memref<80x128xf32, #tpu.memory_space<vmem>>) dst(%dma_wait3A_112 : memref<10000x128xf32, #tpu.memory_space<vmem_shared>>)
        } else {
        }
        %add3A_88 = arith.constant 2 : i32
        %add3A_89 = arith.addi %add3A_62, %add3A_88 : i32
        %lt3A_90 = arith.constant 125 : i32
        %lt3A_91 = arith.cmpi slt, %add3A_89, %lt3A_90 : i32
        %convert_element_type3A_92 = arith.extui %lt3A_91 : i1 to i32
        %cond3A_93 = arith.constant 0 : i32
        %cond3A_94 = arith.cmpi ne, %convert_element_type3A_92, %cond3A_93 : i32
        scf.if %cond3A_94 {
          %add3A_110 = arith.constant 2 : i32
          %add3A_111 = arith.addi %add3A_62, %add3A_110 : i32
          %mul3A_112 = arith.constant 80 : i32
          %mul3A_113 = arith.muli %add3A_111, %mul3A_112 : i32
          %add3A_114 = arith.addi %mul3A_4, %mul3A_113 : i32
          %dma_wait3A_115 = tpu.memref_slice %arg2[%add3A_114] : memref<320000xi32, #tpu.memory_space<hbm>> -> memref<80xi32, #tpu.memory_space<hbm>>
          %dma_wait3A_116 = tpu.memref_slice %arg2[%add3A_114] : memref<320000xi32, #tpu.memory_space<hbm>> -> memref<80xi32, #tpu.memory_space<hbm>>
          tpu.wait_dma2 semaphore(%arg17 : memref<!tpu.dma_semaphore, #tpu.memory_space<semaphore_mem>>) src(%dma_wait3A_116 : memref<80xi32, #tpu.memory_space<hbm>>) dst(%arg8 : memref<80xi32, #tpu.memory_space<vmem>>)
          %dma_start3A_117 = arith.constant 0 : i32
          %dma_start3A_118 = arith.constant 0 : i32
          %dma_start3A_119 = tpu.memref_slice %arg4[%dma_start3A_117, %dma_start3A_118] : memref<10000x128xf32, #tpu.memory_space<hbm>> -> memref<10000x128xf32, #tpu.memory_space<hbm>>
          tpu.enqueue_indirect_dma source(%dma_start3A_119 : memref<10000x128xf32, #tpu.memory_space<hbm>>) target(%arg14 : memref<80x128xf32, #tpu.memory_space<vmem>>) offsets(%arg8 : memref<80xi32, #tpu.memory_space<vmem>>) semaphore(%arg16 : memref<!tpu.dma_semaphore, #tpu.memory_space<semaphore_mem>>)
          %add3A_120 = arith.constant 3 : i32
          %add3A_121 = arith.addi %add3A_62, %add3A_120 : i32
          %lt3A_122 = arith.constant 125 : i32
          %lt3A_123 = arith.cmpi slt, %add3A_121, %lt3A_122 : i32
          %convert_element_type3A_124 = arith.extui %lt3A_123 : i1 to i32
          %cond3A_125 = arith.constant 0 : i32
          %cond3A_126 = arith.cmpi ne, %convert_element_type3A_124, %cond3A_125 : i32
          scf.if %cond3A_126 {
            %add3A_127 = arith.constant 3 : i32
            %add3A_128 = arith.addi %add3A_62, %add3A_127 : i32
            %mul3A_129 = arith.constant 80 : i32
            %mul3A_130 = arith.muli %add3A_128, %mul3A_129 : i32
            %add3A_131 = arith.addi %mul3A_4, %mul3A_130 : i32
            %dma_start3A_132 = tpu.memref_slice %arg2[%add3A_131] : memref<320000xi32, #tpu.memory_space<hbm>> -> memref<80xi32, #tpu.memory_space<hbm>>
            %dma_start3A_133 = tpu.memref_slice %arg2[%add3A_131] : memref<320000xi32, #tpu.memory_space<hbm>> -> memref<80xi32, #tpu.memory_space<hbm>>
            tpu.enqueue_dma source(%dma_start3A_133 : memref<80xi32, #tpu.memory_space<hbm>>) target(%arg6 : memref<80xi32, #tpu.memory_space<vmem>>) target_semaphore(%arg17 : memref<!tpu.dma_semaphore, #tpu.memory_space<semaphore_mem>>)
          } else {
          }
        } else {
        }
        %add3A_95 = arith.constant 1 : i32
        %add3A_96 = arith.addi %add3A_62, %add3A_95 : i32
        %lt3A_97 = arith.constant 125 : i32
        %lt3A_98 = arith.cmpi slt, %add3A_96, %lt3A_97 : i32
        %convert_element_type3A_99 = arith.extui %lt3A_98 : i1 to i32
        %cond3A_100 = arith.constant 0 : i32
        %cond3A_101 = arith.cmpi ne, %convert_element_type3A_99, %cond3A_100 : i32
        scf.if %cond3A_101 {
          %add3A_110 = arith.constant 1 : i32
          %add3A_111 = arith.addi %add3A_62, %add3A_110 : i32
          %mul3A_112 = arith.constant 80 : i32
          %mul3A_113 = arith.muli %add3A_111, %mul3A_112 : i32
          %add3A_114 = arith.addi %mul3A_4, %mul3A_113 : i32
          %dma_start3A_115 = tpu.memref_slice %arg3[%add3A_114] : memref<320000xi32, #tpu.memory_space<hbm>> -> memref<80xi32, #tpu.memory_space<hbm>>
          %dma_start3A_116 = tpu.memref_slice %arg3[%add3A_114] : memref<320000xi32, #tpu.memory_space<hbm>> -> memref<80xi32, #tpu.memory_space<hbm>>
          tpu.enqueue_dma source(%dma_start3A_116 : memref<80xi32, #tpu.memory_space<hbm>>) target(%arg10 : memref<80xi32, #tpu.memory_space<vmem>>) target_semaphore(%arg18 : memref<!tpu.dma_semaphore, #tpu.memory_space<semaphore_mem>>)
        } else {
        }
        %mul3A_102 = arith.constant 80 : i32
        %mul3A_103 = arith.muli %add3A_62, %mul3A_102 : i32
        %add3A_104 = arith.addi %mul3A_4, %mul3A_103 : i32
        %dma_wait3A_105 = tpu.memref_slice %arg3[%add3A_104] : memref<320000xi32, #tpu.memory_space<hbm>> -> memref<80xi32, #tpu.memory_space<hbm>>
        %dma_wait3A_106 = tpu.memref_slice %arg3[%add3A_104] : memref<320000xi32, #tpu.memory_space<hbm>> -> memref<80xi32, #tpu.memory_space<hbm>>
        tpu.wait_dma2 semaphore(%arg18 : memref<!tpu.dma_semaphore, #tpu.memory_space<semaphore_mem>>) src(%dma_wait3A_106 : memref<80xi32, #tpu.memory_space<hbm>>) dst(%arg9 : memref<80xi32, #tpu.memory_space<vmem>>)
        %dma_start3A_107 = arith.constant 0 : i32
        %dma_start3A_108 = arith.constant 0 : i32
        %dma_start3A_109 = tpu.memref_slice %arg15[%dma_start3A_107, %dma_start3A_108] : memref<10000x128xf32, #tpu.memory_space<vmem_shared>> -> memref<10000x128xf32, #tpu.memory_space<vmem_shared>>
        tpu.enqueue_indirect_dma source(%arg12 : memref<80x128xf32, #tpu.memory_space<vmem>>) target(%dma_start3A_109 : memref<10000x128xf32, #tpu.memory_space<vmem_shared>>) offsets(%arg9 : memref<80xi32, #tpu.memory_space<vmem>>) semaphore(%arg19 : memref<!tpu.dma_semaphore, #tpu.memory_space<semaphore_mem>>) {add = true}
      } else {
      }
      %add3A_67 = arith.constant 1 : i32
      %add3A_68 = arith.addi %add3A_60, %add3A_67 : i32
      %lt3A_69 = arith.constant 125 : i32
      %lt3A_70 = arith.cmpi slt, %add3A_68, %lt3A_69 : i32
      %convert_element_type3A_71 = arith.extui %lt3A_70 : i1 to i32
      %cond3A_72 = arith.constant 0 : i32
      %cond3A_73 = arith.cmpi ne, %convert_element_type3A_71, %cond3A_72 : i32
      scf.if %cond3A_73 {
        %dma_wait3A_81 = arith.constant 0 : i32
        %dma_wait3A_82 = arith.constant 0 : i32
        %dma_wait3A_83 = tpu.memref_slice %arg4[%dma_wait3A_81, %dma_wait3A_82] : memref<10000x128xf32, #tpu.memory_space<hbm>> -> memref<10000x128xf32, #tpu.memory_space<hbm>>
        tpu.wait_indirect_dma semaphore(%arg16 : memref<!tpu.dma_semaphore, #tpu.memory_space<semaphore_mem>>) src(%dma_wait3A_83 : memref<10000x128xf32, #tpu.memory_space<hbm>>) dst(%arg13 : memref<80x128xf32, #tpu.memory_space<vmem>>)
        %dma_wait3A_84 = arith.constant 0 : i32
        %dma_wait3A_85 = arith.constant 0 : i32
        %dma_wait3A_86 = tpu.memref_slice %arg15[%dma_wait3A_84, %dma_wait3A_85] : memref<10000x128xf32, #tpu.memory_space<vmem_shared>> -> memref<10000x128xf32, #tpu.memory_space<vmem_shared>>
        tpu.wait_indirect_dma semaphore(%arg19 : memref<!tpu.dma_semaphore, #tpu.memory_space<semaphore_mem>>) src(%arg12 : memref<80x128xf32, #tpu.memory_space<vmem>>) dst(%dma_wait3A_86 : memref<10000x128xf32, #tpu.memory_space<vmem_shared>>)
        %add3A_87 = arith.constant 2 : i32
        %add3A_88 = arith.addi %add3A_68, %add3A_87 : i32
        %lt3A_89 = arith.constant 125 : i32
        %lt3A_90 = arith.cmpi slt, %add3A_88, %lt3A_89 : i32
        %convert_element_type3A_91 = arith.extui %lt3A_90 : i1 to i32
        %cond3A_92 = arith.constant 0 : i32
        %cond3A_93 = arith.cmpi ne, %convert_element_type3A_91, %cond3A_92 : i32
        scf.if %cond3A_93 {
          %add3A_109 = arith.constant 2 : i32
          %add3A_110 = arith.addi %add3A_68, %add3A_109 : i32
          %mul3A_111 = arith.constant 80 : i32
          %mul3A_112 = arith.muli %add3A_110, %mul3A_111 : i32
          %add3A_113 = arith.addi %mul3A_4, %mul3A_112 : i32
          %dma_wait3A_114 = tpu.memref_slice %arg2[%add3A_113] : memref<320000xi32, #tpu.memory_space<hbm>> -> memref<80xi32, #tpu.memory_space<hbm>>
          %dma_wait3A_115 = tpu.memref_slice %arg2[%add3A_113] : memref<320000xi32, #tpu.memory_space<hbm>> -> memref<80xi32, #tpu.memory_space<hbm>>
          tpu.wait_dma2 semaphore(%arg17 : memref<!tpu.dma_semaphore, #tpu.memory_space<semaphore_mem>>) src(%dma_wait3A_115 : memref<80xi32, #tpu.memory_space<hbm>>) dst(%arg6 : memref<80xi32, #tpu.memory_space<vmem>>)
          %dma_start3A_116 = arith.constant 0 : i32
          %dma_start3A_117 = arith.constant 0 : i32
          %dma_start3A_118 = tpu.memref_slice %arg4[%dma_start3A_116, %dma_start3A_117] : memref<10000x128xf32, #tpu.memory_space<hbm>> -> memref<10000x128xf32, #tpu.memory_space<hbm>>
          tpu.enqueue_indirect_dma source(%dma_start3A_118 : memref<10000x128xf32, #tpu.memory_space<hbm>>) target(%arg12 : memref<80x128xf32, #tpu.memory_space<vmem>>) offsets(%arg6 : memref<80xi32, #tpu.memory_space<vmem>>) semaphore(%arg16 : memref<!tpu.dma_semaphore, #tpu.memory_space<semaphore_mem>>)
          %add3A_119 = arith.constant 3 : i32
          %add3A_120 = arith.addi %add3A_68, %add3A_119 : i32
          %lt3A_121 = arith.constant 125 : i32
          %lt3A_122 = arith.cmpi slt, %add3A_120, %lt3A_121 : i32
          %convert_element_type3A_123 = arith.extui %lt3A_122 : i1 to i32
          %cond3A_124 = arith.constant 0 : i32
          %cond3A_125 = arith.cmpi ne, %convert_element_type3A_123, %cond3A_124 : i32
          scf.if %cond3A_125 {
            %add3A_126 = arith.constant 3 : i32
            %add3A_127 = arith.addi %add3A_68, %add3A_126 : i32
            %mul3A_128 = arith.constant 80 : i32
            %mul3A_129 = arith.muli %add3A_127, %mul3A_128 : i32
            %add3A_130 = arith.addi %mul3A_4, %mul3A_129 : i32
            %dma_start3A_131 = tpu.memref_slice %arg2[%add3A_130] : memref<320000xi32, #tpu.memory_space<hbm>> -> memref<80xi32, #tpu.memory_space<hbm>>
            %dma_start3A_132 = tpu.memref_slice %arg2[%add3A_130] : memref<320000xi32, #tpu.memory_space<hbm>> -> memref<80xi32, #tpu.memory_space<hbm>>
            tpu.enqueue_dma source(%dma_start3A_132 : memref<80xi32, #tpu.memory_space<hbm>>) target(%arg7 : memref<80xi32, #tpu.memory_space<vmem>>) target_semaphore(%arg17 : memref<!tpu.dma_semaphore, #tpu.memory_space<semaphore_mem>>)
          } else {
          }
        } else {
        }
        %add3A_94 = arith.constant 1 : i32
        %add3A_95 = arith.addi %add3A_68, %add3A_94 : i32
        %lt3A_96 = arith.constant 125 : i32
        %lt3A_97 = arith.cmpi slt, %add3A_95, %lt3A_96 : i32
        %convert_element_type3A_98 = arith.extui %lt3A_97 : i1 to i32
        %cond3A_99 = arith.constant 0 : i32
        %cond3A_100 = arith.cmpi ne, %convert_element_type3A_98, %cond3A_99 : i32
        scf.if %cond3A_100 {
          %add3A_109 = arith.constant 1 : i32
          %add3A_110 = arith.addi %add3A_68, %add3A_109 : i32
          %mul3A_111 = arith.constant 80 : i32
          %mul3A_112 = arith.muli %add3A_110, %mul3A_111 : i32
          %add3A_113 = arith.addi %mul3A_4, %mul3A_112 : i32
          %dma_start3A_114 = tpu.memref_slice %arg3[%add3A_113] : memref<320000xi32, #tpu.memory_space<hbm>> -> memref<80xi32, #tpu.memory_space<hbm>>
          %dma_start3A_115 = tpu.memref_slice %arg3[%add3A_113] : memref<320000xi32, #tpu.memory_space<hbm>> -> memref<80xi32, #tpu.memory_space<hbm>>
          tpu.enqueue_dma source(%dma_start3A_115 : memref<80xi32, #tpu.memory_space<hbm>>) target(%arg11 : memref<80xi32, #tpu.memory_space<vmem>>) target_semaphore(%arg18 : memref<!tpu.dma_semaphore, #tpu.memory_space<semaphore_mem>>)
        } else {
        }
        %mul3A_101 = arith.constant 80 : i32
        %mul3A_102 = arith.muli %add3A_68, %mul3A_101 : i32
        %add3A_103 = arith.addi %mul3A_4, %mul3A_102 : i32
        %dma_wait3A_104 = tpu.memref_slice %arg3[%add3A_103] : memref<320000xi32, #tpu.memory_space<hbm>> -> memref<80xi32, #tpu.memory_space<hbm>>
        %dma_wait3A_105 = tpu.memref_slice %arg3[%add3A_103] : memref<320000xi32, #tpu.memory_space<hbm>> -> memref<80xi32, #tpu.memory_space<hbm>>
        tpu.wait_dma2 semaphore(%arg18 : memref<!tpu.dma_semaphore, #tpu.memory_space<semaphore_mem>>) src(%dma_wait3A_105 : memref<80xi32, #tpu.memory_space<hbm>>) dst(%arg10 : memref<80xi32, #tpu.memory_space<vmem>>)
        %dma_start3A_106 = arith.constant 0 : i32
        %dma_start3A_107 = arith.constant 0 : i32
        %dma_start3A_108 = tpu.memref_slice %arg15[%dma_start3A_106, %dma_start3A_107] : memref<10000x128xf32, #tpu.memory_space<vmem_shared>> -> memref<10000x128xf32, #tpu.memory_space<vmem_shared>>
        tpu.enqueue_indirect_dma source(%arg13 : memref<80x128xf32, #tpu.memory_space<vmem>>) target(%dma_start3A_108 : memref<10000x128xf32, #tpu.memory_space<vmem_shared>>) offsets(%arg10 : memref<80xi32, #tpu.memory_space<vmem>>) semaphore(%arg19 : memref<!tpu.dma_semaphore, #tpu.memory_space<semaphore_mem>>) {add = true}
      } else {
      }
      %add3A_74 = arith.constant 2 : i32
      %add3A_75 = arith.addi %add3A_60, %add3A_74 : i32
      %lt3A_76 = arith.constant 125 : i32
      %lt3A_77 = arith.cmpi slt, %add3A_75, %lt3A_76 : i32
      %convert_element_type3A_78 = arith.extui %lt3A_77 : i1 to i32
      %cond3A_79 = arith.constant 0 : i32
      %cond3A_80 = arith.cmpi ne, %convert_element_type3A_78, %cond3A_79 : i32
      scf.if %cond3A_80 {
        %dma_wait3A_81 = arith.constant 0 : i32
        %dma_wait3A_82 = arith.constant 0 : i32
        %dma_wait3A_83 = tpu.memref_slice %arg4[%dma_wait3A_81, %dma_wait3A_82] : memref<10000x128xf32, #tpu.memory_space<hbm>> -> memref<10000x128xf32, #tpu.memory_space<hbm>>
        tpu.wait_indirect_dma semaphore(%arg16 : memref<!tpu.dma_semaphore, #tpu.memory_space<semaphore_mem>>) src(%dma_wait3A_83 : memref<10000x128xf32, #tpu.memory_space<hbm>>) dst(%arg14 : memref<80x128xf32, #tpu.memory_space<vmem>>)
        %dma_wait3A_84 = arith.constant 0 : i32
        %dma_wait3A_85 = arith.constant 0 : i32
        %dma_wait3A_86 = tpu.memref_slice %arg15[%dma_wait3A_84, %dma_wait3A_85] : memref<10000x128xf32, #tpu.memory_space<vmem_shared>> -> memref<10000x128xf32, #tpu.memory_space<vmem_shared>>
        tpu.wait_indirect_dma semaphore(%arg19 : memref<!tpu.dma_semaphore, #tpu.memory_space<semaphore_mem>>) src(%arg13 : memref<80x128xf32, #tpu.memory_space<vmem>>) dst(%dma_wait3A_86 : memref<10000x128xf32, #tpu.memory_space<vmem_shared>>)
        %add3A_87 = arith.constant 2 : i32
        %add3A_88 = arith.addi %add3A_75, %add3A_87 : i32
        %lt3A_89 = arith.constant 125 : i32
        %lt3A_90 = arith.cmpi slt, %add3A_88, %lt3A_89 : i32
        %convert_element_type3A_91 = arith.extui %lt3A_90 : i1 to i32
        %cond3A_92 = arith.constant 0 : i32
        %cond3A_93 = arith.cmpi ne, %convert_element_type3A_91, %cond3A_92 : i32
        scf.if %cond3A_93 {
          %add3A_109 = arith.constant 2 : i32
          %add3A_110 = arith.addi %add3A_75, %add3A_109 : i32
          %mul3A_111 = arith.constant 80 : i32
          %mul3A_112 = arith.muli %add3A_110, %mul3A_111 : i32
          %add3A_113 = arith.addi %mul3A_4, %mul3A_112 : i32
          %dma_wait3A_114 = tpu.memref_slice %arg2[%add3A_113] : memref<320000xi32, #tpu.memory_space<hbm>> -> memref<80xi32, #tpu.memory_space<hbm>>
          %dma_wait3A_115 = tpu.memref_slice %arg2[%add3A_113] : memref<320000xi32, #tpu.memory_space<hbm>> -> memref<80xi32, #tpu.memory_space<hbm>>
          tpu.wait_dma2 semaphore(%arg17 : memref<!tpu.dma_semaphore, #tpu.memory_space<semaphore_mem>>) src(%dma_wait3A_115 : memref<80xi32, #tpu.memory_space<hbm>>) dst(%arg7 : memref<80xi32, #tpu.memory_space<vmem>>)
          %dma_start3A_116 = arith.constant 0 : i32
          %dma_start3A_117 = arith.constant 0 : i32
          %dma_start3A_118 = tpu.memref_slice %arg4[%dma_start3A_116, %dma_start3A_117] : memref<10000x128xf32, #tpu.memory_space<hbm>> -> memref<10000x128xf32, #tpu.memory_space<hbm>>
          tpu.enqueue_indirect_dma source(%dma_start3A_118 : memref<10000x128xf32, #tpu.memory_space<hbm>>) target(%arg13 : memref<80x128xf32, #tpu.memory_space<vmem>>) offsets(%arg7 : memref<80xi32, #tpu.memory_space<vmem>>) semaphore(%arg16 : memref<!tpu.dma_semaphore, #tpu.memory_space<semaphore_mem>>)
          %add3A_119 = arith.constant 3 : i32
          %add3A_120 = arith.addi %add3A_75, %add3A_119 : i32
          %lt3A_121 = arith.constant 125 : i32
          %lt3A_122 = arith.cmpi slt, %add3A_120, %lt3A_121 : i32
          %convert_element_type3A_123 = arith.extui %lt3A_122 : i1 to i32
          %cond3A_124 = arith.constant 0 : i32
          %cond3A_125 = arith.cmpi ne, %convert_element_type3A_123, %cond3A_124 : i32
          scf.if %cond3A_125 {
            %add3A_126 = arith.constant 3 : i32
            %add3A_127 = arith.addi %add3A_75, %add3A_126 : i32
            %mul3A_128 = arith.constant 80 : i32
            %mul3A_129 = arith.muli %add3A_127, %mul3A_128 : i32
            %add3A_130 = arith.addi %mul3A_4, %mul3A_129 : i32
            %dma_start3A_131 = tpu.memref_slice %arg2[%add3A_130] : memref<320000xi32, #tpu.memory_space<hbm>> -> memref<80xi32, #tpu.memory_space<hbm>>
            %dma_start3A_132 = tpu.memref_slice %arg2[%add3A_130] : memref<320000xi32, #tpu.memory_space<hbm>> -> memref<80xi32, #tpu.memory_space<hbm>>
            tpu.enqueue_dma source(%dma_start3A_132 : memref<80xi32, #tpu.memory_space<hbm>>) target(%arg8 : memref<80xi32, #tpu.memory_space<vmem>>) target_semaphore(%arg17 : memref<!tpu.dma_semaphore, #tpu.memory_space<semaphore_mem>>)
          } else {
          }
        } else {
        }
        %add3A_94 = arith.constant 1 : i32
        %add3A_95 = arith.addi %add3A_75, %add3A_94 : i32
        %lt3A_96 = arith.constant 125 : i32
        %lt3A_97 = arith.cmpi slt, %add3A_95, %lt3A_96 : i32
        %convert_element_type3A_98 = arith.extui %lt3A_97 : i1 to i32
        %cond3A_99 = arith.constant 0 : i32
        %cond3A_100 = arith.cmpi ne, %convert_element_type3A_98, %cond3A_99 : i32
        scf.if %cond3A_100 {
          %add3A_109 = arith.constant 1 : i32
          %add3A_110 = arith.addi %add3A_75, %add3A_109 : i32
          %mul3A_111 = arith.constant 80 : i32
          %mul3A_112 = arith.muli %add3A_110, %mul3A_111 : i32
          %add3A_113 = arith.addi %mul3A_4, %mul3A_112 : i32
          %dma_start3A_114 = tpu.memref_slice %arg3[%add3A_113] : memref<320000xi32, #tpu.memory_space<hbm>> -> memref<80xi32, #tpu.memory_space<hbm>>
          %dma_start3A_115 = tpu.memref_slice %arg3[%add3A_113] : memref<320000xi32, #tpu.memory_space<hbm>> -> memref<80xi32, #tpu.memory_space<hbm>>
          tpu.enqueue_dma source(%dma_start3A_115 : memref<80xi32, #tpu.memory_space<hbm>>) target(%arg9 : memref<80xi32, #tpu.memory_space<vmem>>) target_semaphore(%arg18 : memref<!tpu.dma_semaphore, #tpu.memory_space<semaphore_mem>>)
        } else {
        }
        %mul3A_101 = arith.constant 80 : i32
        %mul3A_102 = arith.muli %add3A_75, %mul3A_101 : i32
        %add3A_103 = arith.addi %mul3A_4, %mul3A_102 : i32
        %dma_wait3A_104 = tpu.memref_slice %arg3[%add3A_103] : memref<320000xi32, #tpu.memory_space<hbm>> -> memref<80xi32, #tpu.memory_space<hbm>>
        %dma_wait3A_105 = tpu.memref_slice %arg3[%add3A_103] : memref<320000xi32, #tpu.memory_space<hbm>> -> memref<80xi32, #tpu.memory_space<hbm>>
        tpu.wait_dma2 semaphore(%arg18 : memref<!tpu.dma_semaphore, #tpu.memory_space<semaphore_mem>>) src(%dma_wait3A_105 : memref<80xi32, #tpu.memory_space<hbm>>) dst(%arg11 : memref<80xi32, #tpu.memory_space<vmem>>)
        %dma_start3A_106 = arith.constant 0 : i32
        %dma_start3A_107 = arith.constant 0 : i32
        %dma_start3A_108 = tpu.memref_slice %arg15[%dma_start3A_106, %dma_start3A_107] : memref<10000x128xf32, #tpu.memory_space<vmem_shared>> -> memref<10000x128xf32, #tpu.memory_space<vmem_shared>>
        tpu.enqueue_indirect_dma source(%arg14 : memref<80x128xf32, #tpu.memory_space<vmem>>) target(%dma_start3A_108 : memref<10000x128xf32, #tpu.memory_space<vmem_shared>>) offsets(%arg11 : memref<80xi32, #tpu.memory_space<vmem>>) semaphore(%arg19 : memref<!tpu.dma_semaphore, #tpu.memory_space<semaphore_mem>>) {add = true}
      } else {
      }
    }
    %scan3A_47 = arith.constant 42 : i32
    %dma_wait3A = arith.constant 0 : i32
    %dma_wait3A_48 = arith.constant 0 : i32
    %dma_wait3A_49 = tpu.memref_slice %arg15[%dma_wait3A, %dma_wait3A_48] : memref<10000x128xf32, #tpu.memory_space<vmem_shared>> -> memref<10000x128xf32, #tpu.memory_space<vmem_shared>>
    tpu.wait_indirect_dma semaphore(%arg19 : memref<!tpu.dma_semaphore, #tpu.memory_space<semaphore_mem>>) src(%arg13 : memref<80x128xf32, #tpu.memory_space<vmem>>) dst(%dma_wait3A_49 : memref<10000x128xf32, #tpu.memory_space<vmem_shared>>)
    %barrier3A_50 = arith.constant 0 : index
    tpu.barrier barrier_id(%barrier3A_50)
    "tpu.region"() ({
      %run_scoped3A = tpu.sem_alloc : memref<!tpu.dma_semaphore, #tpu.memory_space<semaphore_mem>>
      %dma_start3A_56 = arith.constant 0 : i32
      %dma_start3A_57 = tpu.memref_slice %arg5[%arg0, %mul3A_2, %dma_start3A_56] : memref<2x10000x128xf32, #tpu.memory_space<hbm>> -> memref<1x624x128xf32, #tpu.memory_space<hbm>>
      %dma_start3A_58 = tpu.memref_squeeze %dma_start3A_57 : memref<1x624x128xf32, #tpu.memory_space<hbm>> -> memref<624x128xf32, #tpu.memory_space<hbm>>
      %dma_start3A_59 = arith.constant 0 : i32
      %dma_start3A_60 = tpu.memref_slice %arg15[%mul3A_2, %dma_start3A_59] : memref<10000x128xf32, #tpu.memory_space<vmem_shared>> -> memref<624x128xf32, #tpu.memory_space<vmem_shared>>
      tpu.enqueue_dma source(%dma_start3A_60 : memref<624x128xf32, #tpu.memory_space<vmem_shared>>) target(%dma_start3A_58 : memref<624x128xf32, #tpu.memory_space<hbm>>) target_semaphore(%run_scoped3A : memref<!tpu.dma_semaphore, #tpu.memory_space<semaphore_mem>>)
      %dma_wait3A_61 = arith.constant 0 : i32
      %dma_wait3A_62 = tpu.memref_slice %arg5[%arg0, %mul3A_2, %dma_wait3A_61] : memref<2x10000x128xf32, #tpu.memory_space<hbm>> -> memref<1x624x128xf32, #tpu.memory_space<hbm>>
      %dma_wait3A_63 = tpu.memref_squeeze %dma_wait3A_62 : memref<1x624x128xf32, #tpu.memory_space<hbm>> -> memref<624x128xf32, #tpu.memory_space<hbm>>
      %dma_wait3A_64 = arith.constant 0 : i32
      %dma_wait3A_65 = tpu.memref_slice %arg15[%mul3A_2, %dma_wait3A_64] : memref<10000x128xf32, #tpu.memory_space<vmem_shared>> -> memref<624x128xf32, #tpu.memory_space<vmem_shared>>
      tpu.wait_dma2 semaphore(%run_scoped3A : memref<!tpu.dma_semaphore, #tpu.memory_space<semaphore_mem>>) src(%dma_wait3A_65 : memref<624x128xf32, #tpu.memory_space<vmem_shared>>) dst(%dma_wait3A_63 : memref<624x128xf32, #tpu.memory_space<hbm>>)
      tpu.yield
    }) : () -> ()
    %eq3A_51 = arith.constant 15 : i32
    %eq3A_52 = arith.cmpi eq, %arg1, %eq3A_51 : i32
    %convert_element_type3A_53 = arith.extui %eq3A_52 : i1 to i32
    %cond3A_54 = arith.constant 0 : i32
    %cond3A_55 = arith.cmpi ne, %convert_element_type3A_53, %cond3A_54 : i32
    scf.if %cond3A_55 {
      "tpu.region"() ({
        %run_scoped3A = tpu.sem_alloc : memref<!tpu.dma_semaphore, #tpu.memory_space<semaphore_mem>>
        %dma_start3A_56 = arith.constant 9984 : i32
        %dma_start3A_57 = arith.constant 0 : i32
        %dma_start3A_58 = tpu.memref_slice %arg5[%arg0, %dma_start3A_56, %dma_start3A_57] : memref<2x10000x128xf32, #tpu.memory_space<hbm>> -> memref<1x16x128xf32, #tpu.memory_space<hbm>>
        %dma_start3A_59 = tpu.memref_squeeze %dma_start3A_58 : memref<1x16x128xf32, #tpu.memory_space<hbm>> -> memref<16x128xf32, #tpu.memory_space<hbm>>
        %dma_start3A_60 = arith.constant 9984 : i32
        %dma_start3A_61 = arith.constant 0 : i32
        %dma_start3A_62 = tpu.memref_slice %arg15[%dma_start3A_60, %dma_start3A_61] : memref<10000x128xf32, #tpu.memory_space<vmem_shared>> -> memref<16x128xf32, #tpu.memory_space<vmem_shared>>
        tpu.enqueue_dma source(%dma_start3A_62 : memref<16x128xf32, #tpu.memory_space<vmem_shared>>) target(%dma_start3A_59 : memref<16x128xf32, #tpu.memory_space<hbm>>) target_semaphore(%run_scoped3A : memref<!tpu.dma_semaphore, #tpu.memory_space<semaphore_mem>>)
        %dma_wait3A_63 = arith.constant 9984 : i32
        %dma_wait3A_64 = arith.constant 0 : i32
        %dma_wait3A_65 = tpu.memref_slice %arg5[%arg0, %dma_wait3A_63, %dma_wait3A_64] : memref<2x10000x128xf32, #tpu.memory_space<hbm>> -> memref<1x16x128xf32, #tpu.memory_space<hbm>>
        %dma_wait3A_66 = tpu.memref_squeeze %dma_wait3A_65 : memref<1x16x128xf32, #tpu.memory_space<hbm>> -> memref<16x128xf32, #tpu.memory_space<hbm>>
        %dma_wait3A_67 = arith.constant 9984 : i32
        %dma_wait3A_68 = arith.constant 0 : i32
        %dma_wait3A_69 = tpu.memref_slice %arg15[%dma_wait3A_67, %dma_wait3A_68] : memref<10000x128xf32, #tpu.memory_space<vmem_shared>> -> memref<16x128xf32, #tpu.memory_space<vmem_shared>>
        tpu.wait_dma2 semaphore(%run_scoped3A : memref<!tpu.dma_semaphore, #tpu.memory_space<semaphore_mem>>) src(%dma_wait3A_69 : memref<16x128xf32, #tpu.memory_space<vmem_shared>>) dst(%dma_wait3A_66 : memref<16x128xf32, #tpu.memory_space<hbm>>)
        tpu.yield
      }) : () -> ()
    } else {
    }
    return
  }
}

#map = affine_map<(d0, d1) -> (0, 0, 0)>
module attributes {stable_mosaic.version = 14 : i64} {
  func.func @_sc_deg_body(%arg0: i32, %arg1: i32, %arg2: memref<32x125x80xi32, #tpu.memory_space<hbm>>, %arg3: memref<2x10000x128xf32, #tpu.memory_space<hbm>>, %arg4: memref<125x80xi32, #tpu.memory_space<vmem>>, %arg5: memref<80x128xf32, #tpu.memory_space<vmem>>, %arg6: memref<10000x128xf32, #tpu.memory_space<vmem_shared>>, %arg7: memref<!tpu.dma_semaphore, #tpu.memory_space<semaphore_mem>>) attributes {dimension_semantics = [#tpu.dimension_semantics<core_parallel>, #tpu.dimension_semantics<subcore_parallel>], iteration_bounds = array<i64: 2, 16>, scalar_prefetch = 0 : i64, scratch_operands = 4 : i64, tpu.core_type = #tpu.core_type<sc_vector_subcore>, window_params = [{transform_indices = #map}, {transform_indices = #map}]} {
    %mul3A = arith.constant 2 : i32
    %mul3A_0 = arith.muli %arg1, %mul3A : i32
    %add3A = arith.addi %mul3A_0, %arg0 : i32
    %mul3A_1 = arith.constant 624 : i32
    %mul3A_2 = arith.muli %arg1, %mul3A_1 : i32
    %scan3A = arith.constant 0 : i32
    %scan3A_3 = arith.constant 0 : i32
    %scan3A_4 = arith.constant 640 : i32
    %scan3A_5 = arith.addi %scan3A_3, %scan3A_4 : i32
    %scan3A_6 = arith.constant 1 : i32
    scf.for %scan3A_98 = %scan3A_3 to %scan3A_5 step %scan3A_6  : i32 {
      %jit3A = arith.constant 8 : i32
      %div3A = arith.divsi %scan3A_98, %jit3A : i32
      %sign3A = arith.constant 0 : i32
      %sign3A_99 = arith.cmpi sgt, %scan3A_98, %sign3A : i32
      %sign3A_100 = arith.extui %sign3A_99 : i1 to i32
      %sign3A_101 = arith.constant 0 : i32
      %sign3A_102 = arith.cmpi slt, %scan3A_98, %sign3A_101 : i32
      %sign3A_103 = arith.extui %sign3A_102 : i1 to i32
      %sign3A_104 = arith.subi %sign3A_100, %sign3A_103 : i32
      %sign3A_105 = arith.constant 0 : i32
      %sign3A_106 = arith.cmpi sgt, %jit3A, %sign3A_105 : i32
      %sign3A_107 = arith.extui %sign3A_106 : i1 to i32
      %sign3A_108 = arith.constant 0 : i32
      %sign3A_109 = arith.cmpi slt, %jit3A, %sign3A_108 : i32
      %sign3A_110 = arith.extui %sign3A_109 : i1 to i32
      %sign3A_111 = arith.subi %sign3A_107, %sign3A_110 : i32
      %ne3A = arith.cmpi ne, %sign3A_104, %sign3A_111 : i32
      %rem3A = arith.remsi %scan3A_98, %jit3A : i32
      %ne3A_112 = arith.constant 0 : i32
      %ne3A_113 = arith.cmpi ne, %rem3A, %ne3A_112 : i32
      %and3A = arith.andi %ne3A, %ne3A_113 : i1
      %sub3A = arith.constant 1 : i32
      %sub3A_114 = arith.subi %div3A, %sub3A : i32
      %select_n3A = arith.select %and3A, %sub3A_114, %div3A : i32
      %jit3A_115 = arith.constant 8 : i32
      %eq3A_116 = arith.constant 0 : i32
      %eq3A_117 = arith.cmpi eq, %jit3A_115, %eq3A_116 : i32
      %jit3A_118 = arith.constant 1 : i32
      %select_n3A_119 = arith.select %eq3A_117, %jit3A_118, %jit3A_115 : i32
      %rem3A_120 = arith.remsi %scan3A_98, %select_n3A_119 : i32
      %ne3A_121 = arith.constant 0 : i32
      %ne3A_122 = arith.cmpi ne, %rem3A_120, %ne3A_121 : i32
      %lt3A = arith.constant 0 : i32
      %lt3A_123 = arith.cmpi slt, %rem3A_120, %lt3A : i32
      %lt3A_124 = arith.constant 0 : i32
      %lt3A_125 = arith.cmpi slt, %select_n3A_119, %lt3A_124 : i32
      %ne3A_126 = arith.xori %lt3A_123, %lt3A_125 : i1
      %and3A_127 = arith.andi %ne3A_126, %ne3A_122 : i1
      %add3A_128 = arith.addi %rem3A_120, %select_n3A_119 : i32
      %select_n3A_129 = arith.select %and3A_127, %add3A_128, %rem3A_120 : i32
      %broadcast_in_dim3A = arith.constant 0.000000e+00 : f32
      %broadcast_in_dim3A_130 = vector.broadcast %broadcast_in_dim3A : f32 to vector<16xf32>
      %mul3A_131 = arith.constant 16 : i32
      %mul3A_132 = arith.muli %select_n3A_129, %mul3A_131 : i32
      %swap3A = arith.index_cast %select_n3A : i32 to index
      %swap3A_133 = arith.index_cast %mul3A_132 : i32 to index
      %swap3A_134 = tpu.vector_load %arg5[%swap3A, %swap3A_133] {strides = array<i32>} : memref<80x128xf32, #tpu.memory_space<vmem>>, vector<1x16xf32>,
      %swap3A_135 = vector.shape_cast %swap3A_134 : vector<1x16xf32> to vector<16xf32>
      %swap3A_136 = vector.shape_cast %broadcast_in_dim3A_130 : vector<16xf32> to vector<1x16xf32>
      tpu.vector_store %arg5[%swap3A, %swap3A_133], %swap3A_136 {strides = array<i32>} : memref<80x128xf32, #tpu.memory_space<vmem>>, vector<1x16xf32>,
    }
    %scan3A_7 = arith.constant 640 : i32
    %add3A_8 = arith.constant 0 : i32
    %add3A_9 = arith.addi %mul3A_2, %add3A_8 : i32
    "tpu.region"() ({
      %run_scoped3A = tpu.sem_alloc : memref<!tpu.dma_semaphore, #tpu.memory_space<semaphore_mem>>
      %dma_start3A = arith.constant 0 : i32
      %dma_start3A_98 = tpu.memref_slice %arg6[%add3A_9, %dma_start3A] : memref<10000x128xf32, #tpu.memory_space<vmem_shared>> -> memref<80x128xf32, #tpu.memory_space<vmem_shared>>
      %dma_start3A_99 = arith.constant 0 : i32
      %dma_start3A_100 = tpu.memref_slice %arg6[%add3A_9, %dma_start3A_99] : memref<10000x128xf32, #tpu.memory_space<vmem_shared>> -> memref<80x128xf32, #tpu.memory_space<vmem_shared>>
      tpu.enqueue_dma source(%arg5 : memref<80x128xf32, #tpu.memory_space<vmem>>) target(%dma_start3A_100 : memref<80x128xf32, #tpu.memory_space<vmem_shared>>) target_semaphore(%run_scoped3A : memref<!tpu.dma_semaphore, #tpu.memory_space<semaphore_mem>>)
      %dma_wait3A_101 = arith.constant 0 : i32
      %dma_wait3A_102 = tpu.memref_slice %arg6[%add3A_9, %dma_wait3A_101] : memref<10000x128xf32, #tpu.memory_space<vmem_shared>> -> memref<80x128xf32, #tpu.memory_space<vmem_shared>>
      %dma_wait3A_103 = arith.constant 0 : i32
      %dma_wait3A_104 = tpu.memref_slice %arg6[%add3A_9, %dma_wait3A_103] : memref<10000x128xf32, #tpu.memory_space<vmem_shared>> -> memref<80x128xf32, #tpu.memory_space<vmem_shared>>
      tpu.wait_dma2 semaphore(%run_scoped3A : memref<!tpu.dma_semaphore, #tpu.memory_space<semaphore_mem>>) src(%arg5 : memref<80x128xf32, #tpu.memory_space<vmem>>) dst(%dma_wait3A_104 : memref<80x128xf32, #tpu.memory_space<vmem_shared>>)
      tpu.yield
    }) : () -> ()
    %add3A_10 = arith.constant 80 : i32
    %add3A_11 = arith.addi %mul3A_2, %add3A_10 : i32
    "tpu.region"() ({
      %run_scoped3A = tpu.sem_alloc : memref<!tpu.dma_semaphore, #tpu.memory_space<semaphore_mem>>
      %dma_start3A = arith.constant 0 : i32
      %dma_start3A_98 = tpu.memref_slice %arg6[%add3A_11, %dma_start3A] : memref<10000x128xf32, #tpu.memory_space<vmem_shared>> -> memref<80x128xf32, #tpu.memory_space<vmem_shared>>
      %dma_start3A_99 = arith.constant 0 : i32
      %dma_start3A_100 = tpu.memref_slice %arg6[%add3A_11, %dma_start3A_99] : memref<10000x128xf32, #tpu.memory_space<vmem_shared>> -> memref<80x128xf32, #tpu.memory_space<vmem_shared>>
      tpu.enqueue_dma source(%arg5 : memref<80x128xf32, #tpu.memory_space<vmem>>) target(%dma_start3A_100 : memref<80x128xf32, #tpu.memory_space<vmem_shared>>) target_semaphore(%run_scoped3A : memref<!tpu.dma_semaphore, #tpu.memory_space<semaphore_mem>>)
      %dma_wait3A_101 = arith.constant 0 : i32
      %dma_wait3A_102 = tpu.memref_slice %arg6[%add3A_11, %dma_wait3A_101] : memref<10000x128xf32, #tpu.memory_space<vmem_shared>> -> memref<80x128xf32, #tpu.memory_space<vmem_shared>>
      %dma_wait3A_103 = arith.constant 0 : i32
      %dma_wait3A_104 = tpu.memref_slice %arg6[%add3A_11, %dma_wait3A_103] : memref<10000x128xf32, #tpu.memory_space<vmem_shared>> -> memref<80x128xf32, #tpu.memory_space<vmem_shared>>
      tpu.wait_dma2 semaphore(%run_scoped3A : memref<!tpu.dma_semaphore, #tpu.memory_space<semaphore_mem>>) src(%arg5 : memref<80x128xf32, #tpu.memory_space<vmem>>) dst(%dma_wait3A_104 : memref<80x128xf32, #tpu.memory_space<vmem_shared>>)
      tpu.yield
    }) : () -> ()
    %add3A_12 = arith.constant 160 : i32
    %add3A_13 = arith.addi %mul3A_2, %add3A_12 : i32
    "tpu.region"() ({
      %run_scoped3A = tpu.sem_alloc : memref<!tpu.dma_semaphore, #tpu.memory_space<semaphore_mem>>
      %dma_start3A = arith.constant 0 : i32
      %dma_start3A_98 = tpu.memref_slice %arg6[%add3A_13, %dma_start3A] : memref<10000x128xf32, #tpu.memory_space<vmem_shared>> -> memref<80x128xf32, #tpu.memory_space<vmem_shared>>
      %dma_start3A_99 = arith.constant 0 : i32
      %dma_start3A_100 = tpu.memref_slice %arg6[%add3A_13, %dma_start3A_99] : memref<10000x128xf32, #tpu.memory_space<vmem_shared>> -> memref<80x128xf32, #tpu.memory_space<vmem_shared>>
      tpu.enqueue_dma source(%arg5 : memref<80x128xf32, #tpu.memory_space<vmem>>) target(%dma_start3A_100 : memref<80x128xf32, #tpu.memory_space<vmem_shared>>) target_semaphore(%run_scoped3A : memref<!tpu.dma_semaphore, #tpu.memory_space<semaphore_mem>>)
      %dma_wait3A_101 = arith.constant 0 : i32
      %dma_wait3A_102 = tpu.memref_slice %arg6[%add3A_13, %dma_wait3A_101] : memref<10000x128xf32, #tpu.memory_space<vmem_shared>> -> memref<80x128xf32, #tpu.memory_space<vmem_shared>>
      %dma_wait3A_103 = arith.constant 0 : i32
      %dma_wait3A_104 = tpu.memref_slice %arg6[%add3A_13, %dma_wait3A_103] : memref<10000x128xf32, #tpu.memory_space<vmem_shared>> -> memref<80x128xf32, #tpu.memory_space<vmem_shared>>
      tpu.wait_dma2 semaphore(%run_scoped3A : memref<!tpu.dma_semaphore, #tpu.memory_space<semaphore_mem>>) src(%arg5 : memref<80x128xf32, #tpu.memory_space<vmem>>) dst(%dma_wait3A_104 : memref<80x128xf32, #tpu.memory_space<vmem_shared>>)
      tpu.yield
    }) : () -> ()
    %add3A_14 = arith.constant 240 : i32
    %add3A_15 = arith.addi %mul3A_2, %add3A_14 : i32
    "tpu.region"() ({
      %run_scoped3A = tpu.sem_alloc : memref<!tpu.dma_semaphore, #tpu.memory_space<semaphore_mem>>
      %dma_start3A = arith.constant 0 : i32
      %dma_start3A_98 = tpu.memref_slice %arg6[%add3A_15, %dma_start3A] : memref<10000x128xf32, #tpu.memory_space<vmem_shared>> -> memref<80x128xf32, #tpu.memory_space<vmem_shared>>
      %dma_start3A_99 = arith.constant 0 : i32
      %dma_start3A_100 = tpu.memref_slice %arg6[%add3A_15, %dma_start3A_99] : memref<10000x128xf32, #tpu.memory_space<vmem_shared>> -> memref<80x128xf32, #tpu.memory_space<vmem_shared>>
      tpu.enqueue_dma source(%arg5 : memref<80x128xf32, #tpu.memory_space<vmem>>) target(%dma_start3A_100 : memref<80x128xf32, #tpu.memory_space<vmem_shared>>) target_semaphore(%run_scoped3A : memref<!tpu.dma_semaphore, #tpu.memory_space<semaphore_mem>>)
      %dma_wait3A_101 = arith.constant 0 : i32
      %dma_wait3A_102 = tpu.memref_slice %arg6[%add3A_15, %dma_wait3A_101] : memref<10000x128xf32, #tpu.memory_space<vmem_shared>> -> memref<80x128xf32, #tpu.memory_space<vmem_shared>>
      %dma_wait3A_103 = arith.constant 0 : i32
      %dma_wait3A_104 = tpu.memref_slice %arg6[%add3A_15, %dma_wait3A_103] : memref<10000x128xf32, #tpu.memory_space<vmem_shared>> -> memref<80x128xf32, #tpu.memory_space<vmem_shared>>
      tpu.wait_dma2 semaphore(%run_scoped3A : memref<!tpu.dma_semaphore, #tpu.memory_space<semaphore_mem>>) src(%arg5 : memref<80x128xf32, #tpu.memory_space<vmem>>) dst(%dma_wait3A_104 : memref<80x128xf32, #tpu.memory_space<vmem_shared>>)
      tpu.yield
    }) : () -> ()
    %add3A_16 = arith.constant 320 : i32
    %add3A_17 = arith.addi %mul3A_2, %add3A_16 : i32
    "tpu.region"() ({
      %run_scoped3A = tpu.sem_alloc : memref<!tpu.dma_semaphore, #tpu.memory_space<semaphore_mem>>
      %dma_start3A = arith.constant 0 : i32
      %dma_start3A_98 = tpu.memref_slice %arg6[%add3A_17, %dma_start3A] : memref<10000x128xf32, #tpu.memory_space<vmem_shared>> -> memref<80x128xf32, #tpu.memory_space<vmem_shared>>
      %dma_start3A_99 = arith.constant 0 : i32
      %dma_start3A_100 = tpu.memref_slice %arg6[%add3A_17, %dma_start3A_99] : memref<10000x128xf32, #tpu.memory_space<vmem_shared>> -> memref<80x128xf32, #tpu.memory_space<vmem_shared>>
      tpu.enqueue_dma source(%arg5 : memref<80x128xf32, #tpu.memory_space<vmem>>) target(%dma_start3A_100 : memref<80x128xf32, #tpu.memory_space<vmem_shared>>) target_semaphore(%run_scoped3A : memref<!tpu.dma_semaphore, #tpu.memory_space<semaphore_mem>>)
      %dma_wait3A_101 = arith.constant 0 : i32
      %dma_wait3A_102 = tpu.memref_slice %arg6[%add3A_17, %dma_wait3A_101] : memref<10000x128xf32, #tpu.memory_space<vmem_shared>> -> memref<80x128xf32, #tpu.memory_space<vmem_shared>>
      %dma_wait3A_103 = arith.constant 0 : i32
      %dma_wait3A_104 = tpu.memref_slice %arg6[%add3A_17, %dma_wait3A_103] : memref<10000x128xf32, #tpu.memory_space<vmem_shared>> -> memref<80x128xf32, #tpu.memory_space<vmem_shared>>
      tpu.wait_dma2 semaphore(%run_scoped3A : memref<!tpu.dma_semaphore, #tpu.memory_space<semaphore_mem>>) src(%arg5 : memref<80x128xf32, #tpu.memory_space<vmem>>) dst(%dma_wait3A_104 : memref<80x128xf32, #tpu.memory_space<vmem_shared>>)
      tpu.yield
    }) : () -> ()
    %add3A_18 = arith.constant 400 : i32
    %add3A_19 = arith.addi %mul3A_2, %add3A_18 : i32
    "tpu.region"() ({
      %run_scoped3A = tpu.sem_alloc : memref<!tpu.dma_semaphore, #tpu.memory_space<semaphore_mem>>
      %dma_start3A = arith.constant 0 : i32
      %dma_start3A_98 = tpu.memref_slice %arg6[%add3A_19, %dma_start3A] : memref<10000x128xf32, #tpu.memory_space<vmem_shared>> -> memref<80x128xf32, #tpu.memory_space<vmem_shared>>
      %dma_start3A_99 = arith.constant 0 : i32
      %dma_start3A_100 = tpu.memref_slice %arg6[%add3A_19, %dma_start3A_99] : memref<10000x128xf32, #tpu.memory_space<vmem_shared>> -> memref<80x128xf32, #tpu.memory_space<vmem_shared>>
      tpu.enqueue_dma source(%arg5 : memref<80x128xf32, #tpu.memory_space<vmem>>) target(%dma_start3A_100 : memref<80x128xf32, #tpu.memory_space<vmem_shared>>) target_semaphore(%run_scoped3A : memref<!tpu.dma_semaphore, #tpu.memory_space<semaphore_mem>>)
      %dma_wait3A_101 = arith.constant 0 : i32
      %dma_wait3A_102 = tpu.memref_slice %arg6[%add3A_19, %dma_wait3A_101] : memref<10000x128xf32, #tpu.memory_space<vmem_shared>> -> memref<80x128xf32, #tpu.memory_space<vmem_shared>>
      %dma_wait3A_103 = arith.constant 0 : i32
      %dma_wait3A_104 = tpu.memref_slice %arg6[%add3A_19, %dma_wait3A_103] : memref<10000x128xf32, #tpu.memory_space<vmem_shared>> -> memref<80x128xf32, #tpu.memory_space<vmem_shared>>
      tpu.wait_dma2 semaphore(%run_scoped3A : memref<!tpu.dma_semaphore, #tpu.memory_space<semaphore_mem>>) src(%arg5 : memref<80x128xf32, #tpu.memory_space<vmem>>) dst(%dma_wait3A_104 : memref<80x128xf32, #tpu.memory_space<vmem_shared>>)
      tpu.yield
    }) : () -> ()
    %add3A_20 = arith.constant 480 : i32
    %add3A_21 = arith.addi %mul3A_2, %add3A_20 : i32
    "tpu.region"() ({
      %run_scoped3A = tpu.sem_alloc : memref<!tpu.dma_semaphore, #tpu.memory_space<semaphore_mem>>
      %dma_start3A = arith.constant 0 : i32
      %dma_start3A_98 = tpu.memref_slice %arg6[%add3A_21, %dma_start3A] : memref<10000x128xf32, #tpu.memory_space<vmem_shared>> -> memref<80x128xf32, #tpu.memory_space<vmem_shared>>
      %dma_start3A_99 = arith.constant 0 : i32
      %dma_start3A_100 = tpu.memref_slice %arg6[%add3A_21, %dma_start3A_99] : memref<10000x128xf32, #tpu.memory_space<vmem_shared>> -> memref<80x128xf32, #tpu.memory_space<vmem_shared>>
      tpu.enqueue_dma source(%arg5 : memref<80x128xf32, #tpu.memory_space<vmem>>) target(%dma_start3A_100 : memref<80x128xf32, #tpu.memory_space<vmem_shared>>) target_semaphore(%run_scoped3A : memref<!tpu.dma_semaphore, #tpu.memory_space<semaphore_mem>>)
      %dma_wait3A_101 = arith.constant 0 : i32
      %dma_wait3A_102 = tpu.memref_slice %arg6[%add3A_21, %dma_wait3A_101] : memref<10000x128xf32, #tpu.memory_space<vmem_shared>> -> memref<80x128xf32, #tpu.memory_space<vmem_shared>>
      %dma_wait3A_103 = arith.constant 0 : i32
      %dma_wait3A_104 = tpu.memref_slice %arg6[%add3A_21, %dma_wait3A_103] : memref<10000x128xf32, #tpu.memory_space<vmem_shared>> -> memref<80x128xf32, #tpu.memory_space<vmem_shared>>
      tpu.wait_dma2 semaphore(%run_scoped3A : memref<!tpu.dma_semaphore, #tpu.memory_space<semaphore_mem>>) src(%arg5 : memref<80x128xf32, #tpu.memory_space<vmem>>) dst(%dma_wait3A_104 : memref<80x128xf32, #tpu.memory_space<vmem_shared>>)
      tpu.yield
    }) : () -> ()
    %add3A_22 = arith.constant 560 : i32
    %add3A_23 = arith.addi %mul3A_2, %add3A_22 : i32
    "tpu.region"() ({
      %run_scoped3A = tpu.sem_alloc : memref<!tpu.dma_semaphore, #tpu.memory_space<semaphore_mem>>
      %dma_start3A = arith.constant 0 : i32
      %dma_start3A_98 = arith.constant 0 : i32
      %dma_start3A_99 = tpu.memref_slice %arg5[%dma_start3A, %dma_start3A_98] : memref<80x128xf32, #tpu.memory_space<vmem>> -> memref<64x128xf32, #tpu.memory_space<vmem>>
      %dma_start3A_100 = arith.constant 0 : i32
      %dma_start3A_101 = tpu.memref_slice %arg6[%add3A_23, %dma_start3A_100] : memref<10000x128xf32, #tpu.memory_space<vmem_shared>> -> memref<64x128xf32, #tpu.memory_space<vmem_shared>>
      %dma_start3A_102 = arith.constant 0 : i32
      %dma_start3A_103 = tpu.memref_slice %arg6[%add3A_23, %dma_start3A_102] : memref<10000x128xf32, #tpu.memory_space<vmem_shared>> -> memref<64x128xf32, #tpu.memory_space<vmem_shared>>
      %dma_start3A_104 = arith.constant 0 : i32
      %dma_start3A_105 = arith.constant 0 : i32
      %dma_start3A_106 = tpu.memref_slice %arg5[%dma_start3A_104, %dma_start3A_105] : memref<80x128xf32, #tpu.memory_space<vmem>> -> memref<64x128xf32, #tpu.memory_space<vmem>>
      tpu.enqueue_dma source(%dma_start3A_106 : memref<64x128xf32, #tpu.memory_space<vmem>>) target(%dma_start3A_103 : memref<64x128xf32, #tpu.memory_space<vmem_shared>>) target_semaphore(%run_scoped3A : memref<!tpu.dma_semaphore, #tpu.memory_space<semaphore_mem>>)
      %dma_wait3A_107 = arith.constant 0 : i32
      %dma_wait3A_108 = arith.constant 0 : i32
      %dma_wait3A_109 = tpu.memref_slice %arg5[%dma_wait3A_107, %dma_wait3A_108] : memref<80x128xf32, #tpu.memory_space<vmem>> -> memref<64x128xf32, #tpu.memory_space<vmem>>
      %dma_wait3A_110 = arith.constant 0 : i32
      %dma_wait3A_111 = tpu.memref_slice %arg6[%add3A_23, %dma_wait3A_110] : memref<10000x128xf32, #tpu.memory_space<vmem_shared>> -> memref<64x128xf32, #tpu.memory_space<vmem_shared>>
      %dma_wait3A_112 = arith.constant 0 : i32
      %dma_wait3A_113 = tpu.memref_slice %arg6[%add3A_23, %dma_wait3A_112] : memref<10000x128xf32, #tpu.memory_space<vmem_shared>> -> memref<64x128xf32, #tpu.memory_space<vmem_shared>>
      %dma_wait3A_114 = arith.constant 0 : i32
      %dma_wait3A_115 = arith.constant 0 : i32
      %dma_wait3A_116 = tpu.memref_slice %arg5[%dma_wait3A_114, %dma_wait3A_115] : memref<80x128xf32, #tpu.memory_space<vmem>> -> memref<64x128xf32, #tpu.memory_space<vmem>>
      tpu.wait_dma2 semaphore(%run_scoped3A : memref<!tpu.dma_semaphore, #tpu.memory_space<semaphore_mem>>) src(%dma_wait3A_116 : memref<64x128xf32, #tpu.memory_space<vmem>>) dst(%dma_wait3A_113 : memref<64x128xf32, #tpu.memory_space<vmem_shared>>)
      tpu.yield
    }) : () -> ()
    %eq3A = arith.constant 15 : i32
    %eq3A_24 = arith.cmpi eq, %arg1, %eq3A : i32
    %convert_element_type3A = arith.extui %eq3A_24 : i1 to i32
    %cond3A = arith.constant 0 : i32
    %cond3A_25 = arith.cmpi ne, %convert_element_type3A, %cond3A : i32
    scf.if %cond3A_25 {
      "tpu.region"() ({
        %run_scoped3A = tpu.sem_alloc : memref<!tpu.dma_semaphore, #tpu.memory_space<semaphore_mem>>
        %dma_start3A = arith.constant 0 : i32
        %dma_start3A_98 = arith.constant 0 : i32
        %dma_start3A_99 = tpu.memref_slice %arg5[%dma_start3A, %dma_start3A_98] : memref<80x128xf32, #tpu.memory_space<vmem>> -> memref<16x128xf32, #tpu.memory_space<vmem>>
        %dma_start3A_100 = arith.constant 9984 : i32
        %dma_start3A_101 = arith.constant 0 : i32
        %dma_start3A_102 = tpu.memref_slice %arg6[%dma_start3A_100, %dma_start3A_101] : memref<10000x128xf32, #tpu.memory_space<vmem_shared>> -> memref<16x128xf32, #tpu.memory_space<vmem_shared>>
        %dma_start3A_103 = arith.constant 9984 : i32
        %dma_start3A_104 = arith.constant 0 : i32
        %dma_start3A_105 = tpu.memref_slice %arg6[%dma_start3A_103, %dma_start3A_104] : memref<10000x128xf32, #tpu.memory_space<vmem_shared>> -> memref<16x128xf32, #tpu.memory_space<vmem_shared>>
        %dma_start3A_106 = arith.constant 0 : i32
        %dma_start3A_107 = arith.constant 0 : i32
        %dma_start3A_108 = tpu.memref_slice %arg5[%dma_start3A_106, %dma_start3A_107] : memref<80x128xf32, #tpu.memory_space<vmem>> -> memref<16x128xf32, #tpu.memory_space<vmem>>
        tpu.enqueue_dma source(%dma_start3A_108 : memref<16x128xf32, #tpu.memory_space<vmem>>) target(%dma_start3A_105 : memref<16x128xf32, #tpu.memory_space<vmem_shared>>) target_semaphore(%run_scoped3A : memref<!tpu.dma_semaphore, #tpu.memory_space<semaphore_mem>>)
        %dma_wait3A_109 = arith.constant 0 : i32
        %dma_wait3A_110 = arith.constant 0 : i32
        %dma_wait3A_111 = tpu.memref_slice %arg5[%dma_wait3A_109, %dma_wait3A_110] : memref<80x128xf32, #tpu.memory_space<vmem>> -> memref<16x128xf32, #tpu.memory_space<vmem>>
        %dma_wait3A_112 = arith.constant 9984 : i32
        %dma_wait3A_113 = arith.constant 0 : i32
        %dma_wait3A_114 = tpu.memref_slice %arg6[%dma_wait3A_112, %dma_wait3A_113] : memref<10000x128xf32, #tpu.memory_space<vmem_shared>> -> memref<16x128xf32, #tpu.memory_space<vmem_shared>>
        %dma_wait3A_115 = arith.constant 9984 : i32
        %dma_wait3A_116 = arith.constant 0 : i32
        %dma_wait3A_117 = tpu.memref_slice %arg6[%dma_wait3A_115, %dma_wait3A_116] : memref<10000x128xf32, #tpu.memory_space<vmem_shared>> -> memref<16x128xf32, #tpu.memory_space<vmem_shared>>
        %dma_wait3A_118 = arith.constant 0 : i32
        %dma_wait3A_119 = arith.constant 0 : i32
        %dma_wait3A_120 = tpu.memref_slice %arg5[%dma_wait3A_118, %dma_wait3A_119] : memref<80x128xf32, #tpu.memory_space<vmem>> -> memref<16x128xf32, #tpu.memory_space<vmem>>
        tpu.wait_dma2 semaphore(%run_scoped3A : memref<!tpu.dma_semaphore, #tpu.memory_space<semaphore_mem>>) src(%dma_wait3A_120 : memref<16x128xf32, #tpu.memory_space<vmem>>) dst(%dma_wait3A_117 : memref<16x128xf32, #tpu.memory_space<vmem_shared>>)
        tpu.yield
      }) : () -> ()
    } else {
    }
    %scan3A_26 = arith.constant 0 : i32
    %scan3A_27 = arith.constant 0 : i32
    %scan3A_28 = arith.constant 640 : i32
    %scan3A_29 = arith.addi %scan3A_27, %scan3A_28 : i32
    %scan3A_30 = arith.constant 1 : i32
    scf.for %scan3A_98 = %scan3A_27 to %scan3A_29 step %scan3A_30  : i32 {
      %jit3A = arith.constant 8 : i32
      %div3A = arith.divsi %scan3A_98, %jit3A : i32
      %sign3A = arith.constant 0 : i32
      %sign3A_99 = arith.cmpi sgt, %scan3A_98, %sign3A : i32
      %sign3A_100 = arith.extui %sign3A_99 : i1 to i32
      %sign3A_101 = arith.constant 0 : i32
      %sign3A_102 = arith.cmpi slt, %scan3A_98, %sign3A_101 : i32
      %sign3A_103 = arith.extui %sign3A_102 : i1 to i32
      %sign3A_104 = arith.subi %sign3A_100, %sign3A_103 : i32
      %sign3A_105 = arith.constant 0 : i32
      %sign3A_106 = arith.cmpi sgt, %jit3A, %sign3A_105 : i32
      %sign3A_107 = arith.extui %sign3A_106 : i1 to i32
      %sign3A_108 = arith.constant 0 : i32
      %sign3A_109 = arith.cmpi slt, %jit3A, %sign3A_108 : i32
      %sign3A_110 = arith.extui %sign3A_109 : i1 to i32
      %sign3A_111 = arith.subi %sign3A_107, %sign3A_110 : i32
      %ne3A = arith.cmpi ne, %sign3A_104, %sign3A_111 : i32
      %rem3A = arith.remsi %scan3A_98, %jit3A : i32
      %ne3A_112 = arith.constant 0 : i32
      %ne3A_113 = arith.cmpi ne, %rem3A, %ne3A_112 : i32
      %and3A = arith.andi %ne3A, %ne3A_113 : i1
      %sub3A = arith.constant 1 : i32
      %sub3A_114 = arith.subi %div3A, %sub3A : i32
      %select_n3A = arith.select %and3A, %sub3A_114, %div3A : i32
      %jit3A_115 = arith.constant 8 : i32
      %eq3A_116 = arith.constant 0 : i32
      %eq3A_117 = arith.cmpi eq, %jit3A_115, %eq3A_116 : i32
      %jit3A_118 = arith.constant 1 : i32
      %select_n3A_119 = arith.select %eq3A_117, %jit3A_118, %jit3A_115 : i32
      %rem3A_120 = arith.remsi %scan3A_98, %select_n3A_119 : i32
      %ne3A_121 = arith.constant 0 : i32
      %ne3A_122 = arith.cmpi ne, %rem3A_120, %ne3A_121 : i32
      %lt3A = arith.constant 0 : i32
      %lt3A_123 = arith.cmpi slt, %rem3A_120, %lt3A : i32
      %lt3A_124 = arith.constant 0 : i32
      %lt3A_125 = arith.cmpi slt, %select_n3A_119, %lt3A_124 : i32
      %ne3A_126 = arith.xori %lt3A_123, %lt3A_125 : i1
      %and3A_127 = arith.andi %ne3A_126, %ne3A_122 : i1
      %add3A_128 = arith.addi %rem3A_120, %select_n3A_119 : i32
      %select_n3A_129 = arith.select %and3A_127, %add3A_128, %rem3A_120 : i32
      %broadcast_in_dim3A = arith.constant 1.000000e+00 : f32
      %broadcast_in_dim3A_130 = vector.broadcast %broadcast_in_dim3A : f32 to vector<16xf32>
      %mul3A_131 = arith.constant 16 : i32
      %mul3A_132 = arith.muli %select_n3A_129, %mul3A_131 : i32
      %swap3A = arith.index_cast %select_n3A : i32 to index
      %swap3A_133 = arith.index_cast %mul3A_132 : i32 to index
      %swap3A_134 = tpu.vector_load %arg5[%swap3A, %swap3A_133] {strides = array<i32>} : memref<80x128xf32, #tpu.memory_space<vmem>>, vector<1x16xf32>,
      %swap3A_135 = vector.shape_cast %swap3A_134 : vector<1x16xf32> to vector<16xf32>
      %swap3A_136 = vector.shape_cast %broadcast_in_dim3A_130 : vector<16xf32> to vector<1x16xf32>
      tpu.vector_store %arg5[%swap3A, %swap3A_133], %swap3A_136 {strides = array<i32>} : memref<80x128xf32, #tpu.memory_space<vmem>>, vector<1x16xf32>,
    }
    %scan3A_31 = arith.constant 640 : i32
    "tpu.region"() ({
      %run_scoped3A = tpu.sem_alloc : memref<!tpu.dma_semaphore, #tpu.memory_space<semaphore_mem>>
      %dma_start3A = arith.constant 0 : i32
      %dma_start3A_98 = arith.constant 0 : i32
      %dma_start3A_99 = tpu.memref_slice %arg2[%add3A, %dma_start3A, %dma_start3A_98] : memref<32x125x80xi32, #tpu.memory_space<hbm>> -> memref<1x125x80xi32, #tpu.memory_space<hbm>>
      %dma_start3A_100 = tpu.memref_squeeze %dma_start3A_99 : memref<1x125x80xi32, #tpu.memory_space<hbm>> -> memref<125x80xi32, #tpu.memory_space<hbm>>
      %dma_start3A_101 = arith.constant 0 : i32
      %dma_start3A_102 = arith.constant 0 : i32
      %dma_start3A_103 = tpu.memref_slice %arg2[%add3A, %dma_start3A_101, %dma_start3A_102] : memref<32x125x80xi32, #tpu.memory_space<hbm>> -> memref<1x125x80xi32, #tpu.memory_space<hbm>>
      %dma_start3A_104 = tpu.memref_squeeze %dma_start3A_103 : memref<1x125x80xi32, #tpu.memory_space<hbm>> -> memref<125x80xi32, #tpu.memory_space<hbm>>
      tpu.enqueue_dma source(%dma_start3A_104 : memref<125x80xi32, #tpu.memory_space<hbm>>) target(%arg4 : memref<125x80xi32, #tpu.memory_space<vmem>>) target_semaphore(%run_scoped3A : memref<!tpu.dma_semaphore, #tpu.memory_space<semaphore_mem>>)
      %dma_wait3A_105 = arith.constant 0 : i32
      %dma_wait3A_106 = arith.constant 0 : i32
      %dma_wait3A_107 = tpu.memref_slice %arg2[%add3A, %dma_wait3A_105, %dma_wait3A_106] : memref<32x125x80xi32, #tpu.memory_space<hbm>> -> memref<1x125x80xi32, #tpu.memory_space<hbm>>
      %dma_wait3A_108 = tpu.memref_squeeze %dma_wait3A_107 : memref<1x125x80xi32, #tpu.memory_space<hbm>> -> memref<125x80xi32, #tpu.memory_space<hbm>>
      %dma_wait3A_109 = arith.constant 0 : i32
      %dma_wait3A_110 = arith.constant 0 : i32
      %dma_wait3A_111 = tpu.memref_slice %arg2[%add3A, %dma_wait3A_109, %dma_wait3A_110] : memref<32x125x80xi32, #tpu.memory_space<hbm>> -> memref<1x125x80xi32, #tpu.memory_space<hbm>>
      %dma_wait3A_112 = tpu.memref_squeeze %dma_wait3A_111 : memref<1x125x80xi32, #tpu.memory_space<hbm>> -> memref<125x80xi32, #tpu.memory_space<hbm>>
      tpu.wait_dma2 semaphore(%run_scoped3A : memref<!tpu.dma_semaphore, #tpu.memory_space<semaphore_mem>>) src(%dma_wait3A_112 : memref<125x80xi32, #tpu.memory_space<hbm>>) dst(%arg4 : memref<125x80xi32, #tpu.memory_space<vmem>>)
      tpu.yield
    }) : () -> ()
    %barrier3A = arith.constant 0 : index
    tpu.barrier barrier_id(%barrier3A)
    %scan3A_32 = arith.constant 0 : i32
    %scan3A_33 = arith.constant 125 : i32
    %scan3A_34 = arith.addi %scan3A_32, %scan3A_33 : i32
    %scan3A_35 = arith.constant 1 : i32
    scf.for %scan3A_98 = %scan3A_32 to %scan3A_34 step %scan3A_35  : i32 {
      %mul3A_99 = arith.constant 1 : i32
      %mul3A_100 = arith.muli %scan3A_98, %mul3A_99 : i32
      %add3A_101 = arith.constant 0 : i32
      %add3A_102 = arith.addi %add3A_101, %mul3A_100 : i32
      %ge3A = arith.constant 8 : i32
      %ge3A_103 = arith.cmpi sge, %add3A_102, %ge3A : i32
      %convert_element_type3A_104 = arith.extui %ge3A_103 : i1 to i32
      %cond3A_105 = arith.constant 0 : i32
      %cond3A_106 = arith.cmpi ne, %convert_element_type3A_104, %cond3A_105 : i32
      scf.if %cond3A_106 {
        %sub3A = arith.constant 8 : i32
        %sub3A_112 = arith.subi %add3A_102, %sub3A : i32
        %dma_wait3A_113 = arith.constant 0 : i32
        %dma_wait3A_114 = tpu.memref_slice %arg4[%sub3A_112, %dma_wait3A_113] : memref<125x80xi32, #tpu.memory_space<vmem>> -> memref<1x80xi32, #tpu.memory_space<vmem>>
        %dma_wait3A_115 = tpu.memref_squeeze %dma_wait3A_114 : memref<1x80xi32, #tpu.memory_space<vmem>> -> memref<80xi32, #tpu.memory_space<vmem>>
        %dma_wait3A_116 = arith.constant 0 : i32
        %dma_wait3A_117 = arith.constant 0 : i32
        %dma_wait3A_118 = tpu.memref_slice %arg6[%dma_wait3A_116, %dma_wait3A_117] : memref<10000x128xf32, #tpu.memory_space<vmem_shared>> -> memref<10000x128xf32, #tpu.memory_space<vmem_shared>>
        tpu.wait_indirect_dma semaphore(%arg7 : memref<!tpu.dma_semaphore, #tpu.memory_space<semaphore_mem>>) src(%arg5 : memref<80x128xf32, #tpu.memory_space<vmem>>) dst(%dma_wait3A_118 : memref<10000x128xf32, #tpu.memory_space<vmem_shared>>)
      } else {
      }
      %dma_start3A = arith.constant 0 : i32
      %dma_start3A_107 = tpu.memref_slice %arg4[%add3A_102, %dma_start3A] : memref<125x80xi32, #tpu.memory_space<vmem>> -> memref<1x80xi32, #tpu.memory_space<vmem>>
      %dma_start3A_108 = tpu.memref_squeeze %dma_start3A_107 : memref<1x80xi32, #tpu.memory_space<vmem>> -> memref<80xi32, #tpu.memory_space<vmem>>
      %dma_start3A_109 = arith.constant 0 : i32
      %dma_start3A_110 = arith.constant 0 : i32
      %dma_start3A_111 = tpu.memref_slice %arg6[%dma_start3A_109, %dma_start3A_110] : memref<10000x128xf32, #tpu.memory_space<vmem_shared>> -> memref<10000x128xf32, #tpu.memory_space<vmem_shared>>
      tpu.enqueue_indirect_dma source(%arg5 : memref<80x128xf32, #tpu.memory_space<vmem>>) target(%dma_start3A_111 : memref<10000x128xf32, #tpu.memory_space<vmem_shared>>) offsets(%dma_start3A_108 : memref<80xi32, #tpu.memory_space<vmem>>) semaphore(%arg7 : memref<!tpu.dma_semaphore, #tpu.memory_space<semaphore_mem>>) {add = true}
    }
    %scan3A_36 = arith.constant 125 : i32
    %dma_wait3A = arith.constant 117 : i32
    %dma_wait3A_37 = arith.constant 0 : i32
    %dma_wait3A_38 = tpu.memref_slice %arg4[%dma_wait3A, %dma_wait3A_37] : memref<125x80xi32, #tpu.memory_space<vmem>> -> memref<1x80xi32, #tpu.memory_space<vmem>>
    %dma_wait3A_39 = tpu.memref_squeeze %dma_wait3A_38 : memref<1x80xi32, #tpu.memory_space<vmem>> -> memref<80xi32, #tpu.memory_space<vmem>>
    %dma_wait3A_40 = arith.constant 0 : i32
    %dma_wait3A_41 = arith.constant 0 : i32
    %dma_wait3A_42 = tpu.memref_slice %arg6[%dma_wait3A_40, %dma_wait3A_41] : memref<10000x128xf32, #tpu.memory_space<vmem_shared>> -> memref<10000x128xf32, #tpu.memory_space<vmem_shared>>
    tpu.wait_indirect_dma semaphore(%arg7 : memref<!tpu.dma_semaphore, #tpu.memory_space<semaphore_mem>>) src(%arg5 : memref<80x128xf32, #tpu.memory_space<vmem>>) dst(%dma_wait3A_42 : memref<10000x128xf32, #tpu.memory_space<vmem_shared>>)
    %dma_wait3A_43 = arith.constant 118 : i32
    %dma_wait3A_44 = arith.constant 0 : i32
    %dma_wait3A_45 = tpu.memref_slice %arg4[%dma_wait3A_43, %dma_wait3A_44] : memref<125x80xi32, #tpu.memory_space<vmem>> -> memref<1x80xi32, #tpu.memory_space<vmem>>
    %dma_wait3A_46 = tpu.memref_squeeze %dma_wait3A_45 : memref<1x80xi32, #tpu.memory_space<vmem>> -> memref<80xi32, #tpu.memory_space<vmem>>
    %dma_wait3A_47 = arith.constant 0 : i32
    %dma_wait3A_48 = arith.constant 0 : i32
    %dma_wait3A_49 = tpu.memref_slice %arg6[%dma_wait3A_47, %dma_wait3A_48] : memref<10000x128xf32, #tpu.memory_space<vmem_shared>> -> memref<10000x128xf32, #tpu.memory_space<vmem_shared>>
    tpu.wait_indirect_dma semaphore(%arg7 : memref<!tpu.dma_semaphore, #tpu.memory_space<semaphore_mem>>) src(%arg5 : memref<80x128xf32, #tpu.memory_space<vmem>>) dst(%dma_wait3A_49 : memref<10000x128xf32, #tpu.memory_space<vmem_shared>>)
    %dma_wait3A_50 = arith.constant 119 : i32
    %dma_wait3A_51 = arith.constant 0 : i32
    %dma_wait3A_52 = tpu.memref_slice %arg4[%dma_wait3A_50, %dma_wait3A_51] : memref<125x80xi32, #tpu.memory_space<vmem>> -> memref<1x80xi32, #tpu.memory_space<vmem>>
    %dma_wait3A_53 = tpu.memref_squeeze %dma_wait3A_52 : memref<1x80xi32, #tpu.memory_space<vmem>> -> memref<80xi32, #tpu.memory_space<vmem>>
    %dma_wait3A_54 = arith.constant 0 : i32
    %dma_wait3A_55 = arith.constant 0 : i32
    %dma_wait3A_56 = tpu.memref_slice %arg6[%dma_wait3A_54, %dma_wait3A_55] : memref<10000x128xf32, #tpu.memory_space<vmem_shared>> -> memref<10000x128xf32, #tpu.memory_space<vmem_shared>>
    tpu.wait_indirect_dma semaphore(%arg7 : memref<!tpu.dma_semaphore, #tpu.memory_space<semaphore_mem>>) src(%arg5 : memref<80x128xf32, #tpu.memory_space<vmem>>) dst(%dma_wait3A_56 : memref<10000x128xf32, #tpu.memory_space<vmem_shared>>)
    %dma_wait3A_57 = arith.constant 120 : i32
    %dma_wait3A_58 = arith.constant 0 : i32
    %dma_wait3A_59 = tpu.memref_slice %arg4[%dma_wait3A_57, %dma_wait3A_58] : memref<125x80xi32, #tpu.memory_space<vmem>> -> memref<1x80xi32, #tpu.memory_space<vmem>>
    %dma_wait3A_60 = tpu.memref_squeeze %dma_wait3A_59 : memref<1x80xi32, #tpu.memory_space<vmem>> -> memref<80xi32, #tpu.memory_space<vmem>>
    %dma_wait3A_61 = arith.constant 0 : i32
    %dma_wait3A_62 = arith.constant 0 : i32
    %dma_wait3A_63 = tpu.memref_slice %arg6[%dma_wait3A_61, %dma_wait3A_62] : memref<10000x128xf32, #tpu.memory_space<vmem_shared>> -> memref<10000x128xf32, #tpu.memory_space<vmem_shared>>
    tpu.wait_indirect_dma semaphore(%arg7 : memref<!tpu.dma_semaphore, #tpu.memory_space<semaphore_mem>>) src(%arg5 : memref<80x128xf32, #tpu.memory_space<vmem>>) dst(%dma_wait3A_63 : memref<10000x128xf32, #tpu.memory_space<vmem_shared>>)
    %dma_wait3A_64 = arith.constant 121 : i32
    %dma_wait3A_65 = arith.constant 0 : i32
    %dma_wait3A_66 = tpu.memref_slice %arg4[%dma_wait3A_64, %dma_wait3A_65] : memref<125x80xi32, #tpu.memory_space<vmem>> -> memref<1x80xi32, #tpu.memory_space<vmem>>
    %dma_wait3A_67 = tpu.memref_squeeze %dma_wait3A_66 : memref<1x80xi32, #tpu.memory_space<vmem>> -> memref<80xi32, #tpu.memory_space<vmem>>
    %dma_wait3A_68 = arith.constant 0 : i32
    %dma_wait3A_69 = arith.constant 0 : i32
    %dma_wait3A_70 = tpu.memref_slice %arg6[%dma_wait3A_68, %dma_wait3A_69] : memref<10000x128xf32, #tpu.memory_space<vmem_shared>> -> memref<10000x128xf32, #tpu.memory_space<vmem_shared>>
    tpu.wait_indirect_dma semaphore(%arg7 : memref<!tpu.dma_semaphore, #tpu.memory_space<semaphore_mem>>) src(%arg5 : memref<80x128xf32, #tpu.memory_space<vmem>>) dst(%dma_wait3A_70 : memref<10000x128xf32, #tpu.memory_space<vmem_shared>>)
    %dma_wait3A_71 = arith.constant 122 : i32
    %dma_wait3A_72 = arith.constant 0 : i32
    %dma_wait3A_73 = tpu.memref_slice %arg4[%dma_wait3A_71, %dma_wait3A_72] : memref<125x80xi32, #tpu.memory_space<vmem>> -> memref<1x80xi32, #tpu.memory_space<vmem>>
    %dma_wait3A_74 = tpu.memref_squeeze %dma_wait3A_73 : memref<1x80xi32, #tpu.memory_space<vmem>> -> memref<80xi32, #tpu.memory_space<vmem>>
    %dma_wait3A_75 = arith.constant 0 : i32
    %dma_wait3A_76 = arith.constant 0 : i32
    %dma_wait3A_77 = tpu.memref_slice %arg6[%dma_wait3A_75, %dma_wait3A_76] : memref<10000x128xf32, #tpu.memory_space<vmem_shared>> -> memref<10000x128xf32, #tpu.memory_space<vmem_shared>>
    tpu.wait_indirect_dma semaphore(%arg7 : memref<!tpu.dma_semaphore, #tpu.memory_space<semaphore_mem>>) src(%arg5 : memref<80x128xf32, #tpu.memory_space<vmem>>) dst(%dma_wait3A_77 : memref<10000x128xf32, #tpu.memory_space<vmem_shared>>)
    %dma_wait3A_78 = arith.constant 123 : i32
    %dma_wait3A_79 = arith.constant 0 : i32
    %dma_wait3A_80 = tpu.memref_slice %arg4[%dma_wait3A_78, %dma_wait3A_79] : memref<125x80xi32, #tpu.memory_space<vmem>> -> memref<1x80xi32, #tpu.memory_space<vmem>>
    %dma_wait3A_81 = tpu.memref_squeeze %dma_wait3A_80 : memref<1x80xi32, #tpu.memory_space<vmem>> -> memref<80xi32, #tpu.memory_space<vmem>>
    %dma_wait3A_82 = arith.constant 0 : i32
    %dma_wait3A_83 = arith.constant 0 : i32
    %dma_wait3A_84 = tpu.memref_slice %arg6[%dma_wait3A_82, %dma_wait3A_83] : memref<10000x128xf32, #tpu.memory_space<vmem_shared>> -> memref<10000x128xf32, #tpu.memory_space<vmem_shared>>
    tpu.wait_indirect_dma semaphore(%arg7 : memref<!tpu.dma_semaphore, #tpu.memory_space<semaphore_mem>>) src(%arg5 : memref<80x128xf32, #tpu.memory_space<vmem>>) dst(%dma_wait3A_84 : memref<10000x128xf32, #tpu.memory_space<vmem_shared>>)
    %dma_wait3A_85 = arith.constant 124 : i32
    %dma_wait3A_86 = arith.constant 0 : i32
    %dma_wait3A_87 = tpu.memref_slice %arg4[%dma_wait3A_85, %dma_wait3A_86] : memref<125x80xi32, #tpu.memory_space<vmem>> -> memref<1x80xi32, #tpu.memory_space<vmem>>
    %dma_wait3A_88 = tpu.memref_squeeze %dma_wait3A_87 : memref<1x80xi32, #tpu.memory_space<vmem>> -> memref<80xi32, #tpu.memory_space<vmem>>
    %dma_wait3A_89 = arith.constant 0 : i32
    %dma_wait3A_90 = arith.constant 0 : i32
    %dma_wait3A_91 = tpu.memref_slice %arg6[%dma_wait3A_89, %dma_wait3A_90] : memref<10000x128xf32, #tpu.memory_space<vmem_shared>> -> memref<10000x128xf32, #tpu.memory_space<vmem_shared>>
    tpu.wait_indirect_dma semaphore(%arg7 : memref<!tpu.dma_semaphore, #tpu.memory_space<semaphore_mem>>) src(%arg5 : memref<80x128xf32, #tpu.memory_space<vmem>>) dst(%dma_wait3A_91 : memref<10000x128xf32, #tpu.memory_space<vmem_shared>>)
    %barrier3A_92 = arith.constant 0 : index
    tpu.barrier barrier_id(%barrier3A_92)
    "tpu.region"() ({
      %run_scoped3A = tpu.sem_alloc : memref<!tpu.dma_semaphore, #tpu.memory_space<semaphore_mem>>
      %dma_start3A = arith.constant 0 : i32
      %dma_start3A_98 = tpu.memref_slice %arg3[%arg0, %mul3A_2, %dma_start3A] : memref<2x10000x128xf32, #tpu.memory_space<hbm>> -> memref<1x624x128xf32, #tpu.memory_space<hbm>>
      %dma_start3A_99 = tpu.memref_squeeze %dma_start3A_98 : memref<1x624x128xf32, #tpu.memory_space<hbm>> -> memref<624x128xf32, #tpu.memory_space<hbm>>
      %dma_start3A_100 = arith.constant 0 : i32
      %dma_start3A_101 = tpu.memref_slice %arg6[%mul3A_2, %dma_start3A_100] : memref<10000x128xf32, #tpu.memory_space<vmem_shared>> -> memref<624x128xf32, #tpu.memory_space<vmem_shared>>
      tpu.enqueue_dma source(%dma_start3A_101 : memref<624x128xf32, #tpu.memory_space<vmem_shared>>) target(%dma_start3A_99 : memref<624x128xf32, #tpu.memory_space<hbm>>) target_semaphore(%run_scoped3A : memref<!tpu.dma_semaphore, #tpu.memory_space<semaphore_mem>>)
      %dma_wait3A_102 = arith.constant 0 : i32
      %dma_wait3A_103 = tpu.memref_slice %arg3[%arg0, %mul3A_2, %dma_wait3A_102] : memref<2x10000x128xf32, #tpu.memory_space<hbm>> -> memref<1x624x128xf32, #tpu.memory_space<hbm>>
      %dma_wait3A_104 = tpu.memref_squeeze %dma_wait3A_103 : memref<1x624x128xf32, #tpu.memory_space<hbm>> -> memref<624x128xf32, #tpu.memory_space<hbm>>
      %dma_wait3A_105 = arith.constant 0 : i32
      %dma_wait3A_106 = tpu.memref_slice %arg6[%mul3A_2, %dma_wait3A_105] : memref<10000x128xf32, #tpu.memory_space<vmem_shared>> -> memref<624x128xf32, #tpu.memory_space<vmem_shared>>
      tpu.wait_dma2 semaphore(%run_scoped3A : memref<!tpu.dma_semaphore, #tpu.memory_space<semaphore_mem>>) src(%dma_wait3A_106 : memref<624x128xf32, #tpu.memory_space<vmem_shared>>) dst(%dma_wait3A_104 : memref<624x128xf32, #tpu.memory_space<hbm>>)
      tpu.yield
    }) : () -> ()
    %eq3A_93 = arith.constant 15 : i32
    %eq3A_94 = arith.cmpi eq, %arg1, %eq3A_93 : i32
    %convert_element_type3A_95 = arith.extui %eq3A_94 : i1 to i32
    %cond3A_96 = arith.constant 0 : i32
    %cond3A_97 = arith.cmpi ne, %convert_element_type3A_95, %cond3A_96 : i32
    scf.if %cond3A_97 {
      "tpu.region"() ({
        %run_scoped3A = tpu.sem_alloc : memref<!tpu.dma_semaphore, #tpu.memory_space<semaphore_mem>>
        %dma_start3A = arith.constant 9984 : i32
        %dma_start3A_98 = arith.constant 0 : i32
        %dma_start3A_99 = tpu.memref_slice %arg3[%arg0, %dma_start3A, %dma_start3A_98] : memref<2x10000x128xf32, #tpu.memory_space<hbm>> -> memref<1x16x128xf32, #tpu.memory_space<hbm>>
        %dma_start3A_100 = tpu.memref_squeeze %dma_start3A_99 : memref<1x16x128xf32, #tpu.memory_space<hbm>> -> memref<16x128xf32, #tpu.memory_space<hbm>>
        %dma_start3A_101 = arith.constant 9984 : i32
        %dma_start3A_102 = arith.constant 0 : i32
        %dma_start3A_103 = tpu.memref_slice %arg6[%dma_start3A_101, %dma_start3A_102] : memref<10000x128xf32, #tpu.memory_space<vmem_shared>> -> memref<16x128xf32, #tpu.memory_space<vmem_shared>>
        tpu.enqueue_dma source(%dma_start3A_103 : memref<16x128xf32, #tpu.memory_space<vmem_shared>>) target(%dma_start3A_100 : memref<16x128xf32, #tpu.memory_space<hbm>>) target_semaphore(%run_scoped3A : memref<!tpu.dma_semaphore, #tpu.memory_space<semaphore_mem>>)
        %dma_wait3A_104 = arith.constant 9984 : i32
        %dma_wait3A_105 = arith.constant 0 : i32
        %dma_wait3A_106 = tpu.memref_slice %arg3[%arg0, %dma_wait3A_104, %dma_wait3A_105] : memref<2x10000x128xf32, #tpu.memory_space<hbm>> -> memref<1x16x128xf32, #tpu.memory_space<hbm>>
        %dma_wait3A_107 = tpu.memref_squeeze %dma_wait3A_106 : memref<1x16x128xf32, #tpu.memory_space<hbm>> -> memref<16x128xf32, #tpu.memory_space<hbm>>
        %dma_wait3A_108 = arith.constant 9984 : i32
        %dma_wait3A_109 = arith.constant 0 : i32
        %dma_wait3A_110 = tpu.memref_slice %arg6[%dma_wait3A_108, %dma_wait3A_109] : memref<10000x128xf32, #tpu.memory_space<vmem_shared>> -> memref<16x128xf32, #tpu.memory_space<vmem_shared>>
        tpu.wait_dma2 semaphore(%run_scoped3A : memref<!tpu.dma_semaphore, #tpu.memory_space<semaphore_mem>>) src(%dma_wait3A_110 : memref<16x128xf32, #tpu.memory_space<vmem_shared>>) dst(%dma_wait3A_107 : memref<16x128xf32, #tpu.memory_space<hbm>>)
        tpu.yield
      }) : () -> ()
    } else {
    }
    return
  }
}

module attributes {stable_mosaic.version = 14 : i64} {
  func.func @_mm2_body(%arg0: i32, %arg1: memref<400x128xf32, #tpu.memory_space<vmem>>, %arg2: memref<128x128xf32, #tpu.memory_space<vmem>>, %arg3: memref<128x128xf32, #tpu.memory_space<vmem>>, %arg4: memref<1x128xf32, #tpu.memory_space<vmem>>, %arg5: memref<400x128xf32, #tpu.memory_space<vmem>>, %arg6: memref<400x128xf32, #tpu.memory_space<vmem>>) attributes {dimension_semantics = [#tpu.dimension_semantics<arbitrary>], iteration_bounds = array<i64: 25>, scalar_prefetch = 0 : i64, scratch_operands = 0 : i64, tpu.core_type = #tpu.core_type<tc>, window_params = [{transform_indices = @transform_0, window_bounds = array<i64: 400, 128>}, {pipeline_mode = #tpu.pipeline_mode<synchronous>, transform_indices = @transform_1, window_bounds = array<i64: 128, 128>}, {pipeline_mode = #tpu.pipeline_mode<synchronous>, transform_indices = @transform_2, window_bounds = array<i64: 128, 128>}, {pipeline_mode = #tpu.pipeline_mode<synchronous>, transform_indices = @transform_3, window_bounds = array<i64: 1, 128>}, {transform_indices = @transform_4, window_bounds = array<i64: 400, 128>}, {transform_indices = @transform_5, window_bounds = array<i64: 400, 128>}]} {
    %get3A = arith.constant 0 : index
    %get3A_0 = arith.constant 0 : index
    %get3A_1 = vector.load %arg1[%get3A, %get3A_0] : memref<400x128xf32, #tpu.memory_space<vmem>>, vector<400x128xf32>
    %get3A_2 = arith.constant 0 : index
    %get3A_3 = arith.constant 0 : index
    %get3A_4 = vector.load %arg2[%get3A_2, %get3A_3] : memref<128x128xf32, #tpu.memory_space<vmem>>, vector<128x128xf32>
    %dot_general3A = arith.constant dense<0.000000e+00> : vector<400x128xf32>
    %dot_general3A_5 = tpu.matmul %get3A_1, %get3A_4, %dot_general3A {dimension_numbers = #tpu.dot_dimension_numbers<[1], [0], [0], [1], [0, 0, 1, 1], [], []>, transpose_lhs_hint = false} : vector<400x128xf32>, vector<128x128xf32>, vector<400x128xf32> -> vector<400x128xf32>
    %swap3A = arith.constant 0 : index
    %swap3A_6 = arith.constant 0 : index
    %swap3A_7 = vector.load %arg5[%swap3A, %swap3A_6] : memref<400x128xf32, #tpu.memory_space<vmem>>, vector<400x128xf32>
    tpu.vector_store %arg5[%swap3A, %swap3A_6], %dot_general3A_5 {strides = array<i32>} : memref<400x128xf32, #tpu.memory_space<vmem>>, vector<400x128xf32>,
    %get3A_8 = arith.constant 0 : index
    %get3A_9 = arith.constant 0 : index
    %get3A_10 = vector.load %arg3[%get3A_8, %get3A_9] : memref<128x128xf32, #tpu.memory_space<vmem>>, vector<128x128xf32>
    %dot_general3A_11 = arith.constant dense<0.000000e+00> : vector<400x128xf32>
    %dot_general3A_12 = tpu.matmul %get3A_1, %get3A_10, %dot_general3A_11 {dimension_numbers = #tpu.dot_dimension_numbers<[1], [0], [0], [1], [0, 0, 1, 1], [], []>, transpose_lhs_hint = false} : vector<400x128xf32>, vector<128x128xf32>, vector<400x128xf32> -> vector<400x128xf32>
    %get3A_13 = arith.constant 0 : index
    %get3A_14 = arith.constant 0 : index
    %get3A_15 = vector.load %arg4[%get3A_13, %get3A_14] : memref<1x128xf32, #tpu.memory_space<vmem>>, vector<1x128xf32>
    %add3A = vector.broadcast %get3A_15 : vector<1x128xf32> to vector<400x128xf32>
    %add3A_16 = arith.addf %dot_general3A_12, %add3A : vector<400x128xf32>
    %swap3A_17 = arith.constant 0 : index
    %swap3A_18 = arith.constant 0 : index
    %swap3A_19 = vector.load %arg6[%swap3A_17, %swap3A_18] : memref<400x128xf32, #tpu.memory_space<vmem>>, vector<400x128xf32>
    tpu.vector_store %arg6[%swap3A_17, %swap3A_18], %add3A_16 {strides = array<i32>} : memref<400x128xf32, #tpu.memory_space<vmem>>, vector<400x128xf32>,
    return
  }
  func.func @transform_0(%arg0: i32) -> (i32, i32) {
    %c0_i32 = arith.constant 0 : i32
    %c0_i32_0 = arith.constant 0 : i32
    return %arg0, %c0_i32 : i32, i32
  }
  func.func @transform_1(%arg0: i32) -> (i32, i32) {
    %c0_i32 = arith.constant 0 : i32
    %c0_i32_0 = arith.constant 0 : i32
    %c0_i32_1 = arith.constant 0 : i32
    return %c0_i32, %c0_i32_0 : i32, i32
  }
  func.func @transform_2(%arg0: i32) -> (i32, i32) {
    %c0_i32 = arith.constant 0 : i32
    %c0_i32_0 = arith.constant 0 : i32
    %c0_i32_1 = arith.constant 0 : i32
    return %c0_i32, %c0_i32_0 : i32, i32
  }
  func.func @transform_3(%arg0: i32) -> (i32, i32) {
    %c0_i32 = arith.constant 0 : i32
    %c0_i32_0 = arith.constant 0 : i32
    %c0_i32_1 = arith.constant 0 : i32
    return %c0_i32, %c0_i32_0 : i32, i32
  }
  func.func @transform_4(%arg0: i32) -> (i32, i32) {
    %c0_i32 = arith.constant 0 : i32
    %c0_i32_0 = arith.constant 0 : i32
    return %arg0, %c0_i32 : i32, i32
  }
  func.func @transform_5(%arg0: i32) -> (i32, i32) {
    %c0_i32 = arith.constant 0 : i32
    %c0_i32_0 = arith.constant 0 : i32
    return %arg0, %c0_i32 : i32, i32
  }
}

module attributes {stable_mosaic.version = 14 : i64} {
  func.func @_combine_mm_body(%arg0: i32, %arg1: memref<2x400x128xf32, #tpu.memory_space<vmem>>, %arg2: memref<2x400x128xf32, #tpu.memory_space<vmem>>, %arg3: memref<400x128xf32, #tpu.memory_space<vmem>>, %arg4: memref<128x128xf32, #tpu.memory_space<vmem>>, %arg5: memref<128x128xf32, #tpu.memory_space<vmem>>, %arg6: memref<1x128xf32, #tpu.memory_space<vmem>>, %arg7: memref<400x128xf32, #tpu.memory_space<vmem>>, %arg8: memref<400x128xf32, #tpu.memory_space<vmem>>) attributes {dimension_semantics = [#tpu.dimension_semantics<arbitrary>], iteration_bounds = array<i64: 25>, scalar_prefetch = 0 : i64, scratch_operands = 0 : i64, tpu.core_type = #tpu.core_type<tc>, window_params = [{transform_indices = @transform_0, window_bounds = array<i64: 2, 400, 128>}, {transform_indices = @transform_1, window_bounds = array<i64: 2, 400, 128>}, {transform_indices = @transform_2, window_bounds = array<i64: 400, 128>}, {pipeline_mode = #tpu.pipeline_mode<synchronous>, transform_indices = @transform_3, window_bounds = array<i64: 128, 128>}, {pipeline_mode = #tpu.pipeline_mode<synchronous>, transform_indices = @transform_4, window_bounds = array<i64: 128, 128>}, {pipeline_mode = #tpu.pipeline_mode<synchronous>, transform_indices = @transform_5, window_bounds = array<i64: 1, 128>}, {transform_indices = @transform_6, window_bounds = array<i64: 400, 128>}, {transform_indices = @transform_7, window_bounds = array<i64: 400, 128>}]} {
    %get3A = arith.constant 0 : index
    %get3A_0 = arith.constant 0 : index
    %get3A_1 = arith.constant 0 : index
    %get3A_2 = vector.load %arg1[%get3A, %get3A_0, %get3A_1] : memref<2x400x128xf32, #tpu.memory_space<vmem>>, vector<1x400x128xf32>
    %get3A_3 = vector.shape_cast %get3A_2 : vector<1x400x128xf32> to vector<400x128xf32>
    %get3A_4 = arith.constant 1 : index
    %get3A_5 = arith.constant 0 : index
    %get3A_6 = arith.constant 0 : index
    %get3A_7 = vector.load %arg1[%get3A_4, %get3A_5, %get3A_6] : memref<2x400x128xf32, #tpu.memory_space<vmem>>, vector<1x400x128xf32>
    %get3A_8 = vector.shape_cast %get3A_7 : vector<1x400x128xf32> to vector<400x128xf32>
    %add3A = arith.addf %get3A_3, %get3A_8 : vector<400x128xf32>
    %get3A_9 = arith.constant 0 : index
    %get3A_10 = arith.constant 0 : index
    %get3A_11 = arith.constant 0 : index
    %get3A_12 = vector.load %arg2[%get3A_9, %get3A_10, %get3A_11] : memref<2x400x128xf32, #tpu.memory_space<vmem>>, vector<1x400x128xf32>
    %get3A_13 = vector.shape_cast %get3A_12 : vector<1x400x128xf32> to vector<400x128xf32>
    %get3A_14 = arith.constant 1 : index
    %get3A_15 = arith.constant 0 : index
    %get3A_16 = arith.constant 0 : index
    %get3A_17 = vector.load %arg2[%get3A_14, %get3A_15, %get3A_16] : memref<2x400x128xf32, #tpu.memory_space<vmem>>, vector<1x400x128xf32>
    %get3A_18 = vector.shape_cast %get3A_17 : vector<1x400x128xf32> to vector<400x128xf32>
    %add3A_19 = arith.addf %get3A_13, %get3A_18 : vector<400x128xf32>
    %slice3A = vector.extract_strided_slice %add3A_19 {offsets = [0, 0], sizes = [400, 1], strides = [1, 1]} : vector<400x128xf32> to vector<400x1xf32>
    %max3A = arith.constant 1.000000e+00 : f32
    %max3A_20 = vector.broadcast %max3A : f32 to vector<400x1xf32>
    %max3A_21 = arith.maximumf %slice3A, %max3A_20 : vector<400x1xf32>
    %div3A = vector.broadcast %max3A_21 : vector<400x1xf32> to vector<400x128xf32>
    %div3A_22 = arith.divf %add3A, %div3A : vector<400x128xf32>
    %get3A_23 = arith.constant 0 : index
    %get3A_24 = arith.constant 0 : index
    %get3A_25 = vector.load %arg3[%get3A_23, %get3A_24] : memref<400x128xf32, #tpu.memory_space<vmem>>, vector<400x128xf32>
    %add3A_26 = arith.addf %div3A_22, %get3A_25 : vector<400x128xf32>
    %max3A_27 = arith.constant 0.000000e+00 : f32
    %max3A_28 = vector.broadcast %max3A_27 : f32 to vector<400x128xf32>
    %max3A_29 = arith.maximumf %add3A_26, %max3A_28 : vector<400x128xf32>
    %get3A_30 = arith.constant 0 : index
    %get3A_31 = arith.constant 0 : index
    %get3A_32 = vector.load %arg4[%get3A_30, %get3A_31] : memref<128x128xf32, #tpu.memory_space<vmem>>, vector<128x128xf32>
    %dot_general3A = arith.constant dense<0.000000e+00> : vector<400x128xf32>
    %dot_general3A_33 = tpu.matmul %max3A_29, %get3A_32, %dot_general3A {dimension_numbers = #tpu.dot_dimension_numbers<[1], [0], [0], [1], [0, 0, 1, 1], [], []>, transpose_lhs_hint = false} : vector<400x128xf32>, vector<128x128xf32>, vector<400x128xf32> -> vector<400x128xf32>
    %swap3A = arith.constant 0 : index
    %swap3A_34 = arith.constant 0 : index
    %swap3A_35 = vector.load %arg7[%swap3A, %swap3A_34] : memref<400x128xf32, #tpu.memory_space<vmem>>, vector<400x128xf32>
    tpu.vector_store %arg7[%swap3A, %swap3A_34], %dot_general3A_33 {strides = array<i32>} : memref<400x128xf32, #tpu.memory_space<vmem>>, vector<400x128xf32>,
    %get3A_36 = arith.constant 0 : index
    %get3A_37 = arith.constant 0 : index
    %get3A_38 = vector.load %arg5[%get3A_36, %get3A_37] : memref<128x128xf32, #tpu.memory_space<vmem>>, vector<128x128xf32>
    %dot_general3A_39 = arith.constant dense<0.000000e+00> : vector<400x128xf32>
    %dot_general3A_40 = tpu.matmul %max3A_29, %get3A_38, %dot_general3A_39 {dimension_numbers = #tpu.dot_dimension_numbers<[1], [0], [0], [1], [0, 0, 1, 1], [], []>, transpose_lhs_hint = false} : vector<400x128xf32>, vector<128x128xf32>, vector<400x128xf32> -> vector<400x128xf32>
    %get3A_41 = arith.constant 0 : index
    %get3A_42 = arith.constant 0 : index
    %get3A_43 = vector.load %arg6[%get3A_41, %get3A_42] : memref<1x128xf32, #tpu.memory_space<vmem>>, vector<1x128xf32>
    %add3A_44 = vector.broadcast %get3A_43 : vector<1x128xf32> to vector<400x128xf32>
    %add3A_45 = arith.addf %dot_general3A_40, %add3A_44 : vector<400x128xf32>
    %swap3A_46 = arith.constant 0 : index
    %swap3A_47 = arith.constant 0 : index
    %swap3A_48 = vector.load %arg8[%swap3A_46, %swap3A_47] : memref<400x128xf32, #tpu.memory_space<vmem>>, vector<400x128xf32>
    tpu.vector_store %arg8[%swap3A_46, %swap3A_47], %add3A_45 {strides = array<i32>} : memref<400x128xf32, #tpu.memory_space<vmem>>, vector<400x128xf32>,
    return
  }
  func.func @transform_0(%arg0: i32) -> (i32, i32, i32) {
    %c0_i32 = arith.constant 0 : i32
    %c0_i32_0 = arith.constant 0 : i32
    %c0_i32_1 = arith.constant 0 : i32
    return %c0_i32, %arg0, %c0_i32_0 : i32, i32, i32
  }
  func.func @transform_1(%arg0: i32) -> (i32, i32, i32) {
    %c0_i32 = arith.constant 0 : i32
    %c0_i32_0 = arith.constant 0 : i32
    %c0_i32_1 = arith.constant 0 : i32
    return %c0_i32, %arg0, %c0_i32_0 : i32, i32, i32
  }
  func.func @transform_2(%arg0: i32) -> (i32, i32) {
    %c0_i32 = arith.constant 0 : i32
    %c0_i32_0 = arith.constant 0 : i32
    return %arg0, %c0_i32 : i32, i32
  }
  func.func @transform_3(%arg0: i32) -> (i32, i32) {
    %c0_i32 = arith.constant 0 : i32
    %c0_i32_0 = arith.constant 0 : i32
    %c0_i32_1 = arith.constant 0 : i32
    return %c0_i32, %c0_i32_0 : i32, i32
  }
  func.func @transform_4(%arg0: i32) -> (i32, i32) {
    %c0_i32 = arith.constant 0 : i32
    %c0_i32_0 = arith.constant 0 : i32
    %c0_i32_1 = arith.constant 0 : i32
    return %c0_i32, %c0_i32_0 : i32, i32
  }
  func.func @transform_5(%arg0: i32) -> (i32, i32) {
    %c0_i32 = arith.constant 0 : i32
    %c0_i32_0 = arith.constant 0 : i32
    %c0_i32_1 = arith.constant 0 : i32
    return %c0_i32, %c0_i32_0 : i32, i32
  }
  func.func @transform_6(%arg0: i32) -> (i32, i32) {
    %c0_i32 = arith.constant 0 : i32
    %c0_i32_0 = arith.constant 0 : i32
    return %arg0, %c0_i32 : i32, i32
  }
  func.func @transform_7(%arg0: i32) -> (i32, i32) {
    %c0_i32 = arith.constant 0 : i32
    %c0_i32_0 = arith.constant 0 : i32
    return %arg0, %c0_i32 : i32, i32
  }
}

module attributes {stable_mosaic.version = 14 : i64} {
  func.func @_combine_body(%arg0: i32, %arg1: memref<2x400x128xf32, #tpu.memory_space<vmem>>, %arg2: memref<2x400x128xf32, #tpu.memory_space<vmem>>, %arg3: memref<400x128xf32, #tpu.memory_space<vmem>>, %arg4: memref<400x128xf32, #tpu.memory_space<vmem>>) attributes {dimension_semantics = [#tpu.dimension_semantics<arbitrary>], iteration_bounds = array<i64: 25>, scalar_prefetch = 0 : i64, scratch_operands = 0 : i64, tpu.core_type = #tpu.core_type<tc>, window_params = [{transform_indices = @transform_0, window_bounds = array<i64: 2, 400, 128>}, {transform_indices = @transform_1, window_bounds = array<i64: 2, 400, 128>}, {transform_indices = @transform_2, window_bounds = array<i64: 400, 128>}, {transform_indices = @transform_3, window_bounds = array<i64: 400, 128>}]} {
    %get3A = arith.constant 0 : index
    %get3A_0 = arith.constant 0 : index
    %get3A_1 = arith.constant 0 : index
    %get3A_2 = vector.load %arg1[%get3A, %get3A_0, %get3A_1] : memref<2x400x128xf32, #tpu.memory_space<vmem>>, vector<1x400x128xf32>
    %get3A_3 = vector.shape_cast %get3A_2 : vector<1x400x128xf32> to vector<400x128xf32>
    %get3A_4 = arith.constant 1 : index
    %get3A_5 = arith.constant 0 : index
    %get3A_6 = arith.constant 0 : index
    %get3A_7 = vector.load %arg1[%get3A_4, %get3A_5, %get3A_6] : memref<2x400x128xf32, #tpu.memory_space<vmem>>, vector<1x400x128xf32>
    %get3A_8 = vector.shape_cast %get3A_7 : vector<1x400x128xf32> to vector<400x128xf32>
    %add3A = arith.addf %get3A_3, %get3A_8 : vector<400x128xf32>
    %get3A_9 = arith.constant 0 : index
    %get3A_10 = arith.constant 0 : index
    %get3A_11 = arith.constant 0 : index
    %get3A_12 = vector.load %arg2[%get3A_9, %get3A_10, %get3A_11] : memref<2x400x128xf32, #tpu.memory_space<vmem>>, vector<1x400x128xf32>
    %get3A_13 = vector.shape_cast %get3A_12 : vector<1x400x128xf32> to vector<400x128xf32>
    %get3A_14 = arith.constant 1 : index
    %get3A_15 = arith.constant 0 : index
    %get3A_16 = arith.constant 0 : index
    %get3A_17 = vector.load %arg2[%get3A_14, %get3A_15, %get3A_16] : memref<2x400x128xf32, #tpu.memory_space<vmem>>, vector<1x400x128xf32>
    %get3A_18 = vector.shape_cast %get3A_17 : vector<1x400x128xf32> to vector<400x128xf32>
    %add3A_19 = arith.addf %get3A_13, %get3A_18 : vector<400x128xf32>
    %slice3A = vector.extract_strided_slice %add3A_19 {offsets = [0, 0], sizes = [400, 1], strides = [1, 1]} : vector<400x128xf32> to vector<400x1xf32>
    %max3A = arith.constant 1.000000e+00 : f32
    %max3A_20 = vector.broadcast %max3A : f32 to vector<400x1xf32>
    %max3A_21 = arith.maximumf %slice3A, %max3A_20 : vector<400x1xf32>
    %div3A = vector.broadcast %max3A_21 : vector<400x1xf32> to vector<400x128xf32>
    %div3A_22 = arith.divf %add3A, %div3A : vector<400x128xf32>
    %get3A_23 = arith.constant 0 : index
    %get3A_24 = arith.constant 0 : index
    %get3A_25 = vector.load %arg3[%get3A_23, %get3A_24] : memref<400x128xf32, #tpu.memory_space<vmem>>, vector<400x128xf32>
    %add3A_26 = arith.addf %div3A_22, %get3A_25 : vector<400x128xf32>
    %swap3A = arith.constant 0 : index
    %swap3A_27 = arith.constant 0 : index
    %swap3A_28 = vector.load %arg4[%swap3A, %swap3A_27] : memref<400x128xf32, #tpu.memory_space<vmem>>, vector<400x128xf32>
    tpu.vector_store %arg4[%swap3A, %swap3A_27], %add3A_26 {strides = array<i32>} : memref<400x128xf32, #tpu.memory_space<vmem>>, vector<400x128xf32>,
    return
  }
  func.func @transform_0(%arg0: i32) -> (i32, i32, i32) {
    %c0_i32 = arith.constant 0 : i32
    %c0_i32_0 = arith.constant 0 : i32
    %c0_i32_1 = arith.constant 0 : i32
    return %c0_i32, %arg0, %c0_i32_0 : i32, i32, i32
  }
  func.func @transform_1(%arg0: i32) -> (i32, i32, i32) {
    %c0_i32 = arith.constant 0 : i32
    %c0_i32_0 = arith.constant 0 : i32
    %c0_i32_1 = arith.constant 0 : i32
    return %c0_i32, %arg0, %c0_i32_0 : i32, i32, i32
  }
  func.func @transform_2(%arg0: i32) -> (i32, i32) {
    %c0_i32 = arith.constant 0 : i32
    %c0_i32_0 = arith.constant 0 : i32
    return %arg0, %c0_i32 : i32, i32
  }
  func.func @transform_3(%arg0: i32) -> (i32, i32) {
    %c0_i32 = arith.constant 0 : i32
    %c0_i32_0 = arith.constant 0 : i32
    return %arg0, %c0_i32 : i32, i32
  }
}

</mosaic_0001>

<sc_bundles>
// kernel: kernel.11.cloned.1.call-start
scs
__scs_entry_jumppad:
0x0: {  	(pc) =	sbr.rel $0x88, $3  }
0x1: {  	(tag) =	ssettag $0x0;
	lr =	simm.s32 $0x1  }
0x2: {  	[smem:$0x3F99] =	sst lr;
	_ =	strace $0xD0000000  }
0x3: {  	_ = 	snop  }
0x4: {  	_ = 	snop  }
0x5: {  	_ = 	snop  }
0x6: {  	_ = 	snop  }
0x7: {  	_ = 	snop  }
__scs_overlays_trampoline_lowered:
0x8: {  	[smem:$0x3FA8] =	sst s0  }
0x9: {  	[smem:$0x3FA9] =	sst s1  }
0xa: {  	[smem:$0x3FAA] =	sst s2  }
0xb: {  	[smem:$0x3FAB] =	sst s3  }
0xc: {  	[smem:$0x3FAC] =	sst s4  }
0xd: {  	[smem:$0x3FAD] =	sst s5  }
0xe: {  	[smem:$0x3FAE] =	sst s6  }
0xf: {  	[smem:$0x3FAF] =	sst s7  }
0x10: {  	[smem:$0x3FB0] =	sst s8  }
0x11: {  	[smem:$0x3FB1] =	sst s9;
	s0 =	simm.s32 @!p0 $0x0  }
0x12: {  	s1 =	sld [smem:$0x3F97];
	s0 =	simm.s32 @p0 $0x1  }
0x13: {  	[smem:$0x3FB2] =	sst s0;
	s0 =	simm.s32 @!p1 $0x0  }
0x14: {  	s2 =	sld [smem:$0x3F96];
	s0 =	simm.s32 @p1 $0x1  }
0x15: {  	[smem:$0x3FB3] =	sst s0;
	s0 =	simm.s32 @!p2 $0x0  }
0x16: {  	s3 =	sld [smem:$0x3FDB];
	s0 =	simm.s32 @p2 $0x1  }
0x17: {  	s4 =	simm.s32 $0x1BF5;
	[smem:$0x3FB5] =	sst s0  }
0x18: {  	s0 =	sld [smem:$0x3F98];
	_ =	swait.ge [sflag:s4], $0x0  }
0x19: {  	s7 =	sld [smem:$0x3F99]  }
0x1a: {  	s8 =	sadd.s32 $0xFFFFE003, lr  }
0x1b: {  	s9 =	sadd.s32 $0xFFFFFEF7, lr;
	s5 =	simm.s32 $0xFFFFFFFF;
	p2 =	slt.u32 s8, $0xFFFFF086  }
0x1c: {  	p1 =	slt.u32 s9, $0xF7A;
	s5 =	simm.s32 @!p2 $0x0  }
0x1d: {  	s5 =	simm.s32 @p1 $0x1;
	p0 =	seq.s32 s7, s2  }
0x1e: {  	s7 =	smul.u32 @!p0 $0xF7A, s2;
	p2 =	seq.s32 @!p0 s5, $0x0  }
0x1f: {  	s9 =	smul.u32 $0xF7A, s1;
	s8 =	simm.s32 @!p0 $0x1BF5;
	p2 =	por !p2, p0  }
0x20: {  	[sflag:s8] =	ssyncset.s32 @!p0 $0xFFFFF086;
	s6 =	sadd.s32 @!p0 s3, s7;
	s7 =	simm.s32 @!p0 $0x108  }
0x21: {  	s3 =	sadd.s32 s3, s9;
	s6 =	sadd.s32 @!p0 $0x88, s6;
	s7 =	simm.s32 @p2 $0x1082  }
0x22: {  	[simem:s7], [sflag:s8] =	dma.local @!p0 [hbm:s6], $0xF7A  }
0x23: {  	s9 =	sor.u32 $0xD0000000, s2;
	s6 =	simm.s32 $0x108;
	_ =	swait.ge @!p0 [sflag:s8], $0x0  }
0x24: {  	s3 =	sadd.s32 $0x88, s3;
	s6 =	simm.s32 @!p1 $0x1082;
	[sflag:s4] =	ssyncset.s32 $0xFFFFF086  }
0x25: {  	[simem:s6], [sflag:s4] =	dma.local [hbm:s3], $0xF7A  }
0x26: {  	[smem:$0x3F99] =	sst s1;
	(tag) =	ssettag s2;
	_ =	strace s9  }
0x27: {  	s1 =	sld [smem:$0x3FA9]  }
0x28: {  	s2 =	sld [smem:$0x3FAA]  }
0x29: {  	s4 =	sld [smem:$0x3FAC]  }
0x2a: {  	p0 =	seq.s32 s5, $0x0;
	s5 =	sld [smem:$0x3FAD]  }
0x2b: {  	s6 =	sld [smem:$0x3FAE]  }
0x2c: {  	s7 =	sld [smem:$0x3FAF]  }
0x2d: {  	s3 =	simm.s32 $0x108;
	s8 =	sld [smem:$0x3FB0]  }
0x2e: {  	s3 =	simm.s32 @!p0 $0x1082;
	s9 =	sld [smem:$0x3FB1]  }
0x2f: {  	lr =	sadd.s32 s0, s3;
	s0 =	sld [smem:$0x3FA8]  }
0x30: {  	s3 =	sld [smem:$0x3FAB]  }
0x31: {  	[smem:$0x3FB4] =	sst s10  }
0x32: {  	s10 =	sld [smem:$0x3FB2];
	_ =	sdelay $0x3  }
0x33: {  	p0 =	seq.s32 s10, $0x1;
	s10 =	sld [smem:$0x3FB4];
	_ =	sdelay $0x3  }
0x34: {  	[smem:$0x3FB4] =	sst s10  }
0x35: {  	s10 =	sld [smem:$0x3FB3];
	_ =	sdelay $0x3  }
0x36: {  	p1 =	seq.s32 s10, $0x1;
	s10 =	sld [smem:$0x3FB4];
	_ =	sdelay $0x3  }
0x37: {  	[smem:$0x3FB4] =	sst s10  }
0x38: {  	s10 =	sld [smem:$0x3FB5]  }
0x39: {  	_ = 	snop;
	(pc) =	sbr.ind lr, $3  }
0x3a: {  	_ = 	snop  }
0x3b: {  	_ = 	snop  }
0x3c: {  	p2 =	seq.s32 s10, $0x1;
	s10 =	sld [smem:$0x3FB4]  }
0x3d: {  	_ =	shalt  }
0x3e: {  	_ =	shalt  }
0x3f: {  	_ =	shalt  }
0x40: {  	_ =	shalt  }
0x41: {  	_ =	shalt  }
0x42: {  	_ =	shalt  }
0x43: {  	_ =	shalt  }
0x44: {  	_ =	shalt  }
0x45: {  	_ =	shalt  }
0x46: {  	_ =	shalt  }
0x47: {  	_ =	shalt  }
0x48: {  	_ =	shalt  }
0x49: {  	_ =	shalt  }
0x4a: {  	_ =	shalt  }
0x4b: {  	_ =	shalt  }
0x4c: {  	_ =	shalt  }
0x4d: {  	_ =	shalt  }
0x4e: {  	_ =	shalt  }
0x4f: {  	_ =	shalt  }
0x50: {  	_ =	shalt  }
0x51: {  	_ =	shalt  }
0x52: {  	_ =	shalt  }
0x53: {  	_ =	shalt  }
0x54: {  	_ =	shalt  }
0x55: {  	_ =	shalt  }
0x56: {  	_ =	shalt  }
0x57: {  	_ =	shalt  }
0x58: {  	_ =	shalt  }
0x59: {  	_ =	shalt  }
0x5a: {  	_ =	shalt  }
0x5b: {  	_ =	shalt  }
0x5c: {  	_ =	shalt  }
0x5d: {  	_ =	shalt  }
0x5e: {  	_ =	shalt  }
0x5f: {  	_ =	shalt  }
0x60: {  	_ =	shalt  }
0x61: {  	_ =	shalt  }
0x62: {  	_ =	shalt  }
0x63: {  	_ =	shalt  }
0x64: {  	_ =	shalt  }
0x65: {  	_ =	shalt  }
0x66: {  	_ =	shalt  }
0x67: {  	_ =	shalt  }
0x68: {  	_ =	shalt  }
0x69: {  	_ =	shalt  }
0x6a: {  	_ =	shalt  }
0x6b: {  	_ =	shalt  }
0x6c: {  	_ =	shalt  }
0x6d: {  	_ =	shalt  }
0x6e: {  	_ =	shalt  }
0x6f: {  	_ =	shalt  }
0x70: {  	_ =	shalt  }
0x71: {  	_ =	shalt  }
0x72: {  	_ =	shalt  }
0x73: {  	_ =	shalt  }
0x74: {  	_ =	shalt  }
0x75: {  	_ =	shalt  }
0x76: {  	_ =	shalt  }
0x77: {  	_ =	shalt  }
0x78: {  	_ =	shalt  }
0x79: {  	_ =	shalt  }
0x7a: {  	_ =	shalt  }
0x7b: {  	_ =	shalt  }
0x7c: {  	_ =	shalt  }
0x7d: {  	_ =	shalt  }
0x7e: {  	_ =	shalt  }
0x7f: {  	_ =	shalt  }
0x80: {  	_ =	shalt  }
0x81: {  	_ =	shalt  }
0x82: {  	_ =	shalt  }
0x83: {  	_ =	shalt  }
0x84: {  	_ =	shalt  }
0x85: {  	_ =	shalt  }
0x86: {  	_ =	shalt  }
0x87: {  	_ =	shalt  }
.Lfunc_end0:
.L_simem_size_0:
called_computation.1_lowered:
.L_overlay_start_0:
0x88: {  	s2 =	sld [smem:$0x3FD9]  }
0x89: {  	s3 =	sld [smem:$0x3FFE];
	_ =	sdelay $0x1  }
0x8a: {  	s1 =	srdreg.scid  }
0x8b: {  	s0 =	sand.u32 $0x1, s1  }
0x8c: {  	s17 =	sshll.u32 s0, $0xA;
	s2 =	sadd.s32 s3, s2  }
0x8d: {  	s2 =	sadd.s32 s2, s17  }
0x8e: {  	[smem:$0x3FC0] =	sst s2  }
0x8f: {  	_ = 	snop  }
0x90: {  	s2 =	sld [smem:$0x3FD0];
	(tm) =	ssettm $0x1  }
0x91: {  	s18 =	sld [smem:$0x3FFB];
	_ =	sdelay $0x3  }
0x92: {  	_ =	strace s18  }
0x93: {  	s3 =	sld [smem:$0x3FFC];
	_ =	sdelay $0x3  }
0x94: {  	_ =	strace s3  }
0x95: {  	s3 =	sld [smem:$0x3FFD];
	_ =	sdelay $0x3  }
0x96: {  	_ =	strace s3  }
0x97: {  	_ =	strace $0x8FFFFFFF  }
0x98: {  	s19 =	sld [smem:$0x3FDB];
	_ =	sdelay $0x1  }
0x99: {  	s4 =	simm.s32 $_scs_section_size  }
0x9a: {  	s5 =	simm.s32 $_size__tile_overlayer_lowered;
	s6 =	simm.s32 $_tile_overlayer_lowered  }
0x9b: {  	s22 =	simm.s32 $0x1BFF;
	s21 =	sshll.u32 s6, $0x1;
	s3 =	sadd.s32 s4, s19  }
0x9c: {  	s7 =	simm.s32 $0x0;
	s20 =	sshll.u32 s5, $0x1;
	s5 =	sadd.s32 s21, s3  }
0x9d: {  	[timem:s7], [sflag:s22] =	dma.local [hbm:s5], s20  }
0x9e: {  	_ =	swait.ge [sflag:s22], s20  }
0x9f: {  	s4 =	ssub.s32 $0x0, s20;
	[sflag:s22] =	ssyncset.done $0x0  }
0xa0: {  	[sflag:s22] =	ssyncadd.s32 s4;
	_ =	sdelay $0x1  }
0xa1: {  	s23 =	simm.s32 $0x1B8B  }
0xa2: {  	_ =	swait.ge [sflag:s23], $0x1  }
0xa3: {  	[sflag:s23] =	ssyncset.done $0x0  }
0xa4: {  	s25 =	simm.s32 $0x1B8E;
	s24 =	sld [smem:$0x3FFE];
	[sflag:s23] =	ssyncadd.s32 $0xFFFFFFFF  }
0xa5: {  	s26 =	simm.s32 $execute0_lowered;
	[smem:$0x3FD2] =	sst s25  }
0xa6: {  	s5 =	sshll.u32 s26, $0x1;
	_ =	strace $0x80000046;
	[dreg:$0x1] =	wrdreg $0xFFFFFFFF  }
0xa7: {  	s28 =	simm.s32 $_size_execute0_lowered;
	s3 =	sadd.s32 s3, s5;
	[dreg:$0x0] =	wrdreg $0x0  }
0xa8: {  	s5 =	sshll.u32 s28, $0x1;
	[dreg:$0x2] =	wrdreg s3  }
0xa9: {  	[dreg:$0x3] =	wrdreg s5  }
0xaa: {  	[dreg:$0x4] =	wrdreg $0xC0  }
0xab: {  	_ =	task [dreg:s7], $0x5FFFF  }
0xac: {  	[dreg:$0x1] =	wrdreg $0xFFFFFFFF  }
0xad: {  	[dreg:$0x0] =	wrdreg $0x60  }
0xae: {  	[dreg:$0x2] =	wrdreg s24  }
0xaf: {  	[dreg:$0x3] =	wrdreg s2  }
0xb0: {  	[dreg:$0x4] =	wrdreg $0x7B000  }
0xb1: {  	[dreg:$0x5] =	wrdreg $0xA  }
0xb2: {  	_ =	task.clear_ibuf [dreg:s7], $0x6FFFF;
	_ =	strace $0x90000046  }
0xb3: {  	s29 =	simm.s32 $0xA;
	_ =	strace $0x80000048  }
0xb4: {  	_ =	swait.ge [sflag:s29], $0x1  }
0xb5: {  	[sflag:s29] =	ssyncadd.s32 $0xFFFFFFFF  }
0xb6: {  	_ =	strace $0x90000048  }
0xb7: {  	_ =	sfence  }
0xb8: {  	s30 =	sld [smem:$0x0];
	_ =	sdelay $0x2  }
0xb9: {  	s31 =	sshll.u32 s1, $0xD;
	s1 =	sshrl.u32 s1, $0x2  }
0xba: {  	s3 =	sand.u32 $0x4000, s31;
	s1 =	sadd.s32 s1, s30  }
0xbb: {  	s0 =	sor.u32 s3, s0;
	s1 =	sshll.u32 s1, $0x11  }
0xbc: {  	s0 =	sor.u32 s1, s0  }
0xbd: {  	s0 =	sadd.s32 $0x8F2B, s0  }
0xbe: {  	[sflag:s0] =	ssyncadd.remote.s32 $0x1  }
0xbf: {  	_ =	sfence.sel $0xFFFF  }
0xc0: {  	[dreg:$0x0] =	wrdreg $0xFFFFFFFF;
	(pc) =	sbr.abs _section_cstart, $3  }
0xc1: {  	[dreg:$0x1] =	wrdreg $0xFFFFFFFF  }
0xc2: {  	_ =	task.clear_ibuf [dreg:s7], $0x2FFFF;
	_ =	strace $0x9FFFFFFF  }
0xc3: {  	(tm) =	ssettm $0x7FFFFFFF  }
tec
execute0_lowered:
.L_overlay_start_1:
0x0: {  	(tag) =	ssettag $0x1  }
0x1: {  	s0 =	rddreg [dreg:$0x0]  }
0x2: {  	s1 =	rddreg [dreg:$0x1]  }
0x3: {  	s2 =	rddreg [dreg:$0x2];
	s4 =	simm.s32 $0x0;
	s17 =	stileid.u32  }
0x4: {  	s3 =	srdreg.scid;
	s30 =	simm.s32 $0x300;
	s31 =	simm.s32 $0x5  }
0x5: {  	[smem:$0x7FF] =	sst s4;
	s5 =	sadd.s32 $0xB800, s0;
	s7 =	smul.u32 $0x4E000, s17  }
0x6: {  	s6 =	sadd.s32 $0x1A00, s0;
	s0 =	sadd.s32 $0x15600, s0;
	s3 =	sand.u32 $0x1, s3  }
0x7: {  	s22 =	smul.u32 $0x4E20, s17;
	p0 =	sne.s32 s17, $0xF;
	s29 =	sadd.s32 $0x138000, s2  }
0x8: {  	s9 =	sshll.u32 s17, $0x1;
	_ =	strace $0x80000047;
	s20 =	smul.u32 $0x138800, s3  }
0x9: {  	s8 =	ssub.s32 $0x2, s3;
	s9 =	sor.u32 s3, s9;
	s3 =	smul.u32 $0x2710, s3  }
0xa: {  	[dreg:$0x13] =	wrdreg s29;
	s7 =	sshrl.u32 s7, $0x2;
	s10 =	sshrl.u32 s8, $0x1  }
0xb: {  	s9 =	smul.u32 $0x2710, s9;
	s7 =	sadd.s32 s7, s2;
	s8 =	ssub.s32 s8, s10  }
0xc: {  	s10 =	sshrl.u32 s20, $0x3;
	s3 =	sadd.s32 s3, s22;
	s14 =	sadd.s32 $0x2800, s7  }
0xd: {  	s15 =	sadd.s32 $0x5000, s7;
	s16 =	sadd.s32 $0x7800, s7;
	[dreg:$0x4] =	wrdreg s7  }
0xe: {  	s18 =	sadd.s32 $0xA000, s7;
	s19 =	sadd.s32 $0xC800, s7;
	[dreg:$0x5] =	wrdreg s14  }
0xf: {  	s13 =	sadd.s32 $0x50, s9;
	s11 =	sshrl.u32 s9, $0x3;
	[dreg:$0x6] =	wrdreg s15  }
0x10: {  	s22 =	sadd.s32 $0x190, s9;
	s25 =	smax.u32 s8, $0x1;
	[dreg:$0x7] =	wrdreg s16  }
0x11: {  	s26 =	sadd.s32 $0xF000, s7;
	s28 =	sadd.s32 $0x11800, s7;
	[dreg:$0x8] =	wrdreg s18  }
0x12: {  	s8 =	simm.s32 $0x2B00;
	[dreg:$0x9] =	wrdreg s19;
	s12 =	sshrl.u32 s13, $0x3  }
0x13: {  	s14 =	smul.u32 $0x13800, s17;
	s15 =	sadd.s32 s5, s11;
	[dreg:$0x10] =	wrdreg s25  }
0x14: {  	s16 =	sadd.s32 $0xA0, s9;
	s11 =	sadd.s32 s6, s11;
	[dreg:$0x11] =	wrdreg s26  }
0x15: {  	s25 =	sadd.s32 $0xF0, s3;
	[dreg:$0x12] =	wrdreg s28;
	s3 =	simm.s32 $0x80  }
0x16: {  	s17 =	simm.s32 $0x2;
	s18 =	simm.s32 $0x280;
	s19 =	simm.s32 $0x5300  }
0x17: {  	[dreg:$0xa] =	wrdreg s15;
	s12 =	sadd.s32 s5, s12;
	s21 =	sshrl.u32 s16, $0x3  }
0x18: {  	[dreg:$0xd] =	wrdreg s11;
	s11 =	simm.s32 $0x1;
	s15 =	simm.s32 $0x4  }
0x19: {  	[dreg:$0xb] =	wrdreg s12;
	s14 =	sadd.s32 s14, s20;
	s12 =	sadd.s32 s5, s21  }
.Ltmp0:
0x1a: {  	s20 =	sadd.s32 $0xF0, s9;
	s21 =	sadd.s32 $0x140, s9;
	(pc) =	sbr.rel .LBB2_1-.Ltmp0, $4  }
0x1b: {  	[dreg:$0xc] =	wrdreg s12;
	s23 =	sshrl.u32 s14, $0x3;
	s12 =	simm.s32 $0x200  }
0x1c: {  	s14 =	simm.s32 $0x3;
	s24 =	sadd.s32 s0, s23;
	s0 =	sadd.s32 s0, s10  }
0x1d: {  	s10 =	simm.s32 $0x180;
	[dreg:$0xe] =	wrdreg s24;
	s0 =	sadd.s32 $0x27000, s0  }
0x1e: {  	v0 =	vimm.f32 $0.0e+00;
	s23 =	simm.s32 $0x0;
	[dreg:$0xf] =	wrdreg s0;
	s0 =	simm.s32 $0x50  }
.LBB2_8:
0x1f: {  	_ =	swait.ge [sflag:s14], $0x50  }
0x20: {  	[sflag:s14] =	ssyncset.done $0x0  }
0x21: {  	[sflag:s14] =	ssyncadd.s32 $0xFFFFFFB0  }
0x22: {  	[spmem:s2] =	stream.indirect.scatter.add.f32 [tilespmem:s8], [sflag:$0x4], $0x80, s12, s0, $0xb8;
	[tilespmem:$0x1B380] =	vst v63  }
.LBB2_6:
0x23: {  	_ =	swait.ge [sflag:s15], $0x2800  }
0x24: {  	[sflag:s15] =	ssyncset.done $0x0  }
0x25: {  	[sflag:s15] =	ssyncadd.s32 $0xFFFFD800  }
0x26: {  	s7 =	stileid.u32;
	[bflag:$0x0] =	sbarrier.arrive $0xFFFF  }
0x27: {  	s7 =	sshll.u32 s7, $0x6;
	s9 =	rddreg [dreg:$0x4]  }
0x28: {  	s7 =	sor.u32 $0x1C05, s7;
	s24 =	rddreg [dreg:$0xe];
	s9 =	sshrl.u32 s9, $0x3  }
0x29: {  	[hbm:s24], [sflag:s7] =	dma.local [spmem:s9], $0x2700  }
0x2a: {  	_ =	swait.ge [sflag:s31], $0x2700  }
0x2b: {  	[sflag:s31] =	ssyncset.done $0x0;
	s9 =	rddreg [dreg:$0x13]  }
0x2c: {  	s24 =	rddreg [dreg:$0xf];
	[sflag:s31] =	ssyncadd.s32 $0xFFFFD900;
	s9 =	sshrl.u32 @!p0 s9, $0x3  }
0x2d: {  	[hbm:s24], [sflag:s7] =	dma.local @!p0 [spmem:s9], $0x100  }
0x2e: {  	s7 =	simm.s32 @!p0 $0x5  }
0x2f: {  	_ =	swait.ge @!p0 [sflag:s7], $0x100  }
0x30: {  	s23 =	sadd.s32 $0x1, s23;
	s29 =	rddreg [dreg:$0x10]  }
0x31: {  	p1 =	sne.s32 s23, s29  }
.Ltmp1:
0x32: {  	_ = 	snop;
	(pc) =	sbr.rel @!p1 .LBB2_7-.Ltmp1, $3  }
0x33: {  	_ =	sdelay $0x1  }
0x34: {  	[sflag:s7] =	ssyncset.done @!p0 $0x0  }
0x35: {  	[sflag:s7] =	ssyncadd.s32 @!p0 $0xFFFFFF00  }
.LBB2_1:
0x36: {  	s24 =	sand.u32 $0xFE00, s4  }
0x37: {  	s26 =	sand.u32 $0x70, s4;
	s28 =	sshrl.u32 s24, $0x2  }
0x38: {  	s24 =	simm.s32 $0x40;
	s28 =	sor.u32 s26, s28;
	s26 =	simm.s32 $0x0  }
.LBB2_2:
0x39: {  	p1 =	sne.s32 s24, $0x9FC0  }
0x3a: {  	[tilespmem:s28+$0x300] =	vst v0;
	s26 =	sadd.s32 $0x10, s26;
	s28 =	smov.u32 s24;
	s24 =	sadd.s32 $0x40, s24  }
.Ltmp2:
0x3b: {  	(pc) =	sbr.rel @p1 .LBB2_2-.Ltmp2, $4  }
0x3c: {  	_ = 	snop  }
0x3d: {  	s28 =	sand.u32 $0xFE00, s28  }
0x3e: {  	s7 =	sand.u32 $0x70, s26;
	s28 =	sshrl.u32 s28, $0x2  }
0x3f: {  	s28 =	sor.u32 s7, s28  }
0x40: {  	[tilespmem:s28+$0x300] =	vst v0;
	s7 =	rddreg [dreg:$0x4]  }
0x41: {  	[spmem:s7] =	stream.linear.scatter [tilespmem:s30], [sflag:$0x5], $0x2800, $0x38;
	[tilespmem:$0x1B380] =	vst v63  }
0x42: {  	_ =	swait.ge [sflag:s31], $0x2800  }
0x43: {  	[sflag:s31] =	ssyncset.done $0x0  }
0x44: {  	s9 =	rddreg [dreg:$0x5];
	[sflag:s31] =	ssyncadd.s32 $0xFFFFD800  }
0x45: {  	[spmem:s9] =	stream.linear.scatter [tilespmem:s30], [sflag:$0x5], $0x2800, $0x38;
	[tilespmem:$0x1B380] =	vst v63  }
0x46: {  	_ =	swait.ge [sflag:s31], $0x2800  }
0x47: {  	[sflag:s31] =	ssyncset.done $0x0  }
0x48: {  	s24 =	rddreg [dreg:$0x6];
	[sflag:s31] =	ssyncadd.s32 $0xFFFFD800  }
0x49: {  	[spmem:s24] =	stream.linear.scatter [tilespmem:s30], [sflag:$0x5], $0x2800, $0x38;
	[tilespmem:$0x1B380] =	vst v63  }
0x4a: {  	_ =	swait.ge [sflag:s31], $0x2800  }
0x4b: {  	[sflag:s31] =	ssyncset.done $0x0  }
0x4c: {  	s26 =	rddreg [dreg:$0x7];
	[sflag:s31] =	ssyncadd.s32 $0xFFFFD800  }
0x4d: {  	[spmem:s26] =	stream.linear.scatter [tilespmem:s30], [sflag:$0x5], $0x2800, $0x38;
	[tilespmem:$0x1B380] =	vst v63  }
0x4e: {  	_ =	swait.ge [sflag:s31], $0x2800  }
0x4f: {  	[sflag:s31] =	ssyncset.done $0x0  }
0x50: {  	s29 =	rddreg [dreg:$0x8];
	[sflag:s31] =	ssyncadd.s32 $0xFFFFD800  }
0x51: {  	[spmem:s29] =	stream.linear.scatter [tilespmem:s30], [sflag:$0x5], $0x2800, $0x38;
	[tilespmem:$0x1B380] =	vst v63  }
0x52: {  	_ =	swait.ge [sflag:s31], $0x2800  }
0x53: {  	[sflag:s31] =	ssyncset.done $0x0  }
0x54: {  	s9 =	rddreg [dreg:$0x9];
	[sflag:s31] =	ssyncadd.s32 $0xFFFFD800  }
0x55: {  	[spmem:s9] =	stream.linear.scatter [tilespmem:s30], [sflag:$0x5], $0x2800, $0x38;
	[tilespmem:$0x1B380] =	vst v63  }
0x56: {  	_ =	swait.ge [sflag:s31], $0x2800  }
0x57: {  	[sflag:s31] =	ssyncset.done $0x0  }
0x58: {  	s24 =	rddreg [dreg:$0x11];
	[sflag:s31] =	ssyncadd.s32 $0xFFFFD800  }
0x59: {  	[spmem:s24] =	stream.linear.scatter [tilespmem:s30], [sflag:$0x5], $0x2800, $0x38;
	[tilespmem:$0x1B380] =	vst v63  }
0x5a: {  	_ =	swait.ge [sflag:s31], $0x2800  }
0x5b: {  	[sflag:s31] =	ssyncset.done $0x0  }
0x5c: {  	s26 =	rddreg [dreg:$0x12];
	[sflag:s31] =	ssyncadd.s32 $0xFFFFD800  }
0x5d: {  	[spmem:s26] =	stream.linear.scatter [tilespmem:s30], [sflag:$0x5], $0x2000, $0x38;
	[tilespmem:$0x1B380] =	vst v63  }
0x5e: {  	_ =	swait.ge [sflag:s31], $0x2000  }
0x5f: {  	[sflag:s31] =	ssyncset.done $0x0  }
0x60: {  	s7 =	simm.s32 @!p0 $0x300;
	s9 =	rddreg [dreg:$0x13];
	[sflag:s31] =	ssyncadd.s32 $0xFFFFE000  }
0x61: {  	[spmem:s9] =	stream.linear.scatter @!p0 [tilespmem:s7], [sflag:$0x5], $0x800, $0x38;
	[tilespmem:$0x1B380] =	vst v63  }
0x62: {  	s7 =	simm.s32 @!p0 $0x5  }
0x63: {  	_ =	swait.ge @!p0 [sflag:s7], $0x800  }
0x64: {  	[sflag:s7] =	ssyncset.done @!p0 $0x0  }
0x65: {  	[sflag:s7] =	ssyncadd.s32 @!p0 $0xFFFFF800  }
0x66: {  	[bflag:$0x0] =	sbarrier.arrive $0xFFFF  }
0x67: {  	s28 =	simm.s32 $0x0;
	s29 =	rddreg [dreg:$0xa]  }
0x68: {  	[tilespmem:s28], [sflag:$0x5] =	stream.linear.gather [hbm4b:s29+s28], $0x50, $0x38;
	[tilespmem:$0x1B380] =	vst v63  }
0x69: {  	_ =	swait.ge [sflag:s31], $0x50  }
0x6a: {  	[sflag:s31] =	ssyncset.done $0x0  }
0x6b: {  	[sflag:s31] =	ssyncadd.s32 $0xFFFFFFB0  }
0x6c: {  	[tilespmem:s30], [sflag:$0x1] =	stream.indirect.gather [hbm4b:s1+s0], $0x80, s28, s0, $0xb8;
	[tilespmem:$0x1B380] =	vst v63  }
0x6d: {  	s9 =	rddreg [dreg:$0xb]  }
0x6e: {  	[tilespmem:s3], [sflag:$0x5] =	stream.linear.gather [hbm4b:s9+s28], $0x50, $0x38;
	[tilespmem:$0x1B380] =	vst v63  }
0x6f: {  	_ =	swait.ge [sflag:s31], $0x50  }
0x70: {  	[sflag:s31] =	ssyncset.done $0x0  }
0x71: {  	[sflag:s31] =	ssyncadd.s32 $0xFFFFFFB0  }
0x72: {  	[tilespmem:s8], [sflag:$0x1] =	stream.indirect.gather [hbm4b:s1+s0], $0x80, s3, s0, $0xb8;
	[tilespmem:$0x1B380] =	vst v63  }
0x73: {  	s26 =	simm.s32 $0x100;
	s24 =	rddreg [dreg:$0xc]  }
0x74: {  	[tilespmem:s26], [sflag:$0x2] =	stream.linear.gather [hbm4b:s24+s28], $0x50, $0x38;
	[tilespmem:$0x1B380] =	vst v63  }
0x75: {  	s29 =	rddreg [dreg:$0xd];
	s26 =	simm.s32 $0x0  }
0x76: {  	[tilespmem:s10], [sflag:$0x3] =	stream.linear.gather [hbm4b:s29+s28], $0x50, $0x38;
	[tilespmem:$0x1B380] =	vst v63  }
.LBB2_4:
0x77: {  	_ =	swait.ge [sflag:s11], $0x2800  }
0x78: {  	p1 =	seq.s32 s28, $0x0;
	[sflag:s11] =	ssyncset.done $0x0  }
0x79: {  	s7 =	simm.s32 @!p1 $0x4;
	[sflag:s11] =	ssyncadd.s32 $0xFFFFD800  }
0x7a: {  	_ =	swait.ge @!p1 [sflag:s7], $0x2800  }
0x7b: {  	p2 =	seq.s32 @!p1 s26, $0x29;
	[sflag:s7] =	ssyncset.done @!p1 $0x0  }
0x7c: {  	p2 =	por p1, !p2;
	[sflag:s7] =	ssyncadd.s32 @!p1 $0xFFFFD800  }
0x7d: {  	_ =	swait.ge @p2 [sflag:s17], $0x50  }
0x7e: {  	[sflag:s17] =	ssyncset.done @p2 $0x0  }
0x7f: {  	s7 =	simm.s32 @p2 $0x100;
	[sflag:s17] =	ssyncadd.s32 @p2 $0xFFFFFFB0  }
0x80: {  	[tilespmem:s19], [sflag:$0x1] =	stream.indirect.gather @p2 [hbm4b:s1+s0], $0x80, s7, s0, $0xb8;
	[tilespmem:$0x1B380] =	vst v63  }
0x81: {  	s24 =	simm.s32 @!p1 $0x2670;
	s7 =	sadd.s32 @p2 s28, s25  }
0x82: {  	s24 =	smov.u32 @p2 s28;
	s7 =	sshrl.u32 @p2 s7, $0x3  }
0x83: {  	s29 =	sadd.s32 s24, s13;
	s7 =	sadd.s32 @p2 s5, s7  }
0x84: {  	[tilespmem:s4], [sflag:$0x2] =	stream.linear.gather @p2 [hbm4b:s7+s4], $0x50, $0x38;
	[tilespmem:$0x1B380] =	vst v63  }
0x85: {  	s7 =	sshrl.u32 s29, $0x3  }
0x86: {  	s7 =	sadd.s32 s6, s7  }
0x87: {  	[tilespmem:s12], [sflag:$0x3] =	stream.linear.gather [hbm4b:s7+s4], $0x50, $0x38;
	[tilespmem:$0x1B380] =	vst v63  }
0x88: {  	_ =	swait.ge [sflag:s14], $0x50  }
0x89: {  	[sflag:s14] =	ssyncset.done $0x0  }
0x8a: {  	[sflag:s14] =	ssyncadd.s32 $0xFFFFFFB0  }
0x8b: {  	[spmem:s2] =	stream.indirect.scatter.add.f32 [tilespmem:s30], [sflag:$0x4], $0x80, s10, s0, $0xb8;
	[tilespmem:$0x1B380] =	vst v63  }
0x8c: {  	p1 =	seq.s32 s26, $0x29;
	_ =	swait.ge [sflag:s11], $0x2800  }
.Ltmp3:
0x8d: {  	[sflag:s11] =	ssyncset.done $0x0;
	(pc) =	sbr.rel @p1 .LBB2_8-.Ltmp3, $4  }
0x8e: {  	[sflag:s11] =	ssyncadd.s32 $0xFFFFD800  }
0x8f: {  	_ =	swait.ge [sflag:s15], $0x2800  }
0x90: {  	[sflag:s15] =	ssyncset.done $0x0  }
0x91: {  	[sflag:s15] =	ssyncadd.s32 $0xFFFFD800  }
0x92: {  	_ =	swait.ge [sflag:s17], $0x50  }
0x93: {  	s7 =	sadd.s32 s24, s21;
	[sflag:s17] =	ssyncset.done $0x0  }
0x94: {  	s7 =	sshrl.u32 s7, $0x3;
	[sflag:s17] =	ssyncadd.s32 $0xFFFFFFB0  }
0x95: {  	[tilespmem:s30], [sflag:$0x1] =	stream.indirect.gather [hbm4b:s1+s0], $0x80, s4, s0, $0xb8;
	[tilespmem:$0x1B380] =	vst v63  }
0x96: {  	s9 =	sadd.s32 s24, s16;
	s7 =	sadd.s32 s5, s7  }
0x97: {  	[tilespmem:s3], [sflag:$0x2] =	stream.linear.gather [hbm4b:s7+s4], $0x50, $0x38;
	[tilespmem:$0x1B380] =	vst v63  }
0x98: {  	s7 =	sshrl.u32 s9, $0x3  }
0x99: {  	s7 =	sadd.s32 s6, s7  }
0x9a: {  	[tilespmem:s18], [sflag:$0x3] =	stream.linear.gather [hbm4b:s7+s4], $0x50, $0x38;
	[tilespmem:$0x1B380] =	vst v63  }
0x9b: {  	_ =	swait.ge [sflag:s14], $0x50  }
0x9c: {  	[sflag:s14] =	ssyncset.done $0x0  }
0x9d: {  	[sflag:s14] =	ssyncadd.s32 $0xFFFFFFB0  }
0x9e: {  	[spmem:s2] =	stream.indirect.scatter.add.f32 [tilespmem:s8], [sflag:$0x4], $0x80, s12, s0, $0xb8;
	[tilespmem:$0x1B380] =	vst v63  }
0x9f: {  	_ =	swait.ge [sflag:s11], $0x2800  }
0xa0: {  	[sflag:s11] =	ssyncset.done $0x0  }
0xa1: {  	[sflag:s11] =	ssyncadd.s32 $0xFFFFD800  }
0xa2: {  	_ =	swait.ge [sflag:s15], $0x2800  }
0xa3: {  	[sflag:s15] =	ssyncset.done $0x0  }
0xa4: {  	[sflag:s15] =	ssyncadd.s32 $0xFFFFD800  }
0xa5: {  	p1 =	sgt.u32 s26, $0x27;
	_ =	swait.ge [sflag:s17], $0x50  }
0xa6: {  	s7 =	sadd.s32 @!p1 s24, s22;
	[sflag:s17] =	ssyncset.done $0x0  }
0xa7: {  	s7 =	sshrl.u32 @!p1 s7, $0x3;
	[sflag:s17] =	ssyncadd.s32 $0xFFFFFFB0  }
0xa8: {  	[tilespmem:s8], [sflag:$0x1] =	stream.indirect.gather [hbm4b:s1+s0], $0x80, s3, s0, $0xb8;
	[tilespmem:$0x1B380] =	vst v63  }
0xa9: {  	s29 =	simm.s32 @!p1 $0x0;
	s9 =	simm.s32 @!p1 $0x100;
	s7 =	sadd.s32 @!p1 s5, s7  }
0xaa: {  	[tilespmem:s9], [sflag:$0x2] =	stream.linear.gather @!p1 [hbm4b:s7+s29], $0x50, $0x38;
	[tilespmem:$0x1B380] =	vst v63  }
0xab: {  	s29 =	sadd.s32 s24, s20  }
0xac: {  	s26 =	sadd.s32 $0x1, s26;
	s7 =	sshrl.u32 s29, $0x3  }
0xad: {  	p1 =	sne.s32 s26, $0x2A;
	s7 =	sadd.s32 s6, s7  }
0xae: {  	[tilespmem:s10], [sflag:$0x3] =	stream.linear.gather [hbm4b:s7+s4], $0x50, $0x38;
	[tilespmem:$0x1B380] =	vst v63  }
.Ltmp4:
0xaf: {  	_ = 	snop;
	(pc) =	sbr.rel @p1 .LBB2_4-.Ltmp4, $4  }
.Ltmp5:
0xb0: {  	_ =	swait.ge [sflag:s14], $0x50;
	(pc) =	sbr.rel @!p1 .LBB2_6-.Ltmp5, $4  }
0xb1: {  	[sflag:s14] =	ssyncset.done $0x0  }
0xb2: {  	s28 =	sadd.s32 $0xF0, s28;
	[sflag:s14] =	ssyncadd.s32 $0xFFFFFFB0  }
0xb3: {  	[spmem:s2] =	stream.indirect.scatter.add.f32 [tilespmem:s19], [sflag:$0x4], $0x80, s18, s0, $0xb8;
	[tilespmem:$0x1B380] =	vst v63  }
0xb4: {  	_ = 	snop  }
.LBB2_7:
0xb5: {  	_ =	sfence.sel $0x180000  }
0xb6: {  	[bflag:$0x0] =	sbarrier.arrive $0xFFFF  }
0xb7: {  	_ =	strace $0x90000047  }
0xb8: {  	s0 =	stileid.u32;
	[bflag:$0x2] =	sbarrier.arrive $0xFFFF  }
0xb9: {  	p0 =	sne.s32 s0, $0x0;
	s0 =	rddreg [dreg:$0x3]  }
0xba: {  	s0 =	sadd.s32 @!p0 $0x100000, s0  }
0xbb: {  	[sflag:s0] =	ssyncadd.tile.s32 @!p0 $0x1;
	_ =	shalt  }
.Lfunc_end2:
_tile_overlayer_lowered:
.L_overlay_start_2:
0xbc: {  	(tag) =	ssettag $0x2  }
0xbd: {  	s0 =	rddreg [dreg:$0x0];
	s2 =	stileid.u32  }
0xbe: {  	s1 =	rddreg [dreg:$0x1];
	p0 =	sne.s32 s2, $0x0  }
0xbf: {  	s3 =	rddreg [dreg:$0x2];
	[bflag:$0x3] =	sbarrier.arrive $0xFFFF;
	s2 =	simm.s32 @!p0 $0x1C05  }
0xc0: {  	[timem:s3], [sflag:s2] =	dma.local @!p0 [hbm:s0], s1  }
0xc1: {  	s0 =	simm.s32 @!p0 $0x5  }
0xc2: {  	_ =	swait.ge @!p0 [sflag:s0], s1  }
0xc3: {  	s1 =	ssub.s32 @!p0 $0x0, s1;
	[sflag:s0] =	ssyncset.done @!p0 $0x0  }
0xc4: {  	[sflag:s0] =	ssyncadd.s32 @!p0 s1  }
0xc5: {  	[bflag:$0x3] =	sbarrier.arrive $0xFFFF  }
0xc6: {  	_ =	shalt  }

// kernel: kernel.14.cloned.1.call-start
scs
__scs_entry_jumppad:
0x0: {  	(pc) =	sbr.rel $0x88, $3  }
0x1: {  	(tag) =	ssettag $0x0;
	lr =	simm.s32 $0x1  }
0x2: {  	[smem:$0x3F99] =	sst lr;
	_ =	strace $0xD0000000  }
0x3: {  	_ = 	snop  }
0x4: {  	_ = 	snop  }
0x5: {  	_ = 	snop  }
0x6: {  	_ = 	snop  }
0x7: {  	_ = 	snop  }
__scs_overlays_trampoline_lowered:
0x8: {  	[smem:$0x3FA8] =	sst s0  }
0x9: {  	[smem:$0x3FA9] =	sst s1  }
0xa: {  	[smem:$0x3FAA] =	sst s2  }
0xb: {  	[smem:$0x3FAB] =	sst s3  }
0xc: {  	[smem:$0x3FAC] =	sst s4  }
0xd: {  	[smem:$0x3FAD] =	sst s5  }
0xe: {  	[smem:$0x3FAE] =	sst s6  }
0xf: {  	[smem:$0x3FAF] =	sst s7  }
0x10: {  	[smem:$0x3FB0] =	sst s8  }
0x11: {  	[smem:$0x3FB1] =	sst s9;
	s0 =	simm.s32 @!p0 $0x0  }
0x12: {  	s1 =	sld [smem:$0x3F97];
	s0 =	simm.s32 @p0 $0x1  }
0x13: {  	[smem:$0x3FB2] =	sst s0;
	s0 =	simm.s32 @!p1 $0x0  }
0x14: {  	s2 =	sld [smem:$0x3F96];
	s0 =	simm.s32 @p1 $0x1  }
0x15: {  	[smem:$0x3FB3] =	sst s0;
	s0 =	simm.s32 @!p2 $0x0  }
0x16: {  	s3 =	sld [smem:$0x3FDB];
	s0 =	simm.s32 @p2 $0x1  }
0x17: {  	s4 =	simm.s32 $0x1BF5;
	[smem:$0x3FB5] =	sst s0  }
0x18: {  	s0 =	sld [smem:$0x3F98];
	_ =	swait.ge [sflag:s4], $0x0  }
0x19: {  	s7 =	sld [smem:$0x3F99]  }
0x1a: {  	s8 =	sadd.s32 $0xFFFFE003, lr  }
0x1b: {  	s9 =	sadd.s32 $0xFFFFFEF7, lr;
	s5 =	simm.s32 $0xFFFFFFFF;
	p2 =	slt.u32 s8, $0xFFFFF086  }
0x1c: {  	p1 =	slt.u32 s9, $0xF7A;
	s5 =	simm.s32 @!p2 $0x0  }
0x1d: {  	s5 =	simm.s32 @p1 $0x1;
	p0 =	seq.s32 s7, s2  }
0x1e: {  	s7 =	smul.u32 @!p0 $0xF7A, s2;
	p2 =	seq.s32 @!p0 s5, $0x0  }
0x1f: {  	s9 =	smul.u32 $0xF7A, s1;
	s8 =	simm.s32 @!p0 $0x1BF5;
	p2 =	por !p2, p0  }
0x20: {  	[sflag:s8] =	ssyncset.s32 @!p0 $0xFFFFF086;
	s6 =	sadd.s32 @!p0 s3, s7;
	s7 =	simm.s32 @!p0 $0x108  }
0x21: {  	s3 =	sadd.s32 s3, s9;
	s6 =	sadd.s32 @!p0 $0x88, s6;
	s7 =	simm.s32 @p2 $0x1082  }
0x22: {  	[simem:s7], [sflag:s8] =	dma.local @!p0 [hbm:s6], $0xF7A  }
0x23: {  	s9 =	sor.u32 $0xD0000000, s2;
	s6 =	simm.s32 $0x108;
	_ =	swait.ge @!p0 [sflag:s8], $0x0  }
0x24: {  	s3 =	sadd.s32 $0x88, s3;
	s6 =	simm.s32 @!p1 $0x1082;
	[sflag:s4] =	ssyncset.s32 $0xFFFFF086  }
0x25: {  	[simem:s6], [sflag:s4] =	dma.local [hbm:s3], $0xF7A  }
0x26: {  	[smem:$0x3F99] =	sst s1;
	(tag) =	ssettag s2;
	_ =	strace s9  }
0x27: {  	s1 =	sld [smem:$0x3FA9]  }
0x28: {  	s2 =	sld [smem:$0x3FAA]  }
0x29: {  	s4 =	sld [smem:$0x3FAC]  }
0x2a: {  	p0 =	seq.s32 s5, $0x0;
	s5 =	sld [smem:$0x3FAD]  }
0x2b: {  	s6 =	sld [smem:$0x3FAE]  }
0x2c: {  	s7 =	sld [smem:$0x3FAF]  }
0x2d: {  	s3 =	simm.s32 $0x108;
	s8 =	sld [smem:$0x3FB0]  }
0x2e: {  	s3 =	simm.s32 @!p0 $0x1082;
	s9 =	sld [smem:$0x3FB1]  }
0x2f: {  	lr =	sadd.s32 s0, s3;
	s0 =	sld [smem:$0x3FA8]  }
0x30: {  	s3 =	sld [smem:$0x3FAB]  }
0x31: {  	[smem:$0x3FB4] =	sst s10  }
0x32: {  	s10 =	sld [smem:$0x3FB2];
	_ =	sdelay $0x3  }
0x33: {  	p0 =	seq.s32 s10, $0x1;
	s10 =	sld [smem:$0x3FB4];
	_ =	sdelay $0x3  }
0x34: {  	[smem:$0x3FB4] =	sst s10  }
0x35: {  	s10 =	sld [smem:$0x3FB3];
	_ =	sdelay $0x3  }
0x36: {  	p1 =	seq.s32 s10, $0x1;
	s10 =	sld [smem:$0x3FB4];
	_ =	sdelay $0x3  }
0x37: {  	[smem:$0x3FB4] =	sst s10  }
0x38: {  	s10 =	sld [smem:$0x3FB5]  }
0x39: {  	_ = 	snop;
	(pc) =	sbr.ind lr, $3  }
0x3a: {  	_ = 	snop  }
0x3b: {  	_ = 	snop  }
0x3c: {  	p2 =	seq.s32 s10, $0x1;
	s10 =	sld [smem:$0x3FB4]  }
0x3d: {  	_ =	shalt  }
0x3e: {  	_ =	shalt  }
0x3f: {  	_ =	shalt  }
0x40: {  	_ =	shalt  }
0x41: {  	_ =	shalt  }
0x42: {  	_ =	shalt  }
0x43: {  	_ =	shalt  }
0x44: {  	_ =	shalt  }
0x45: {  	_ =	shalt  }
0x46: {  	_ =	shalt  }
0x47: {  	_ =	shalt  }
0x48: {  	_ =	shalt  }
0x49: {  	_ =	shalt  }
0x4a: {  	_ =	shalt  }
0x4b: {  	_ =	shalt  }
0x4c: {  	_ =	shalt  }
0x4d: {  	_ =	shalt  }
0x4e: {  	_ =	shalt  }
0x4f: {  	_ =	shalt  }
0x50: {  	_ =	shalt  }
0x51: {  	_ =	shalt  }
0x52: {  	_ =	shalt  }
0x53: {  	_ =	shalt  }
0x54: {  	_ =	shalt  }
0x55: {  	_ =	shalt  }
0x56: {  	_ =	shalt  }
0x57: {  	_ =	shalt  }
0x58: {  	_ =	shalt  }
0x59: {  	_ =	shalt  }
0x5a: {  	_ =	shalt  }
0x5b: {  	_ =	shalt  }
0x5c: {  	_ =	shalt  }
0x5d: {  	_ =	shalt  }
0x5e: {  	_ =	shalt  }
0x5f: {  	_ =	shalt  }
0x60: {  	_ =	shalt  }
0x61: {  	_ =	shalt  }
0x62: {  	_ =	shalt  }
0x63: {  	_ =	shalt  }
0x64: {  	_ =	shalt  }
0x65: {  	_ =	shalt  }
0x66: {  	_ =	shalt  }
0x67: {  	_ =	shalt  }
0x68: {  	_ =	shalt  }
0x69: {  	_ =	shalt  }
0x6a: {  	_ =	shalt  }
0x6b: {  	_ =	shalt  }
0x6c: {  	_ =	shalt  }
0x6d: {  	_ =	shalt  }
0x6e: {  	_ =	shalt  }
0x6f: {  	_ =	shalt  }
0x70: {  	_ =	shalt  }
0x71: {  	_ =	shalt  }
0x72: {  	_ =	shalt  }
0x73: {  	_ =	shalt  }
0x74: {  	_ =	shalt  }
0x75: {  	_ =	shalt  }
0x76: {  	_ =	shalt  }
0x77: {  	_ =	shalt  }
0x78: {  	_ =	shalt  }
0x79: {  	_ =	shalt  }
0x7a: {  	_ =	shalt  }
0x7b: {  	_ =	shalt  }
0x7c: {  	_ =	shalt  }
0x7d: {  	_ =	shalt  }
0x7e: {  	_ =	shalt  }
0x7f: {  	_ =	shalt  }
0x80: {  	_ =	shalt  }
0x81: {  	_ =	shalt  }
0x82: {  	_ =	shalt  }
0x83: {  	_ =	shalt  }
0x84: {  	_ =	shalt  }
0x85: {  	_ =	shalt  }
0x86: {  	_ =	shalt  }
0x87: {  	_ =	shalt  }
.Lfunc_end0:
.L_simem_size_0:
called_computation.2_lowered:
.L_overlay_start_0:
0x88: {  	s2 =	sld [smem:$0x3FD9]  }
0x89: {  	s3 =	sld [smem:$0x3FFE];
	_ =	sdelay $0x1  }
0x8a: {  	s1 =	srdreg.scid  }
0x8b: {  	s0 =	sand.u32 $0x1, s1  }
0x8c: {  	s17 =	sshll.u32 s0, $0xA;
	s2 =	sadd.s32 s3, s2  }
0x8d: {  	s2 =	sadd.s32 s2, s17  }
0x8e: {  	[smem:$0x3FC0] =	sst s2  }
0x8f: {  	_ = 	snop  }
0x90: {  	s2 =	sld [smem:$0x3FD0];
	(tm) =	ssettm $0x1  }
0x91: {  	s18 =	sld [smem:$0x3FFB];
	_ =	sdelay $0x3  }
0x92: {  	_ =	strace s18  }
0x93: {  	s3 =	sld [smem:$0x3FFC];
	_ =	sdelay $0x3  }
0x94: {  	_ =	strace s3  }
0x95: {  	s3 =	sld [smem:$0x3FFD];
	_ =	sdelay $0x3  }
0x96: {  	_ =	strace s3  }
0x97: {  	_ =	strace $0x8FFFFFFF  }
0x98: {  	s19 =	sld [smem:$0x3FDB];
	_ =	sdelay $0x1  }
0x99: {  	s4 =	simm.s32 $_scs_section_size  }
0x9a: {  	s5 =	simm.s32 $_size__tile_overlayer_lowered;
	s6 =	simm.s32 $_tile_overlayer_lowered  }
0x9b: {  	s22 =	simm.s32 $0x1BFF;
	s21 =	sshll.u32 s6, $0x1;
	s3 =	sadd.s32 s4, s19  }
0x9c: {  	s7 =	simm.s32 $0x0;
	s20 =	sshll.u32 s5, $0x1;
	s5 =	sadd.s32 s21, s3  }
0x9d: {  	[timem:s7], [sflag:s22] =	dma.local [hbm:s5], s20  }
0x9e: {  	_ =	swait.ge [sflag:s22], s20  }
0x9f: {  	s4 =	ssub.s32 $0x0, s20;
	[sflag:s22] =	ssyncset.done $0x0  }
0xa0: {  	[sflag:s22] =	ssyncadd.s32 s4;
	_ =	sdelay $0x1  }
0xa1: {  	s23 =	simm.s32 $0x1B8B  }
0xa2: {  	_ =	swait.ge [sflag:s23], $0x1  }
0xa3: {  	[sflag:s23] =	ssyncset.done $0x0  }
0xa4: {  	s25 =	simm.s32 $0x1B8E;
	s24 =	sld [smem:$0x3FFE];
	[sflag:s23] =	ssyncadd.s32 $0xFFFFFFFF  }
0xa5: {  	s26 =	simm.s32 $execute0_lowered;
	[smem:$0x3FD2] =	sst s25  }
0xa6: {  	s5 =	sshll.u32 s26, $0x1;
	_ =	strace $0x8000004C;
	[dreg:$0x1] =	wrdreg $0xFFFFFFFF  }
0xa7: {  	s28 =	simm.s32 $_size_execute0_lowered;
	s3 =	sadd.s32 s3, s5;
	[dreg:$0x0] =	wrdreg $0x0  }
0xa8: {  	s5 =	sshll.u32 s28, $0x1;
	[dreg:$0x2] =	wrdreg s3  }
0xa9: {  	[dreg:$0x3] =	wrdreg s5  }
0xaa: {  	[dreg:$0x4] =	wrdreg $0xC0  }
0xab: {  	_ =	task [dreg:s7], $0x5FFFF  }
0xac: {  	[dreg:$0x1] =	wrdreg $0xFFFFFFFF  }
0xad: {  	[dreg:$0x0] =	wrdreg $0x60  }
0xae: {  	[dreg:$0x2] =	wrdreg s24  }
0xaf: {  	[dreg:$0x3] =	wrdreg s2  }
0xb0: {  	[dreg:$0x4] =	wrdreg $0x7B000  }
0xb1: {  	[dreg:$0x5] =	wrdreg $0x9  }
0xb2: {  	_ =	task.clear_ibuf [dreg:s7], $0x6FFFF;
	_ =	strace $0x9000004C  }
0xb3: {  	s29 =	simm.s32 $0x9;
	_ =	strace $0x8000004E  }
0xb4: {  	_ =	swait.ge [sflag:s29], $0x1  }
0xb5: {  	[sflag:s29] =	ssyncadd.s32 $0xFFFFFFFF  }
0xb6: {  	_ =	strace $0x9000004E  }
0xb7: {  	_ =	sfence  }
0xb8: {  	s30 =	sld [smem:$0x0];
	_ =	sdelay $0x2  }
0xb9: {  	s31 =	sshll.u32 s1, $0xD;
	s1 =	sshrl.u32 s1, $0x2  }
0xba: {  	s3 =	sand.u32 $0x4000, s31;
	s1 =	sadd.s32 s1, s30  }
0xbb: {  	s0 =	sor.u32 s3, s0;
	s1 =	sshll.u32 s1, $0x11  }
0xbc: {  	s0 =	sor.u32 s1, s0  }
0xbd: {  	s0 =	sadd.s32 $0x8F2B, s0  }
0xbe: {  	[sflag:s0] =	ssyncadd.remote.s32 $0x1  }
0xbf: {  	_ =	sfence.sel $0xFFFF  }
0xc0: {  	[dreg:$0x0] =	wrdreg $0xFFFFFFFF;
	(pc) =	sbr.abs _section_cstart, $3  }
0xc1: {  	[dreg:$0x1] =	wrdreg $0xFFFFFFFF  }
0xc2: {  	_ =	task.clear_ibuf [dreg:s7], $0x2FFFF;
	_ =	strace $0x9FFFFFFF  }
0xc3: {  	(tm) =	ssettm $0x7FFFFFFF  }
tec
execute0_lowered:
.L_overlay_start_1:
0x0: {  	(tag) =	ssettag $0x1  }
0x1: {  	s0 =	rddreg [dreg:$0x0]  }
0x2: {  	s1 =	rddreg [dreg:$0x1]  }
0x3: {  	s2 =	rddreg [dreg:$0x2];
	s4 =	simm.s32 $0x0;
	s17 =	stileid.u32  }
0x4: {  	s3 =	srdreg.scid;
	s30 =	simm.s32 $0x300;
	s31 =	simm.s32 $0x5  }
0x5: {  	[smem:$0x7FF] =	sst s4;
	s5 =	sadd.s32 $0xB800, s0;
	s7 =	smul.u32 $0x4E000, s17  }
0x6: {  	s6 =	sadd.s32 $0x1A00, s0;
	s0 =	sadd.s32 $0x15600, s0;
	s3 =	sand.u32 $0x1, s3  }
0x7: {  	s22 =	smul.u32 $0x4E20, s17;
	p0 =	sne.s32 s17, $0xF;
	s29 =	sadd.s32 $0x138000, s2  }
0x8: {  	s9 =	sshll.u32 s17, $0x1;
	_ =	strace $0x8000004D;
	s20 =	smul.u32 $0x138800, s3  }
0x9: {  	s8 =	ssub.s32 $0x2, s3;
	s9 =	sor.u32 s3, s9;
	s3 =	smul.u32 $0x2710, s3  }
0xa: {  	[dreg:$0x13] =	wrdreg s29;
	s7 =	sshrl.u32 s7, $0x2;
	s10 =	sshrl.u32 s8, $0x1  }
0xb: {  	s9 =	smul.u32 $0x2710, s9;
	s7 =	sadd.s32 s7, s2;
	s8 =	ssub.s32 s8, s10  }
0xc: {  	s10 =	sshrl.u32 s20, $0x3;
	s3 =	sadd.s32 s3, s22;
	s14 =	sadd.s32 $0x2800, s7  }
0xd: {  	s15 =	sadd.s32 $0x5000, s7;
	s16 =	sadd.s32 $0x7800, s7;
	[dreg:$0x4] =	wrdreg s7  }
0xe: {  	s18 =	sadd.s32 $0xA000, s7;
	s19 =	sadd.s32 $0xC800, s7;
	[dreg:$0x5] =	wrdreg s14  }
0xf: {  	s13 =	sadd.s32 $0x50, s9;
	s11 =	sshrl.u32 s9, $0x3;
	[dreg:$0x6] =	wrdreg s15  }
0x10: {  	s22 =	sadd.s32 $0x190, s9;
	s25 =	smax.u32 s8, $0x1;
	[dreg:$0x7] =	wrdreg s16  }
0x11: {  	s26 =	sadd.s32 $0xF000, s7;
	s28 =	sadd.s32 $0x11800, s7;
	[dreg:$0x8] =	wrdreg s18  }
0x12: {  	s8 =	simm.s32 $0x2B00;
	[dreg:$0x9] =	wrdreg s19;
	s12 =	sshrl.u32 s13, $0x3  }
0x13: {  	s14 =	smul.u32 $0x13800, s17;
	s15 =	sadd.s32 s5, s11;
	[dreg:$0x10] =	wrdreg s25  }
0x14: {  	s16 =	sadd.s32 $0xA0, s9;
	s11 =	sadd.s32 s6, s11;
	[dreg:$0x11] =	wrdreg s26  }
0x15: {  	s25 =	sadd.s32 $0xF0, s3;
	[dreg:$0x12] =	wrdreg s28;
	s3 =	simm.s32 $0x80  }
0x16: {  	s17 =	simm.s32 $0x2;
	s18 =	simm.s32 $0x280;
	s19 =	simm.s32 $0x5300  }
0x17: {  	[dreg:$0xa] =	wrdreg s15;
	s12 =	sadd.s32 s5, s12;
	s21 =	sshrl.u32 s16, $0x3  }
0x18: {  	[dreg:$0xd] =	wrdreg s11;
	s11 =	simm.s32 $0x1;
	s15 =	simm.s32 $0x4  }
0x19: {  	[dreg:$0xb] =	wrdreg s12;
	s14 =	sadd.s32 s14, s20;
	s12 =	sadd.s32 s5, s21  }
.Ltmp0:
0x1a: {  	s20 =	sadd.s32 $0xF0, s9;
	s21 =	sadd.s32 $0x140, s9;
	(pc) =	sbr.rel .LBB2_1-.Ltmp0, $4  }
0x1b: {  	[dreg:$0xc] =	wrdreg s12;
	s23 =	sshrl.u32 s14, $0x3;
	s12 =	simm.s32 $0x200  }
0x1c: {  	s14 =	simm.s32 $0x3;
	s24 =	sadd.s32 s0, s23;
	s0 =	sadd.s32 s0, s10  }
0x1d: {  	s10 =	simm.s32 $0x180;
	[dreg:$0xe] =	wrdreg s24;
	s0 =	sadd.s32 $0x27000, s0  }
0x1e: {  	v0 =	vimm.f32 $0.0e+00;
	s23 =	simm.s32 $0x0;
	[dreg:$0xf] =	wrdreg s0;
	s0 =	simm.s32 $0x50  }
.LBB2_8:
0x1f: {  	_ =	swait.ge [sflag:s14], $0x50  }
0x20: {  	[sflag:s14] =	ssyncset.done $0x0  }
0x21: {  	[sflag:s14] =	ssyncadd.s32 $0xFFFFFFB0  }
0x22: {  	[spmem:s2] =	stream.indirect.scatter.add.f32 [tilespmem:s8], [sflag:$0x4], $0x80, s12, s0, $0xb8;
	[tilespmem:$0x1B380] =	vst v63  }
.LBB2_6:
0x23: {  	_ =	swait.ge [sflag:s15], $0x2800  }
0x24: {  	[sflag:s15] =	ssyncset.done $0x0  }
0x25: {  	[sflag:s15] =	ssyncadd.s32 $0xFFFFD800  }
0x26: {  	s7 =	stileid.u32;
	[bflag:$0x0] =	sbarrier.arrive $0xFFFF  }
0x27: {  	s7 =	sshll.u32 s7, $0x6;
	s9 =	rddreg [dreg:$0x4]  }
0x28: {  	s7 =	sor.u32 $0x1C05, s7;
	s24 =	rddreg [dreg:$0xe];
	s9 =	sshrl.u32 s9, $0x3  }
0x29: {  	[hbm:s24], [sflag:s7] =	dma.local [spmem:s9], $0x2700  }
0x2a: {  	_ =	swait.ge [sflag:s31], $0x2700  }
0x2b: {  	[sflag:s31] =	ssyncset.done $0x0;
	s9 =	rddreg [dreg:$0x13]  }
0x2c: {  	s24 =	rddreg [dreg:$0xf];
	[sflag:s31] =	ssyncadd.s32 $0xFFFFD900;
	s9 =	sshrl.u32 @!p0 s9, $0x3  }
0x2d: {  	[hbm:s24], [sflag:s7] =	dma.local @!p0 [spmem:s9], $0x100  }
0x2e: {  	s7 =	simm.s32 @!p0 $0x5  }
0x2f: {  	_ =	swait.ge @!p0 [sflag:s7], $0x100  }
0x30: {  	s23 =	sadd.s32 $0x1, s23;
	s29 =	rddreg [dreg:$0x10]  }
0x31: {  	p1 =	sne.s32 s23, s29  }
.Ltmp1:
0x32: {  	_ = 	snop;
	(pc) =	sbr.rel @!p1 .LBB2_7-.Ltmp1, $3  }
0x33: {  	_ =	sdelay $0x1  }
0x34: {  	[sflag:s7] =	ssyncset.done @!p0 $0x0  }
0x35: {  	[sflag:s7] =	ssyncadd.s32 @!p0 $0xFFFFFF00  }
.LBB2_1:
0x36: {  	s24 =	sand.u32 $0xFE00, s4  }
0x37: {  	s26 =	sand.u32 $0x70, s4;
	s28 =	sshrl.u32 s24, $0x2  }
0x38: {  	s24 =	simm.s32 $0x40;
	s28 =	sor.u32 s26, s28;
	s26 =	simm.s32 $0x0  }
.LBB2_2:
0x39: {  	p1 =	sne.s32 s24, $0x9FC0  }
0x3a: {  	[tilespmem:s28+$0x300] =	vst v0;
	s26 =	sadd.s32 $0x10, s26;
	s28 =	smov.u32 s24;
	s24 =	sadd.s32 $0x40, s24  }
.Ltmp2:
0x3b: {  	(pc) =	sbr.rel @p1 .LBB2_2-.Ltmp2, $4  }
0x3c: {  	_ = 	snop  }
0x3d: {  	s28 =	sand.u32 $0xFE00, s28  }
0x3e: {  	s7 =	sand.u32 $0x70, s26;
	s28 =	sshrl.u32 s28, $0x2  }
0x3f: {  	s28 =	sor.u32 s7, s28  }
0x40: {  	[tilespmem:s28+$0x300] =	vst v0;
	s7 =	rddreg [dreg:$0x4]  }
0x41: {  	[spmem:s7] =	stream.linear.scatter [tilespmem:s30], [sflag:$0x5], $0x2800, $0x38;
	[tilespmem:$0x1B380] =	vst v63  }
0x42: {  	_ =	swait.ge [sflag:s31], $0x2800  }
0x43: {  	[sflag:s31] =	ssyncset.done $0x0  }
0x44: {  	s9 =	rddreg [dreg:$0x5];
	[sflag:s31] =	ssyncadd.s32 $0xFFFFD800  }
0x45: {  	[spmem:s9] =	stream.linear.scatter [tilespmem:s30], [sflag:$0x5], $0x2800, $0x38;
	[tilespmem:$0x1B380] =	vst v63  }
0x46: {  	_ =	swait.ge [sflag:s31], $0x2800  }
0x47: {  	[sflag:s31] =	ssyncset.done $0x0  }
0x48: {  	s24 =	rddreg [dreg:$0x6];
	[sflag:s31] =	ssyncadd.s32 $0xFFFFD800  }
0x49: {  	[spmem:s24] =	stream.linear.scatter [tilespmem:s30], [sflag:$0x5], $0x2800, $0x38;
	[tilespmem:$0x1B380] =	vst v63  }
0x4a: {  	_ =	swait.ge [sflag:s31], $0x2800  }
0x4b: {  	[sflag:s31] =	ssyncset.done $0x0  }
0x4c: {  	s26 =	rddreg [dreg:$0x7];
	[sflag:s31] =	ssyncadd.s32 $0xFFFFD800  }
0x4d: {  	[spmem:s26] =	stream.linear.scatter [tilespmem:s30], [sflag:$0x5], $0x2800, $0x38;
	[tilespmem:$0x1B380] =	vst v63  }
0x4e: {  	_ =	swait.ge [sflag:s31], $0x2800  }
0x4f: {  	[sflag:s31] =	ssyncset.done $0x0  }
0x50: {  	s29 =	rddreg [dreg:$0x8];
	[sflag:s31] =	ssyncadd.s32 $0xFFFFD800  }
0x51: {  	[spmem:s29] =	stream.linear.scatter [tilespmem:s30], [sflag:$0x5], $0x2800, $0x38;
	[tilespmem:$0x1B380] =	vst v63  }
0x52: {  	_ =	swait.ge [sflag:s31], $0x2800  }
0x53: {  	[sflag:s31] =	ssyncset.done $0x0  }
0x54: {  	s9 =	rddreg [dreg:$0x9];
	[sflag:s31] =	ssyncadd.s32 $0xFFFFD800  }
0x55: {  	[spmem:s9] =	stream.linear.scatter [tilespmem:s30], [sflag:$0x5], $0x2800, $0x38;
	[tilespmem:$0x1B380] =	vst v63  }
0x56: {  	_ =	swait.ge [sflag:s31], $0x2800  }
0x57: {  	[sflag:s31] =	ssyncset.done $0x0  }
0x58: {  	s24 =	rddreg [dreg:$0x11];
	[sflag:s31] =	ssyncadd.s32 $0xFFFFD800  }
0x59: {  	[spmem:s24] =	stream.linear.scatter [tilespmem:s30], [sflag:$0x5], $0x2800, $0x38;
	[tilespmem:$0x1B380] =	vst v63  }
0x5a: {  	_ =	swait.ge [sflag:s31], $0x2800  }
0x5b: {  	[sflag:s31] =	ssyncset.done $0x0  }
0x5c: {  	s26 =	rddreg [dreg:$0x12];
	[sflag:s31] =	ssyncadd.s32 $0xFFFFD800  }
0x5d: {  	[spmem:s26] =	stream.linear.scatter [tilespmem:s30], [sflag:$0x5], $0x2000, $0x38;
	[tilespmem:$0x1B380] =	vst v63  }
0x5e: {  	_ =	swait.ge [sflag:s31], $0x2000  }
0x5f: {  	[sflag:s31] =	ssyncset.done $0x0  }
0x60: {  	s7 =	simm.s32 @!p0 $0x300;
	s9 =	rddreg [dreg:$0x13];
	[sflag:s31] =	ssyncadd.s32 $0xFFFFE000  }
0x61: {  	[spmem:s9] =	stream.linear.scatter @!p0 [tilespmem:s7], [sflag:$0x5], $0x800, $0x38;
	[tilespmem:$0x1B380] =	vst v63  }
0x62: {  	s7 =	simm.s32 @!p0 $0x5  }
0x63: {  	_ =	swait.ge @!p0 [sflag:s7], $0x800  }
0x64: {  	[sflag:s7] =	ssyncset.done @!p0 $0x0  }
0x65: {  	[sflag:s7] =	ssyncadd.s32 @!p0 $0xFFFFF800  }
0x66: {  	[bflag:$0x0] =	sbarrier.arrive $0xFFFF  }
0x67: {  	s28 =	simm.s32 $0x0;
	s29 =	rddreg [dreg:$0xa]  }
0x68: {  	[tilespmem:s28], [sflag:$0x5] =	stream.linear.gather [hbm4b:s29+s28], $0x50, $0x38;
	[tilespmem:$0x1B380] =	vst v63  }
0x69: {  	_ =	swait.ge [sflag:s31], $0x50  }
0x6a: {  	[sflag:s31] =	ssyncset.done $0x0  }
0x6b: {  	[sflag:s31] =	ssyncadd.s32 $0xFFFFFFB0  }
0x6c: {  	[tilespmem:s30], [sflag:$0x1] =	stream.indirect.gather [hbm4b:s1+s0], $0x80, s28, s0, $0xb8;
	[tilespmem:$0x1B380] =	vst v63  }
0x6d: {  	s9 =	rddreg [dreg:$0xb]  }
0x6e: {  	[tilespmem:s3], [sflag:$0x5] =	stream.linear.gather [hbm4b:s9+s28], $0x50, $0x38;
	[tilespmem:$0x1B380] =	vst v63  }
0x6f: {  	_ =	swait.ge [sflag:s31], $0x50  }
0x70: {  	[sflag:s31] =	ssyncset.done $0x0  }
0x71: {  	[sflag:s31] =	ssyncadd.s32 $0xFFFFFFB0  }
0x72: {  	[tilespmem:s8], [sflag:$0x1] =	stream.indirect.gather [hbm4b:s1+s0], $0x80, s3, s0, $0xb8;
	[tilespmem:$0x1B380] =	vst v63  }
0x73: {  	s26 =	simm.s32 $0x100;
	s24 =	rddreg [dreg:$0xc]  }
0x74: {  	[tilespmem:s26], [sflag:$0x2] =	stream.linear.gather [hbm4b:s24+s28], $0x50, $0x38;
	[tilespmem:$0x1B380] =	vst v63  }
0x75: {  	s29 =	rddreg [dreg:$0xd];
	s26 =	simm.s32 $0x0  }
0x76: {  	[tilespmem:s10], [sflag:$0x3] =	stream.linear.gather [hbm4b:s29+s28], $0x50, $0x38;
	[tilespmem:$0x1B380] =	vst v63  }
.LBB2_4:
0x77: {  	_ =	swait.ge [sflag:s11], $0x2800  }
0x78: {  	p1 =	seq.s32 s28, $0x0;
	[sflag:s11] =	ssyncset.done $0x0  }
0x79: {  	s7 =	simm.s32 @!p1 $0x4;
	[sflag:s11] =	ssyncadd.s32 $0xFFFFD800  }
0x7a: {  	_ =	swait.ge @!p1 [sflag:s7], $0x2800  }
0x7b: {  	p2 =	seq.s32 @!p1 s26, $0x29;
	[sflag:s7] =	ssyncset.done @!p1 $0x0  }
0x7c: {  	p2 =	por p1, !p2;
	[sflag:s7] =	ssyncadd.s32 @!p1 $0xFFFFD800  }
0x7d: {  	_ =	swait.ge @p2 [sflag:s17], $0x50  }
0x7e: {  	[sflag:s17] =	ssyncset.done @p2 $0x0  }
0x7f: {  	s7 =	simm.s32 @p2 $0x100;
	[sflag:s17] =	ssyncadd.s32 @p2 $0xFFFFFFB0  }
0x80: {  	[tilespmem:s19], [sflag:$0x1] =	stream.indirect.gather @p2 [hbm4b:s1+s0], $0x80, s7, s0, $0xb8;
	[tilespmem:$0x1B380] =	vst v63  }
0x81: {  	s24 =	simm.s32 @!p1 $0x2670;
	s7 =	sadd.s32 @p2 s28, s25  }
0x82: {  	s24 =	smov.u32 @p2 s28;
	s7 =	sshrl.u32 @p2 s7, $0x3  }
0x83: {  	s29 =	sadd.s32 s24, s13;
	s7 =	sadd.s32 @p2 s5, s7  }
0x84: {  	[tilespmem:s4], [sflag:$0x2] =	stream.linear.gather @p2 [hbm4b:s7+s4], $0x50, $0x38;
	[tilespmem:$0x1B380] =	vst v63  }
0x85: {  	s7 =	sshrl.u32 s29, $0x3  }
0x86: {  	s7 =	sadd.s32 s6, s7  }
0x87: {  	[tilespmem:s12], [sflag:$0x3] =	stream.linear.gather [hbm4b:s7+s4], $0x50, $0x38;
	[tilespmem:$0x1B380] =	vst v63  }
0x88: {  	_ =	swait.ge [sflag:s14], $0x50  }
0x89: {  	[sflag:s14] =	ssyncset.done $0x0  }
0x8a: {  	[sflag:s14] =	ssyncadd.s32 $0xFFFFFFB0  }
0x8b: {  	[spmem:s2] =	stream.indirect.scatter.add.f32 [tilespmem:s30], [sflag:$0x4], $0x80, s10, s0, $0xb8;
	[tilespmem:$0x1B380] =	vst v63  }
0x8c: {  	p1 =	seq.s32 s26, $0x29;
	_ =	swait.ge [sflag:s11], $0x2800  }
.Ltmp3:
0x8d: {  	[sflag:s11] =	ssyncset.done $0x0;
	(pc) =	sbr.rel @p1 .LBB2_8-.Ltmp3, $4  }
0x8e: {  	[sflag:s11] =	ssyncadd.s32 $0xFFFFD800  }
0x8f: {  	_ =	swait.ge [sflag:s15], $0x2800  }
0x90: {  	[sflag:s15] =	ssyncset.done $0x0  }
0x91: {  	[sflag:s15] =	ssyncadd.s32 $0xFFFFD800  }
0x92: {  	_ =	swait.ge [sflag:s17], $0x50  }
0x93: {  	s7 =	sadd.s32 s24, s21;
	[sflag:s17] =	ssyncset.done $0x0  }
0x94: {  	s7 =	sshrl.u32 s7, $0x3;
	[sflag:s17] =	ssyncadd.s32 $0xFFFFFFB0  }
0x95: {  	[tilespmem:s30], [sflag:$0x1] =	stream.indirect.gather [hbm4b:s1+s0], $0x80, s4, s0, $0xb8;
	[tilespmem:$0x1B380] =	vst v63  }
0x96: {  	s9 =	sadd.s32 s24, s16;
	s7 =	sadd.s32 s5, s7  }
0x97: {  	[tilespmem:s3], [sflag:$0x2] =	stream.linear.gather [hbm4b:s7+s4], $0x50, $0x38;
	[tilespmem:$0x1B380] =	vst v63  }
0x98: {  	s7 =	sshrl.u32 s9, $0x3  }
0x99: {  	s7 =	sadd.s32 s6, s7  }
0x9a: {  	[tilespmem:s18], [sflag:$0x3] =	stream.linear.gather [hbm4b:s7+s4], $0x50, $0x38;
	[tilespmem:$0x1B380] =	vst v63  }
0x9b: {  	_ =	swait.ge [sflag:s14], $0x50  }
0x9c: {  	[sflag:s14] =	ssyncset.done $0x0  }
0x9d: {  	[sflag:s14] =	ssyncadd.s32 $0xFFFFFFB0  }
0x9e: {  	[spmem:s2] =	stream.indirect.scatter.add.f32 [tilespmem:s8], [sflag:$0x4], $0x80, s12, s0, $0xb8;
	[tilespmem:$0x1B380] =	vst v63  }
0x9f: {  	_ =	swait.ge [sflag:s11], $0x2800  }
0xa0: {  	[sflag:s11] =	ssyncset.done $0x0  }
0xa1: {  	[sflag:s11] =	ssyncadd.s32 $0xFFFFD800  }
0xa2: {  	_ =	swait.ge [sflag:s15], $0x2800  }
0xa3: {  	[sflag:s15] =	ssyncset.done $0x0  }
0xa4: {  	[sflag:s15] =	ssyncadd.s32 $0xFFFFD800  }
0xa5: {  	p1 =	sgt.u32 s26, $0x27;
	_ =	swait.ge [sflag:s17], $0x50  }
0xa6: {  	s7 =	sadd.s32 @!p1 s24, s22;
	[sflag:s17] =	ssyncset.done $0x0  }
0xa7: {  	s7 =	sshrl.u32 @!p1 s7, $0x3;
	[sflag:s17] =	ssyncadd.s32 $0xFFFFFFB0  }
0xa8: {  	[tilespmem:s8], [sflag:$0x1] =	stream.indirect.gather [hbm4b:s1+s0], $0x80, s3, s0, $0xb8;
	[tilespmem:$0x1B380] =	vst v63  }
0xa9: {  	s29 =	simm.s32 @!p1 $0x0;
	s9 =	simm.s32 @!p1 $0x100;
	s7 =	sadd.s32 @!p1 s5, s7  }
0xaa: {  	[tilespmem:s9], [sflag:$0x2] =	stream.linear.gather @!p1 [hbm4b:s7+s29], $0x50, $0x38;
	[tilespmem:$0x1B380] =	vst v63  }
0xab: {  	s29 =	sadd.s32 s24, s20  }
0xac: {  	s26 =	sadd.s32 $0x1, s26;
	s7 =	sshrl.u32 s29, $0x3  }
0xad: {  	p1 =	sne.s32 s26, $0x2A;
	s7 =	sadd.s32 s6, s7  }
0xae: {  	[tilespmem:s10], [sflag:$0x3] =	stream.linear.gather [hbm4b:s7+s4], $0x50, $0x38;
	[tilespmem:$0x1B380] =	vst v63  }
.Ltmp4:
0xaf: {  	_ = 	snop;
	(pc) =	sbr.rel @p1 .LBB2_4-.Ltmp4, $4  }
.Ltmp5:
0xb0: {  	_ =	swait.ge [sflag:s14], $0x50;
	(pc) =	sbr.rel @!p1 .LBB2_6-.Ltmp5, $4  }
0xb1: {  	[sflag:s14] =	ssyncset.done $0x0  }
0xb2: {  	s28 =	sadd.s32 $0xF0, s28;
	[sflag:s14] =	ssyncadd.s32 $0xFFFFFFB0  }
0xb3: {  	[spmem:s2] =	stream.indirect.scatter.add.f32 [tilespmem:s19], [sflag:$0x4], $0x80, s18, s0, $0xb8;
	[tilespmem:$0x1B380] =	vst v63  }
0xb4: {  	_ = 	snop  }
.LBB2_7:
0xb5: {  	_ =	sfence.sel $0x180000  }
0xb6: {  	[bflag:$0x0] =	sbarrier.arrive $0xFFFF  }
0xb7: {  	_ =	strace $0x9000004D  }
0xb8: {  	s0 =	stileid.u32;
	[bflag:$0x2] =	sbarrier.arrive $0xFFFF  }
0xb9: {  	p0 =	sne.s32 s0, $0x0;
	s0 =	rddreg [dreg:$0x3]  }
0xba: {  	s0 =	sadd.s32 @!p0 $0x100000, s0  }
0xbb: {  	[sflag:s0] =	ssyncadd.tile.s32 @!p0 $0x1;
	_ =	shalt  }
.Lfunc_end2:
_tile_overlayer_lowered:
.L_overlay_start_2:
0xbc: {  	(tag) =	ssettag $0x2  }
0xbd: {  	s0 =	rddreg [dreg:$0x0];
	s2 =	stileid.u32  }
0xbe: {  	s1 =	rddreg [dreg:$0x1];
	p0 =	sne.s32 s2, $0x0  }
0xbf: {  	s3 =	rddreg [dreg:$0x2];
	[bflag:$0x3] =	sbarrier.arrive $0xFFFF;
	s2 =	simm.s32 @!p0 $0x1C05  }
0xc0: {  	[timem:s3], [sflag:s2] =	dma.local @!p0 [hbm:s0], s1  }
0xc1: {  	s0 =	simm.s32 @!p0 $0x5  }
0xc2: {  	_ =	swait.ge @!p0 [sflag:s0], s1  }
0xc3: {  	s1 =	ssub.s32 @!p0 $0x0, s1;
	[sflag:s0] =	ssyncset.done @!p0 $0x0  }
0xc4: {  	[sflag:s0] =	ssyncadd.s32 @!p0 s1  }
0xc5: {  	[bflag:$0x3] =	sbarrier.arrive $0xFFFF  }
0xc6: {  	_ =	shalt  }

// kernel: kernel.8.cloned.1.call-start
scs
__scs_entry_jumppad:
0x0: {  	(pc) =	sbr.rel $0x88, $3  }
0x1: {  	(tag) =	ssettag $0x0;
	lr =	simm.s32 $0x1  }
0x2: {  	[smem:$0x3F99] =	sst lr;
	_ =	strace $0xD0000000  }
0x3: {  	_ = 	snop  }
0x4: {  	_ = 	snop  }
0x5: {  	_ = 	snop  }
0x6: {  	_ = 	snop  }
0x7: {  	_ = 	snop  }
__scs_overlays_trampoline_lowered:
0x8: {  	[smem:$0x3FA8] =	sst s0  }
0x9: {  	[smem:$0x3FA9] =	sst s1  }
0xa: {  	[smem:$0x3FAA] =	sst s2  }
0xb: {  	[smem:$0x3FAB] =	sst s3  }
0xc: {  	[smem:$0x3FAC] =	sst s4  }
0xd: {  	[smem:$0x3FAD] =	sst s5  }
0xe: {  	[smem:$0x3FAE] =	sst s6  }
0xf: {  	[smem:$0x3FAF] =	sst s7  }
0x10: {  	[smem:$0x3FB0] =	sst s8  }
0x11: {  	[smem:$0x3FB1] =	sst s9;
	s0 =	simm.s32 @!p0 $0x0  }
0x12: {  	s1 =	sld [smem:$0x3F97];
	s0 =	simm.s32 @p0 $0x1  }
0x13: {  	[smem:$0x3FB2] =	sst s0;
	s0 =	simm.s32 @!p1 $0x0  }
0x14: {  	s2 =	sld [smem:$0x3F96];
	s0 =	simm.s32 @p1 $0x1  }
0x15: {  	[smem:$0x3FB3] =	sst s0;
	s0 =	simm.s32 @!p2 $0x0  }
0x16: {  	s3 =	sld [smem:$0x3FDB];
	s0 =	simm.s32 @p2 $0x1  }
0x17: {  	s4 =	simm.s32 $0x1BF5;
	[smem:$0x3FB5] =	sst s0  }
0x18: {  	s0 =	sld [smem:$0x3F98];
	_ =	swait.ge [sflag:s4], $0x0  }
0x19: {  	s7 =	sld [smem:$0x3F99]  }
0x1a: {  	s8 =	sadd.s32 $0xFFFFE003, lr  }
0x1b: {  	s9 =	sadd.s32 $0xFFFFFEF7, lr;
	s5 =	simm.s32 $0xFFFFFFFF;
	p2 =	slt.u32 s8, $0xFFFFF086  }
0x1c: {  	p1 =	slt.u32 s9, $0xF7A;
	s5 =	simm.s32 @!p2 $0x0  }
0x1d: {  	s5 =	simm.s32 @p1 $0x1;
	p0 =	seq.s32 s7, s2  }
0x1e: {  	s7 =	smul.u32 @!p0 $0xF7A, s2;
	p2 =	seq.s32 @!p0 s5, $0x0  }
0x1f: {  	s9 =	smul.u32 $0xF7A, s1;
	s8 =	simm.s32 @!p0 $0x1BF5;
	p2 =	por !p2, p0  }
0x20: {  	[sflag:s8] =	ssyncset.s32 @!p0 $0xFFFFF086;
	s6 =	sadd.s32 @!p0 s3, s7;
	s7 =	simm.s32 @!p0 $0x108  }
0x21: {  	s3 =	sadd.s32 s3, s9;
	s6 =	sadd.s32 @!p0 $0x88, s6;
	s7 =	simm.s32 @p2 $0x1082  }
0x22: {  	[simem:s7], [sflag:s8] =	dma.local @!p0 [hbm:s6], $0xF7A  }
0x23: {  	s9 =	sor.u32 $0xD0000000, s2;
	s6 =	simm.s32 $0x108;
	_ =	swait.ge @!p0 [sflag:s8], $0x0  }
0x24: {  	s3 =	sadd.s32 $0x88, s3;
	s6 =	simm.s32 @!p1 $0x1082;
	[sflag:s4] =	ssyncset.s32 $0xFFFFF086  }
0x25: {  	[simem:s6], [sflag:s4] =	dma.local [hbm:s3], $0xF7A  }
0x26: {  	[smem:$0x3F99] =	sst s1;
	(tag) =	ssettag s2;
	_ =	strace s9  }
0x27: {  	s1 =	sld [smem:$0x3FA9]  }
0x28: {  	s2 =	sld [smem:$0x3FAA]  }
0x29: {  	s4 =	sld [smem:$0x3FAC]  }
0x2a: {  	p0 =	seq.s32 s5, $0x0;
	s5 =	sld [smem:$0x3FAD]  }
0x2b: {  	s6 =	sld [smem:$0x3FAE]  }
0x2c: {  	s7 =	sld [smem:$0x3FAF]  }
0x2d: {  	s3 =	simm.s32 $0x108;
	s8 =	sld [smem:$0x3FB0]  }
0x2e: {  	s3 =	simm.s32 @!p0 $0x1082;
	s9 =	sld [smem:$0x3FB1]  }
0x2f: {  	lr =	sadd.s32 s0, s3;
	s0 =	sld [smem:$0x3FA8]  }
0x30: {  	s3 =	sld [smem:$0x3FAB]  }
0x31: {  	[smem:$0x3FB4] =	sst s10  }
0x32: {  	s10 =	sld [smem:$0x3FB2];
	_ =	sdelay $0x3  }
0x33: {  	p0 =	seq.s32 s10, $0x1;
	s10 =	sld [smem:$0x3FB4];
	_ =	sdelay $0x3  }
0x34: {  	[smem:$0x3FB4] =	sst s10  }
0x35: {  	s10 =	sld [smem:$0x3FB3];
	_ =	sdelay $0x3  }
0x36: {  	p1 =	seq.s32 s10, $0x1;
	s10 =	sld [smem:$0x3FB4];
	_ =	sdelay $0x3  }
0x37: {  	[smem:$0x3FB4] =	sst s10  }
0x38: {  	s10 =	sld [smem:$0x3FB5]  }
0x39: {  	_ = 	snop;
	(pc) =	sbr.ind lr, $3  }
0x3a: {  	_ = 	snop  }
0x3b: {  	_ = 	snop  }
0x3c: {  	p2 =	seq.s32 s10, $0x1;
	s10 =	sld [smem:$0x3FB4]  }
0x3d: {  	_ =	shalt  }
0x3e: {  	_ =	shalt  }
0x3f: {  	_ =	shalt  }
0x40: {  	_ =	shalt  }
0x41: {  	_ =	shalt  }
0x42: {  	_ =	shalt  }
0x43: {  	_ =	shalt  }
0x44: {  	_ =	shalt  }
0x45: {  	_ =	shalt  }
0x46: {  	_ =	shalt  }
0x47: {  	_ =	shalt  }
0x48: {  	_ =	shalt  }
0x49: {  	_ =	shalt  }
0x4a: {  	_ =	shalt  }
0x4b: {  	_ =	shalt  }
0x4c: {  	_ =	shalt  }
0x4d: {  	_ =	shalt  }
0x4e: {  	_ =	shalt  }
0x4f: {  	_ =	shalt  }
0x50: {  	_ =	shalt  }
0x51: {  	_ =	shalt  }
0x52: {  	_ =	shalt  }
0x53: {  	_ =	shalt  }
0x54: {  	_ =	shalt  }
0x55: {  	_ =	shalt  }
0x56: {  	_ =	shalt  }
0x57: {  	_ =	shalt  }
0x58: {  	_ =	shalt  }
0x59: {  	_ =	shalt  }
0x5a: {  	_ =	shalt  }
0x5b: {  	_ =	shalt  }
0x5c: {  	_ =	shalt  }
0x5d: {  	_ =	shalt  }
0x5e: {  	_ =	shalt  }
0x5f: {  	_ =	shalt  }
0x60: {  	_ =	shalt  }
0x61: {  	_ =	shalt  }
0x62: {  	_ =	shalt  }
0x63: {  	_ =	shalt  }
0x64: {  	_ =	shalt  }
0x65: {  	_ =	shalt  }
0x66: {  	_ =	shalt  }
0x67: {  	_ =	shalt  }
0x68: {  	_ =	shalt  }
0x69: {  	_ =	shalt  }
0x6a: {  	_ =	shalt  }
0x6b: {  	_ =	shalt  }
0x6c: {  	_ =	shalt  }
0x6d: {  	_ =	shalt  }
0x6e: {  	_ =	shalt  }
0x6f: {  	_ =	shalt  }
0x70: {  	_ =	shalt  }
0x71: {  	_ =	shalt  }
0x72: {  	_ =	shalt  }
0x73: {  	_ =	shalt  }
0x74: {  	_ =	shalt  }
0x75: {  	_ =	shalt  }
0x76: {  	_ =	shalt  }
0x77: {  	_ =	shalt  }
0x78: {  	_ =	shalt  }
0x79: {  	_ =	shalt  }
0x7a: {  	_ =	shalt  }
0x7b: {  	_ =	shalt  }
0x7c: {  	_ =	shalt  }
0x7d: {  	_ =	shalt  }
0x7e: {  	_ =	shalt  }
0x7f: {  	_ =	shalt  }
0x80: {  	_ =	shalt  }
0x81: {  	_ =	shalt  }
0x82: {  	_ =	shalt  }
0x83: {  	_ =	shalt  }
0x84: {  	_ =	shalt  }
0x85: {  	_ =	shalt  }
0x86: {  	_ =	shalt  }
0x87: {  	_ =	shalt  }
.Lfunc_end0:
.L_simem_size_0:
called_computation_lowered:
.L_overlay_start_0:
0x88: {  	s2 =	sld [smem:$0x3FD9]  }
0x89: {  	s3 =	sld [smem:$0x3FFE];
	_ =	sdelay $0x1  }
0x8a: {  	s1 =	srdreg.scid  }
0x8b: {  	s0 =	sand.u32 $0x1, s1  }
0x8c: {  	s17 =	sshll.u32 s0, $0xA;
	s2 =	sadd.s32 s3, s2  }
0x8d: {  	s2 =	sadd.s32 s2, s17  }
0x8e: {  	[smem:$0x3FC0] =	sst s2  }
0x8f: {  	_ = 	snop  }
0x90: {  	(tm) =	ssettm $0x1  }
0x91: {  	s18 =	sld [smem:$0x3FFB];
	_ =	sdelay $0x3  }
0x92: {  	_ =	strace s18  }
0x93: {  	s2 =	sld [smem:$0x3FFC];
	_ =	sdelay $0x3  }
0x94: {  	_ =	strace s2  }
0x95: {  	s2 =	sld [smem:$0x3FFD];
	_ =	sdelay $0x3  }
0x96: {  	_ =	strace s2  }
0x97: {  	_ =	strace $0x8FFFFFFF  }
0x98: {  	s19 =	sld [smem:$0x3FDB];
	_ =	sdelay $0x1  }
0x99: {  	s20 =	simm.s32 $_scs_section_size  }
0x9a: {  	s4 =	simm.s32 $_size__tile_overlayer_lowered;
	s5 =	simm.s32 $_tile_overlayer_lowered  }
0x9b: {  	s6 =	simm.s32 $0x1BFF;
	s21 =	sshll.u32 s5, $0x1;
	s3 =	sadd.s32 s20, s19  }
0x9c: {  	s22 =	simm.s32 $0x0;
	s4 =	sshll.u32 s4, $0x1;
	s5 =	sadd.s32 s21, s3  }
0x9d: {  	[timem:s22], [sflag:s6] =	dma.local [hbm:s5], s4  }
0x9e: {  	_ =	swait.ge [sflag:s6], s4  }
0x9f: {  	s4 =	ssub.s32 $0x0, s4;
	[sflag:s6] =	ssyncset.done $0x0  }
0xa0: {  	[sflag:s6] =	ssyncadd.s32 s4;
	_ =	sdelay $0x1  }
0xa1: {  	s23 =	simm.s32 $0x1B8B  }
0xa2: {  	_ =	swait.ge [sflag:s23], $0x1  }
0xa3: {  	[sflag:s23] =	ssyncset.done $0x0  }
0xa4: {  	[sflag:s23] =	ssyncadd.s32 $0xFFFFFFFF  }
0xa5: {  	s4 =	sld [smem:$0x0]  }
0xa6: {  	s5 =	sand.u32 $0xFFFFFFFE, s1  }
0xa7: {  	p0 =	sne.s32 s1, s5  }
0xa8: {  	s5 =	sshll.u32 @p0 s5, $0xE  }
0xa9: {  	s5 =	sadd.s32 @p0 $0x11B8D, s5;
	s6 =	sshll.u32 @p0 s4, $0x11  }
0xaa: {  	s5 =	sor.u32 @p0 s6, s5  }
0xab: {  	[sflag:s5] =	ssyncadd.remote.s32 @p0 $0x1;
	_ =	sdelay $0x1  }
0xac: {  	s5 =	simm.s32 @p0 $0x1B8D  }
0xad: {  	_ =	swait.eq @p0 [sflag:s5], $0x1  }
0xae: {  	[sflag:s5] =	ssyncadd.s32 @p0 $0xFFFFFFFF  }
0xaf: {  	s6 =	sshll.u32 @!p0 s1, $0xE  }
0xb0: {  	s6 =	sor.u32 @!p0 $0x4000, s6;
	s5 =	simm.s32 @!p0 $0x1B8D  }
0xb1: {  	s4 =	sshll.u32 @!p0 s4, $0x11;
	s6 =	sadd.s32 @!p0 $0x11B8D, s6;
	_ =	swait.eq @!p0 [sflag:s5], $0x1  }
0xb2: {  	s4 =	sor.u32 @!p0 s4, s6;
	[sflag:s5] =	ssyncadd.s32 @!p0 $0xFFFFFFFF  }
0xb3: {  	s25 =	simm.s32 $0x1B8E;
	s24 =	sld [smem:$0x3FFE];
	[sflag:s4] =	ssyncadd.remote.s32 @!p0 $0x1  }
0xb4: {  	s26 =	simm.s32 $execute0_lowered;
	[smem:$0x3FD2] =	sst s25  }
0xb5: {  	s5 =	sshll.u32 s26, $0x1;
	_ =	strace $0x80000049;
	[dreg:$0x1] =	wrdreg $0xFFFFFFFF  }
0xb6: {  	s28 =	simm.s32 $_size_execute0_lowered;
	s3 =	sadd.s32 s3, s5;
	[dreg:$0x0] =	wrdreg $0x0  }
0xb7: {  	s5 =	sshll.u32 s28, $0x1;
	[dreg:$0x2] =	wrdreg s3  }
0xb8: {  	[dreg:$0x3] =	wrdreg s5  }
0xb9: {  	[dreg:$0x4] =	wrdreg $0xC0  }
0xba: {  	_ =	task [dreg:s22], $0x5FFFF  }
0xbb: {  	[dreg:$0x1] =	wrdreg $0xFFFFFFFF  }
0xbc: {  	[dreg:$0x0] =	wrdreg $0x60  }
0xbd: {  	[dreg:$0x2] =	wrdreg s24  }
0xbe: {  	[dreg:$0x3] =	wrdreg $0x68000  }
0xbf: {  	[dreg:$0x4] =	wrdreg $0x9  }
0xc0: {  	_ =	task.clear_ibuf [dreg:s22], $0x5FFFF;
	_ =	strace $0x90000049  }
0xc1: {  	s29 =	simm.s32 $0x9;
	_ =	strace $0x8000004B  }
0xc2: {  	_ =	swait.ge [sflag:s29], $0x1  }
0xc3: {  	[sflag:s29] =	ssyncadd.s32 $0xFFFFFFFF  }
0xc4: {  	_ =	strace $0x9000004B  }
0xc5: {  	_ =	sfence  }
0xc6: {  	s30 =	sld [smem:$0x0];
	_ =	sdelay $0x2  }
0xc7: {  	s31 =	sshll.u32 s1, $0xD;
	s1 =	sshrl.u32 s1, $0x2  }
0xc8: {  	s4 =	sand.u32 $0x4000, s31;
	s1 =	sadd.s32 s1, s30  }
0xc9: {  	s0 =	sor.u32 s4, s0;
	s1 =	sshll.u32 s1, $0x11  }
0xca: {  	s0 =	sor.u32 s1, s0  }
0xcb: {  	s0 =	sadd.s32 $0x8F2B, s0  }
0xcc: {  	[sflag:s0] =	ssyncadd.remote.s32 $0x1  }
0xcd: {  	_ =	sfence.sel $0xFFFF  }
0xce: {  	[dreg:$0x0] =	wrdreg $0xFFFFFFFF;
	(pc) =	sbr.abs _section_cstart, $3  }
0xcf: {  	[dreg:$0x1] =	wrdreg $0xFFFFFFFF  }
0xd0: {  	_ =	task.clear_ibuf [dreg:s22], $0x2FFFF;
	_ =	strace $0x9FFFFFFF  }
0xd1: {  	(tm) =	ssettm $0x7FFFFFFF  }
tec
execute0_lowered:
.L_overlay_start_1:
0x0: {  	(tag) =	ssettag $0x1  }
0x1: {  	s4 =	rddreg [dreg:$0x0]  }
0x2: {  	s2 =	rddreg [dreg:$0x1]  }
0x3: {  	s0 =	rddreg [dreg:$0x2];
	s3 =	simm.s32 $0x0;
	s5 =	srdreg.scid  }
0x4: {  	s1 =	stileid.u32;
	s19 =	simm.s32 $0x50;
	s20 =	simm.s32 $0x1  }
0x5: {  	s21 =	simm.s32 $0x0;
	[smem:$0x7FF] =	sst s3;
	s30 =	smul.u32 $0x4E000, s1  }
0x6: {  	s9 =	sand.u32 $0x1, s5;
	s14 =	sadd.s32 $0x73800, s4;
	s17 =	smul.u32 $0x13800, s1  }
0x7: {  	s12 =	sadd.s32 $0x138000, s2;
	s18 =	sshll.u32 s1, $0xC;
	p0 =	sne.s32 s1, $0xF  }
0x8: {  	_ =	strace $0x8000004A;
	s6 =	sshll.u32 s9, $0xB;
	s31 =	ssub.s32 $0x2, s9  }
0x9: {  	s15 =	smul.u32 $0x138800, s9;
	s5 =	sshrl.u32 s30, $0x2;
	s7 =	sshrl.u32 s31, $0x1  }
0xa: {  	s13 =	sadd.s32 s6, s4;
	s4 =	sadd.s32 s5, s2;
	s16 =	ssub.s32 s31, s7  }
0xb: {  	s13 =	sadd.s32 s18, s13;
	s17 =	sadd.s32 s17, s15;
	s15 =	sshrl.u32 s15, $0x3  }
0xc: {  	s18 =	simm.s32 $0x2;
	s5 =	sadd.s32 $0x2800, s4;
	s6 =	sadd.s32 $0x5000, s4  }
0xd: {  	s7 =	sadd.s32 $0x7800, s4;
	s8 =	sadd.s32 $0xA000, s4;
	s9 =	sadd.s32 $0xC800, s4  }
0xe: {  	s10 =	sadd.s32 $0xF000, s4;
	s11 =	sadd.s32 $0x11800, s4;
	s13 =	sadd.s32 $0x63800, s13  }
0xf: {  	s17 =	sshrl.u32 s17, $0x3;
	s15 =	sadd.s32 s14, s15;
	s16 =	smax.u32 s16, $0x1  }
0x10: {  	v0 =	vimm.f32 $0.0e+00;
	v1 =	vimm.f32 $1.000000000e+00;
	s14 =	sadd.s32 s14, s17;
	s15 =	sadd.s32 $0x27000, s15;
	s17 =	simm.s32 $0x4000  }
.LBB2_1:
0x11: {  	s22 =	sand.u32 $0xFE00, s3  }
0x12: {  	s23 =	sand.u32 $0x70, s3;
	s24 =	sshrl.u32 s22, $0x2  }
0x13: {  	s22 =	simm.s32 $0x40;
	s24 =	sor.u32 s23, s24;
	s23 =	simm.s32 $0x0  }
.LBB2_2:
0x14: {  	p1 =	sne.s32 s22, $0x9FC0  }
0x15: {  	[tilespmem:s24+$0x4000] =	vst v0;
	s23 =	sadd.s32 $0x10, s23;
	s24 =	smov.u32 s22;
	s22 =	sadd.s32 $0x40, s22  }
.Ltmp0:
0x16: {  	(pc) =	sbr.rel @p1 .LBB2_2-.Ltmp0, $4  }
0x17: {  	_ = 	snop  }
0x18: {  	s24 =	sand.u32 $0xFE00, s24  }
0x19: {  	s25 =	sand.u32 $0x70, s23;
	s24 =	sshrl.u32 s24, $0x2  }
0x1a: {  	s24 =	sor.u32 s25, s24  }
0x1b: {  	[tilespmem:s24+$0x4000] =	vst v0  }
0x1c: {  	[spmem:s4] =	stream.linear.scatter [tilespmem:s17], [sflag:$0x2], $0x2800, $0x38;
	[tilespmem:$0x1A080] =	vst v63  }
0x1d: {  	_ =	swait.ge [sflag:s18], $0x2800  }
0x1e: {  	[sflag:s18] =	ssyncset.done $0x0  }
0x1f: {  	[sflag:s18] =	ssyncadd.s32 $0xFFFFD800  }
0x20: {  	[spmem:s5] =	stream.linear.scatter [tilespmem:s17], [sflag:$0x2], $0x2800, $0x38;
	[tilespmem:$0x1A080] =	vst v63  }
0x21: {  	_ =	swait.ge [sflag:s18], $0x2800  }
0x22: {  	[sflag:s18] =	ssyncset.done $0x0  }
0x23: {  	[sflag:s18] =	ssyncadd.s32 $0xFFFFD800  }
0x24: {  	[spmem:s6] =	stream.linear.scatter [tilespmem:s17], [sflag:$0x2], $0x2800, $0x38;
	[tilespmem:$0x1A080] =	vst v63  }
0x25: {  	_ =	swait.ge [sflag:s18], $0x2800  }
0x26: {  	[sflag:s18] =	ssyncset.done $0x0  }
0x27: {  	[sflag:s18] =	ssyncadd.s32 $0xFFFFD800  }
0x28: {  	[spmem:s7] =	stream.linear.scatter [tilespmem:s17], [sflag:$0x2], $0x2800, $0x38;
	[tilespmem:$0x1A080] =	vst v63  }
0x29: {  	_ =	swait.ge [sflag:s18], $0x2800  }
0x2a: {  	[sflag:s18] =	ssyncset.done $0x0  }
0x2b: {  	[sflag:s18] =	ssyncadd.s32 $0xFFFFD800  }
0x2c: {  	[spmem:s8] =	stream.linear.scatter [tilespmem:s17], [sflag:$0x2], $0x2800, $0x38;
	[tilespmem:$0x1A080] =	vst v63  }
0x2d: {  	_ =	swait.ge [sflag:s18], $0x2800  }
0x2e: {  	[sflag:s18] =	ssyncset.done $0x0  }
0x2f: {  	[sflag:s18] =	ssyncadd.s32 $0xFFFFD800  }
0x30: {  	[spmem:s9] =	stream.linear.scatter [tilespmem:s17], [sflag:$0x2], $0x2800, $0x38;
	[tilespmem:$0x1A080] =	vst v63  }
0x31: {  	_ =	swait.ge [sflag:s18], $0x2800  }
0x32: {  	[sflag:s18] =	ssyncset.done $0x0  }
0x33: {  	[sflag:s18] =	ssyncadd.s32 $0xFFFFD800  }
0x34: {  	[spmem:s10] =	stream.linear.scatter [tilespmem:s17], [sflag:$0x2], $0x2800, $0x38;
	[tilespmem:$0x1A080] =	vst v63  }
0x35: {  	_ =	swait.ge [sflag:s18], $0x2800  }
0x36: {  	[sflag:s18] =	ssyncset.done $0x0  }
0x37: {  	[sflag:s18] =	ssyncadd.s32 $0xFFFFD800  }
0x38: {  	[spmem:s11] =	stream.linear.scatter [tilespmem:s17], [sflag:$0x2], $0x2000, $0x38;
	[tilespmem:$0x1A080] =	vst v63  }
0x39: {  	_ =	swait.ge [sflag:s18], $0x2000  }
0x3a: {  	[sflag:s18] =	ssyncset.done $0x0  }
0x3b: {  	s22 =	simm.s32 @!p0 $0x4000;
	[sflag:s18] =	ssyncadd.s32 $0xFFFFE000  }
0x3c: {  	[spmem:s12] =	stream.linear.scatter @!p0 [tilespmem:s22], [sflag:$0x2], $0x800, $0x38;
	[tilespmem:$0x1A080] =	vst v63  }
0x3d: {  	s23 =	simm.s32 @!p0 $0x2;
	s22 =	simm.s32 $0x0  }
0x3e: {  	_ =	swait.ge @!p0 [sflag:s23], $0x800;
	s31 =	sand.u32 $0xFE00, s22  }
0x3f: {  	s25 =	sand.u32 $0x70, s22;
	[sflag:s23] =	ssyncset.done @!p0 $0x0;
	s24 =	sshrl.u32 s31, $0x2  }
0x40: {  	[sflag:s23] =	ssyncadd.s32 @!p0 $0xFFFFF800;
	s23 =	simm.s32 $0x40;
	s24 =	sor.u32 s25, s24  }
.LBB2_4:
0x41: {  	p1 =	sne.s32 s23, $0x9FC0  }
0x42: {  	[tilespmem:s24+$0x4000] =	vst v1;
	s22 =	sadd.s32 $0x10, s22;
	s24 =	smov.u32 s23;
	s23 =	sadd.s32 $0x40, s23  }
.Ltmp1:
0x43: {  	(pc) =	sbr.rel @p1 .LBB2_4-.Ltmp1, $4  }
0x44: {  	_ = 	snop  }
0x45: {  	s24 =	sand.u32 $0xFE00, s24  }
0x46: {  	s25 =	sand.u32 $0x70, s22;
	s24 =	sshrl.u32 s24, $0x2  }
0x47: {  	s24 =	sor.u32 s25, s24  }
0x48: {  	[tilespmem:s24+$0x4000] =	vst v1;
	s22 =	simm.s32 $0x0  }
0x49: {  	[tilespmem:s22], [sflag:$0x2] =	stream.linear.gather [hbm4b:s13+s22], $0x3E80, $0x38;
	[tilespmem:$0x1A080] =	vst v63  }
0x4a: {  	_ =	swait.ge [sflag:s18], $0x3E80  }
0x4b: {  	[sflag:s18] =	ssyncset.done $0x0  }
0x4c: {  	p1 =	por $0x1, $0x1;
	[sflag:s18] =	ssyncadd.s32 $0xFFFFC180  }
0x4d: {  	s24 =	simm.s32 @!p1 $0x1;
	[bflag:$0x0] =	sbarrier.arrive $0xFFFF  }
0x4e: {  	_ =	swait.ge @!p1 [sflag:s24], $0x2800  }
0x4f: {  	[sflag:s24] =	ssyncset.done @!p1 $0x0  }
0x50: {  	s23 =	simm.s32 $0x1;
	[sflag:s24] =	ssyncadd.s32 @!p1 $0xFFFFD800;
	s24 =	simm.s32 $0x80  }
.LBB2_6:
0x51: {  	[spmem:s2] =	stream.indirect.scatter.add.f32 [tilespmem:s17], [sflag:$0x1], $0x80, s22, s19, $0xb8;
	[tilespmem:$0x1A080] =	vst v63  }
0x52: {  	p1 =	slt.u32 s23, $0x8;
	s23 =	sadd.s32 $0x1, s23  }
0x53: {  	p2 =	sne.s32 s23, $0x7D  }
.Ltmp2:
0x54: {  	(pc) =	sbr.rel @p2 .LBB2_6-.Ltmp2, $4  }
0x55: {  	s22 =	smov.u32 s24;
	s25 =	simm.s32 @!p1 $0x1  }
0x56: {  	_ =	swait.ge @!p1 [sflag:s25], $0x2800  }
0x57: {  	[sflag:s25] =	ssyncset.done @!p1 $0x0  }
0x58: {  	s24 =	sadd.s32 $0x80, s24;
	[sflag:s25] =	ssyncadd.s32 @!p1 $0xFFFFD800  }
0x59: {  	[spmem:s2] =	stream.indirect.scatter.add.f32 [tilespmem:s17], [sflag:$0x1], $0x80, s22, s19, $0xb8;
	[tilespmem:$0x1A080] =	vst v63  }
0x5a: {  	_ =	swait.ge [sflag:s20], $0x2800  }
0x5b: {  	[sflag:s20] =	ssyncset.done $0x0  }
0x5c: {  	[sflag:s20] =	ssyncadd.s32 $0xFFFFD800  }
0x5d: {  	_ =	swait.ge [sflag:s20], $0x2800  }
0x5e: {  	[sflag:s20] =	ssyncset.done $0x0  }
0x5f: {  	[sflag:s20] =	ssyncadd.s32 $0xFFFFD800  }
0x60: {  	_ =	swait.ge [sflag:s20], $0x2800  }
0x61: {  	[sflag:s20] =	ssyncset.done $0x0  }
0x62: {  	[sflag:s20] =	ssyncadd.s32 $0xFFFFD800  }
0x63: {  	_ =	swait.ge [sflag:s20], $0x2800  }
0x64: {  	[sflag:s20] =	ssyncset.done $0x0  }
0x65: {  	[sflag:s20] =	ssyncadd.s32 $0xFFFFD800  }
0x66: {  	_ =	swait.ge [sflag:s20], $0x2800  }
0x67: {  	[sflag:s20] =	ssyncset.done $0x0  }
0x68: {  	[sflag:s20] =	ssyncadd.s32 $0xFFFFD800  }
0x69: {  	_ =	swait.ge [sflag:s20], $0x2800  }
0x6a: {  	[sflag:s20] =	ssyncset.done $0x0  }
0x6b: {  	[sflag:s20] =	ssyncadd.s32 $0xFFFFD800  }
0x6c: {  	_ =	swait.ge [sflag:s20], $0x2800  }
0x6d: {  	[sflag:s20] =	ssyncset.done $0x0  }
0x6e: {  	[sflag:s20] =	ssyncadd.s32 $0xFFFFD800  }
0x6f: {  	_ =	swait.ge [sflag:s20], $0x2800  }
0x70: {  	[sflag:s20] =	ssyncset.done $0x0  }
0x71: {  	s31 =	sshll.u32 s1, $0x6;
	[sflag:s20] =	ssyncadd.s32 $0xFFFFD800  }
0x72: {  	s23 =	sshrl.u32 s4, $0x3;
	s22 =	sor.u32 $0x1C02, s31;
	[bflag:$0x0] =	sbarrier.arrive $0xFFFF  }
0x73: {  	[hbm:s14], [sflag:s22] =	dma.local [spmem:s23], $0x2700  }
0x74: {  	_ =	swait.ge [sflag:s18], $0x2700  }
0x75: {  	s21 =	sadd.s32 $0x1, s21;
	[sflag:s18] =	ssyncset.done $0x0  }
0x76: {  	p1 =	sne.s32 s21, s16;
	s23 =	sshrl.u32 @!p0 s12, $0x3;
	[sflag:s18] =	ssyncadd.s32 $0xFFFFD900  }
0x77: {  	[hbm:s15], [sflag:s22] =	dma.local @!p0 [spmem:s23], $0x100  }
.Ltmp3:
0x78: {  	_ = 	snop;
	(pc) =	sbr.rel @p1 .LBB2_1-.Ltmp3, $4  }
0x79: {  	s22 =	simm.s32 @!p0 $0x2  }
0x7a: {  	_ =	swait.ge @!p0 [sflag:s22], $0x100  }
0x7b: {  	[sflag:s22] =	ssyncset.done @!p0 $0x0  }
0x7c: {  	[sflag:s22] =	ssyncadd.s32 @!p0 $0xFFFFFF00  }
0x7d: {  	_ =	sfence.sel $0x180000  }
0x7e: {  	[bflag:$0x0] =	sbarrier.arrive $0xFFFF  }
0x7f: {  	p0 =	sne.s32 s1, $0x0;
	_ =	strace $0x9000004A  }
0x80: {  	s0 =	sadd.s32 @!p0 $0x100000, s0;
	[bflag:$0x2] =	sbarrier.arrive $0xFFFF  }
0x81: {  	[sflag:s0] =	ssyncadd.tile.s32 @!p0 $0x1;
	_ =	shalt  }
.Lfunc_end2:
_tile_overlayer_lowered:
.L_overlay_start_2:
0x82: {  	(tag) =	ssettag $0x2  }
0x83: {  	s0 =	rddreg [dreg:$0x0];
	s2 =	stileid.u32  }
0x84: {  	s1 =	rddreg [dreg:$0x1];
	p0 =	sne.s32 s2, $0x0  }
0x85: {  	s3 =	rddreg [dreg:$0x2];
	[bflag:$0x3] =	sbarrier.arrive $0xFFFF;
	s2 =	simm.s32 @!p0 $0x1C02  }
0x86: {  	[timem:s3], [sflag:s2] =	dma.local @!p0 [hbm:s0], s1  }
0x87: {  	s0 =	simm.s32 @!p0 $0x2  }
0x88: {  	_ =	swait.ge @!p0 [sflag:s0], s1  }
0x89: {  	s1 =	ssub.s32 @!p0 $0x0, s1;
	[sflag:s0] =	ssyncset.done @!p0 $0x0  }
0x8a: {  	[sflag:s0] =	ssyncadd.s32 @!p0 s1  }
0x8b: {  	[bflag:$0x3] =	sbarrier.arrive $0xFFFF  }
0x8c: {  	_ =	shalt  }

</sc_bundles>
